<compile_context>
chip_gen: v7x
topology: tpu7x:2x2x1
jax: 0.10.2.dev20260603
libtpu: 0.0.44.dev20260713+nightly
codegen_flags: <defaults>
</compile_context>

<pallas_src>
import jax
import jax.numpy as jnp
import numpy as np
from jax import lax
from jax.experimental import pallas as pl
from jax.experimental.pallas import tpu as pltpu
from jax.experimental.pallas import tpu_sc as plsc

N = 2097152
SPAN = 99997
MASK_THRESH = 419431

KM0, KM1 = 0x6D3E048F, 0x1022172D
KL0, KL1 = 0x8C1266AC, 0x45A3D6BE


def _i32(v):
    return jnp.int32(np.uint32(v).view(np.int32))


def _rotl(x, r):
    return lax.shift_left(x, jnp.int32(r)) | lax.shift_right_logical(
        x, jnp.int32(32 - r)
    )


_ROT_A = (13, 15, 26, 6)
_ROT_B = (17, 29, 16, 24)


def _threefry_bits(k0, k1, ctr):
    ks0 = _i32(k0)
    ks1 = _i32(k1)
    ks2 = _i32(np.uint32(k0) ^ np.uint32(k1) ^ np.uint32(0x1BD11BDA))
    ks = (ks0, ks1, ks2)
    x0 = jnp.full_like(ctr, ks0)
    x1 = ctr + ks1
    for g in range(5):
        rots = _ROT_A if g % 2 == 0 else _ROT_B
        for r in rots:
            x0 = x0 + x1
            x1 = _rotl(x1, r)
            x1 = x1 ^ x0
        x0 = x0 + ks[(g + 1) % 3]
        x1 = x1 + ks[(g + 2) % 3] + jnp.int32(g + 1)
    return x0 ^ x1


_GATHER_DN = lax.GatherDimensionNumbers(
    offset_dims=(), collapsed_slice_dims=(0,), start_index_map=(0,))


def _vgather(v, idx):
    return lax.gather(v, idx[:, None], _GATHER_DN, slice_sizes=(1,),
                      mode=lax.GatherScatterMode.PROMISE_IN_BOUNDS)


def _mod_span(x):
    xf = x.astype(jnp.float32) + jnp.where(x < 0, jnp.float32(4294967296.0), 0.0)
    q = (xf * jnp.float32(1.0 / SPAN)).astype(jnp.int32)
    r = x - q * jnp.int32(SPAN)
    r = r + jnp.where(r < 0, jnp.int32(SPAN), 0)
    r = r - jnp.where(r >= jnp.int32(SPAN), jnp.int32(SPAN), 0)
    return r


NW = 32
CHUNK = 4096
UNROLL = 4
CAP = 272

L_SC = 393216
L_TC = N - L_SC
SC_OFF = L_TC
SC_PER_W = L_SC // NW
TC_R = 256


def _sc_body(sample_hbm, out_hbm, buf, idxbuf, tokbuf, sem):
    wid = lax.axis_index("s") * 2 + lax.axis_index("c")
    lane = lax.iota(jnp.int32, 16)

    def chunk_step(t, carry):
        base = SC_OFF + wid * SC_PER_W + t * CHUNK
        pltpu.sync_copy(sample_hbm.at[pl.ds(base, CHUNK)], buf)

        def vreg_step(j, ptr):
            for u in range(UNROLL):
                off = (j * UNROLL + u) * 16
                ctr = lane + (base + off)
                s = buf[pl.ds(off, 16)]
                bm = _threefry_bits(KM0, KM1, ctr)
                m = (lax.shift_right_logical(bm, jnp.int32(9))
                     < jnp.int32(MASK_THRESH)) & (s > 2)
                mi = jnp.where(m, jnp.int32(1), jnp.int32(0))
                ps = mi
                for _sh in (1, 2, 4, 8):
                    sh_ps = _vgather(ps, jnp.maximum(lane - _sh, 0))
                    ps = ps + jnp.where(lane >= _sh, sh_ps, jnp.int32(0))
                l = jnp.zeros((16,), jnp.int32)
                tgt = lane + jnp.int32(1)
                for _sh in (8, 4, 2, 1):
                    t = l + jnp.int32(_sh)
                    probe = _vgather(ps, jnp.minimum(t - jnp.int32(1),
                                                     jnp.int32(15)))
                    l = jnp.where(probe < tgt, t, l)
                slidx = jnp.minimum(l, jnp.int32(15)) + off
                idxbuf[pl.ds(ptr, 16)] = slidx
                ptr = ptr + ps[15]
            return ptr

        cnt = lax.fori_loop(0, CHUNK // (16 * UNROLL), vreg_step, jnp.int32(0),
                            unroll=False)

        obase = base - SC_OFF
        pltpu.sync_copy(buf, out_hbm.at[pl.ds(obase, CHUNK)])

        nb = lax.shift_right_logical(cnt + jnp.int32(15), 4)
        zero16 = jnp.zeros((16,), jnp.int32)
        pad_idx = _vgather(idxbuf[pl.ds(0, 16)], zero16)

        def tok_step(b, carry2):
            lidx = idxbuf[pl.ds(b * 16, 16)]
            valid = (b * 16 + lane) < cnt
            gl = jnp.where(valid, lidx, pad_idx)
            tok = _mod_span(_threefry_bits(KL0, KL1, gl + base)) + jnp.int32(3)
            tokbuf[pl.ds(b * 16, 16)] = tok
            pltpu.async_copy(tokbuf.at[pl.ds(b * 16, 16)],
                             out_hbm.at[gl + obase], sem)
            return carry2

        lax.fori_loop(0, nb, tok_step, 0, unroll=False)

        def drain_step(b, carry2):
            pltpu.make_async_copy(
                tokbuf.at[pl.ds(0, 16)], out_hbm.at[lane], sem).wait()
            return carry2

        lax.fori_loop(0, nb, drain_step, 0, unroll=False)
        return carry

    lax.fori_loop(0, SC_PER_W // CHUNK, chunk_step, 0, unroll=False)


def _tc_body(x_ref, o_ref):
    i = pl.program_id(0)
    r0 = i * TC_R
    ctr = ((r0 + lax.broadcasted_iota(jnp.int32, (TC_R, 128), 0)) * 128
           + lax.broadcasted_iota(jnp.int32, (TC_R, 128), 1))
    s = x_ref[...]
    bm = _threefry_bits(KM0, KM1, ctr)
    m = (lax.shift_right_logical(bm, jnp.int32(9))
         < jnp.int32(MASK_THRESH)) & (s > 2)
    tok = _mod_span(_threefry_bits(KL0, KL1, ctr)) + jnp.int32(3)
    o_ref[...] = jnp.where(m, tok, s)


def _sc_call(sample):
    mesh = plsc.VectorSubcoreMesh(core_axis_name="c", subcore_axis_name="s")
    f = pl.kernel(
        _sc_body,
        mesh=mesh,
        out_type=jax.ShapeDtypeStruct((L_SC,), jnp.int32),
        scratch_types=[
            pltpu.VMEM((CHUNK,), jnp.int32),
            pltpu.VMEM((CAP,), jnp.int32),
            pltpu.VMEM((CAP,), jnp.int32),
            pltpu.SemaphoreType.DMA,
        ],
    )
    return f(sample)


def _tc_call(prefix2d):
    grid = (L_TC // (TC_R * 128),)
    return pl.pallas_call(
        _tc_body,
        grid=grid,
        in_specs=[pl.BlockSpec((TC_R, 128), lambda i: (i, 0))],
        out_specs=pl.BlockSpec((TC_R, 128), lambda i: (i, 0)),
        out_shape=jax.ShapeDtypeStruct((N // 128, 128), jnp.int32),
    )(prefix2d)


def _patch_body(tc_ref, sc_ref, o_ref):
    o_ref[...] = sc_ref[...]


_PR = 512


def _patch_call(tc_big2d, sc2d):
    return pl.pallas_call(
        _patch_body,
        grid=(L_SC // (_PR * 128),),
        in_specs=[
            pl.BlockSpec(memory_space=pl.ANY),
            pl.BlockSpec((_PR, 128), lambda i: (i, 0)),
        ],
        out_specs=pl.BlockSpec((_PR, 128),
                               lambda i: (i + L_TC // (_PR * 128), 0)),
        out_shape=jax.ShapeDtypeStruct((N // 128, 128), jnp.int32),
        input_output_aliases={0: 0},
    )(tc_big2d, sc2d)


@jax.jit
def kernel(sample):
    sc_out = _sc_call(sample)
    tc_out = _tc_call(sample[:L_TC].reshape(L_TC // 128, 128))
    out2d = _patch_call(tc_out, sc_out.reshape(L_SC // 128, 128))
    return out2d.reshape(N)

# --- scband reference (transcript-rebuilt; emitter-appended) ---
"""Pipeline reference for scband-simple-token-randomizer-16896401343178 (READ-ONLY COPY).

The authoritative reference and input builder live on the scoring server;
editing this copy changes nothing except your own understanding.
"""

import jax, jax.numpy as jnp
import numpy as np

VOCAB_SIZE = 100000
P = 0.05
EXCLUDE_TOKENS = (0, 1, 2)


def setup_inputs(seed: int = 0) -> dict:
    key = jax.random.key(seed)
    sample = jax.random.randint(key, (2097152,), 0, VOCAB_SIZE, dtype=jnp.int32)
    return {"sample": sample}


def reference(sample):
    # torch.multinomial over [1-p, p] with replacement == Bernoulli(p) per position
    key = jax.random.key(42)
    k_mask, k_rand = jax.random.split(key)
    mask = jax.random.bernoulli(k_mask, P, sample.shape).astype(jnp.int32)
    for token_id in EXCLUDE_TOKENS:
        mask = mask & (sample != token_id).astype(jnp.int32)
    random_seq_tokens = jax.random.randint(k_rand, sample.shape, 3, VOCAB_SIZE, dtype=sample.dtype)
    return jnp.where(mask.astype(bool), random_seq_tokens, sample)

if __name__ == "__main__":
    import jax
    _d = setup_inputs()
    print(jax.jit(kernel)(*tuple(_d.values())))

</pallas_src>

<mosaic_0001>
#map = affine_map<(d0, d1) -> (0)>
module attributes {stable_mosaic.version = 14 : i64} {
  func.func @_sc_body(%arg0: i32, %arg1: i32, %arg2: memref<2097152xi32, #tpu.memory_space<hbm>>, %arg3: memref<393216xi32, #tpu.memory_space<hbm>>, %arg4: memref<4096xi32, #tpu.memory_space<vmem>>, %arg5: memref<272xi32, #tpu.memory_space<vmem>>, %arg6: memref<272xi32, #tpu.memory_space<vmem>>, %arg7: memref<!tpu.dma_semaphore, #tpu.memory_space<semaphore_mem>>) attributes {dimension_semantics = [#tpu.dimension_semantics<core_parallel>, #tpu.dimension_semantics<subcore_parallel>], iteration_bounds = array<i64: 2, 16>, scalar_prefetch = 0 : i64, scratch_operands = 4 : i64, tpu.core_type = #tpu.core_type<sc_vector_subcore>, window_params = [{transform_indices = #map}, {transform_indices = #map}]} {
    %mul3A = arith.constant 2 : i32
    %mul3A_0 = arith.muli %arg1, %mul3A : i32
    %add3A = arith.addi %mul3A_0, %arg0 : i32
    %iota3A = tpu.iota {dimensions = array<i32: 0>} : vector<16xi32>
    %scan3A = arith.constant 0 : i32
    %scan3A_1 = arith.constant 0 : i32
    %scan3A_2 = arith.constant 3 : i32
    %scan3A_3 = arith.addi %scan3A_1, %scan3A_2 : i32
    %scan3A_4 = arith.constant 1 : i32
    scf.for %scan3A_6 = %scan3A_1 to %scan3A_3 step %scan3A_4  : i32 {
      %mul3A_7 = arith.constant 12288 : i32
      %mul3A_8 = arith.muli %add3A, %mul3A_7 : i32
      %add3A_9 = arith.constant 1703936 : i32
      %add3A_10 = arith.addi %add3A_9, %mul3A_8 : i32
      %mul3A_11 = arith.constant 4096 : i32
      %mul3A_12 = arith.muli %scan3A_6, %mul3A_11 : i32
      %add3A_13 = arith.addi %add3A_10, %mul3A_12 : i32
      "tpu.region"() ({
        %run_scoped3A = tpu.sem_alloc : memref<!tpu.dma_semaphore, #tpu.memory_space<semaphore_mem>>
        %dma_start3A = tpu.memref_slice %arg2[%add3A_13] : memref<2097152xi32, #tpu.memory_space<hbm>> -> memref<4096xi32, #tpu.memory_space<hbm>>
        %dma_start3A_49 = tpu.memref_slice %arg2[%add3A_13] : memref<2097152xi32, #tpu.memory_space<hbm>> -> memref<4096xi32, #tpu.memory_space<hbm>>
        tpu.enqueue_dma source(%dma_start3A_49 : memref<4096xi32, #tpu.memory_space<hbm>>) target(%arg4 : memref<4096xi32, #tpu.memory_space<vmem>>) target_semaphore(%run_scoped3A : memref<!tpu.dma_semaphore, #tpu.memory_space<semaphore_mem>>)
        %dma_wait3A = tpu.memref_slice %arg2[%add3A_13] : memref<2097152xi32, #tpu.memory_space<hbm>> -> memref<4096xi32, #tpu.memory_space<hbm>>
        %dma_wait3A_50 = tpu.memref_slice %arg2[%add3A_13] : memref<2097152xi32, #tpu.memory_space<hbm>> -> memref<4096xi32, #tpu.memory_space<hbm>>
        tpu.wait_dma2 semaphore(%run_scoped3A : memref<!tpu.dma_semaphore, #tpu.memory_space<semaphore_mem>>) src(%dma_wait3A_50 : memref<4096xi32, #tpu.memory_space<hbm>>) dst(%arg4 : memref<4096xi32, #tpu.memory_space<vmem>>)
        tpu.yield
      }) : () -> ()
      %scan3A_14 = arith.constant 0 : i32
      %scan3A_15 = arith.constant 0 : i32
      %scan3A_16 = arith.constant 64 : i32
      %scan3A_17 = arith.addi %scan3A_15, %scan3A_16 : i32
      %scan3A_18 = arith.constant 1 : i32
      %scan3A_19 = scf.for %scan3A_49 = %scan3A_15 to %scan3A_17 step %scan3A_18 iter_args(%scan3A_50 = %scan3A_14) -> (i32)  : i32 {
        %mul3A_51 = arith.constant 4 : i32
        %mul3A_52 = arith.muli %scan3A_49, %mul3A_51 : i32
        %add3A_53 = arith.constant 0 : i32
        %add3A_54 = arith.addi %mul3A_52, %add3A_53 : i32
        %mul3A_55 = arith.constant 16 : i32
        %mul3A_56 = arith.muli %add3A_54, %mul3A_55 : i32
        %add3A_57 = arith.addi %add3A_13, %mul3A_56 : i32
        %add3A_58 = vector.broadcast %add3A_57 : i32 to vector<16xi32>
        %add3A_59 = arith.addi %iota3A, %add3A_58 : vector<16xi32>
        %get3A_60 = arith.index_cast %mul3A_56 : i32 to index
        %get3A_61 = tpu.vector_load %arg4[%get3A_60] {strides = array<i32>} : memref<4096xi32, #tpu.memory_space<vmem>>, vector<16xi32>,
        %get3A_62 = vector.shape_cast %get3A_61 : vector<16xi32> to vector<16xi32>
        %broadcast_in_dim3A_63 = arith.constant 1832780943 : i32
        %broadcast_in_dim3A_64 = vector.broadcast %broadcast_in_dim3A_63 : i32 to vector<16xi32>
        %add3A_65 = arith.constant 270669613 : i32
        %add3A_66 = vector.broadcast %add3A_65 : i32 to vector<16xi32>
        %add3A_67 = arith.addi %add3A_59, %add3A_66 : vector<16xi32>
        %add3A_68 = arith.addi %broadcast_in_dim3A_64, %add3A_67 : vector<16xi32>
        %shift_left3A = arith.constant 13 : i32
        %shift_left3A_69 = vector.broadcast %shift_left3A : i32 to vector<16xi32>
        %shift_left3A_70 = arith.shli %add3A_67, %shift_left3A_69 : vector<16xi32>
        %shift_right_logical3A_71 = arith.constant 19 : i32
        %shift_right_logical3A_72 = vector.broadcast %shift_right_logical3A_71 : i32 to vector<16xi32>
        %shift_right_logical3A_73 = arith.shrui %add3A_67, %shift_right_logical3A_72 : vector<16xi32>
        %or3A = arith.ori %shift_left3A_70, %shift_right_logical3A_73 : vector<16xi32>
        %xor3A = arith.xori %or3A, %add3A_68 : vector<16xi32>
        %add3A_74 = arith.addi %add3A_68, %xor3A : vector<16xi32>
        %shift_left3A_75 = arith.constant 15 : i32
        %shift_left3A_76 = vector.broadcast %shift_left3A_75 : i32 to vector<16xi32>
        %shift_left3A_77 = arith.shli %xor3A, %shift_left3A_76 : vector<16xi32>
        %shift_right_logical3A_78 = arith.constant 17 : i32
        %shift_right_logical3A_79 = vector.broadcast %shift_right_logical3A_78 : i32 to vector<16xi32>
        %shift_right_logical3A_80 = arith.shrui %xor3A, %shift_right_logical3A_79 : vector<16xi32>
        %or3A_81 = arith.ori %shift_left3A_77, %shift_right_logical3A_80 : vector<16xi32>
        %xor3A_82 = arith.xori %or3A_81, %add3A_74 : vector<16xi32>
        %add3A_83 = arith.addi %add3A_74, %xor3A_82 : vector<16xi32>
        %shift_left3A_84 = arith.constant 26 : i32
        %shift_left3A_85 = vector.broadcast %shift_left3A_84 : i32 to vector<16xi32>
        %shift_left3A_86 = arith.shli %xor3A_82, %shift_left3A_85 : vector<16xi32>
        %shift_right_logical3A_87 = arith.constant 6 : i32
        %shift_right_logical3A_88 = vector.broadcast %shift_right_logical3A_87 : i32 to vector<16xi32>
        %shift_right_logical3A_89 = arith.shrui %xor3A_82, %shift_right_logical3A_88 : vector<16xi32>
        %or3A_90 = arith.ori %shift_left3A_86, %shift_right_logical3A_89 : vector<16xi32>
        %xor3A_91 = arith.xori %or3A_90, %add3A_83 : vector<16xi32>
        %add3A_92 = arith.addi %add3A_83, %xor3A_91 : vector<16xi32>
        %shift_left3A_93 = arith.constant 6 : i32
        %shift_left3A_94 = vector.broadcast %shift_left3A_93 : i32 to vector<16xi32>
        %shift_left3A_95 = arith.shli %xor3A_91, %shift_left3A_94 : vector<16xi32>
        %shift_right_logical3A_96 = arith.constant 26 : i32
        %shift_right_logical3A_97 = vector.broadcast %shift_right_logical3A_96 : i32 to vector<16xi32>
        %shift_right_logical3A_98 = arith.shrui %xor3A_91, %shift_right_logical3A_97 : vector<16xi32>
        %or3A_99 = arith.ori %shift_left3A_95, %shift_right_logical3A_98 : vector<16xi32>
        %xor3A_100 = arith.xori %or3A_99, %add3A_92 : vector<16xi32>
        %add3A_101 = arith.constant 270669613 : i32
        %add3A_102 = vector.broadcast %add3A_101 : i32 to vector<16xi32>
        %add3A_103 = arith.addi %add3A_92, %add3A_102 : vector<16xi32>
        %add3A_104 = arith.constant 1724713080 : i32
        %add3A_105 = vector.broadcast %add3A_104 : i32 to vector<16xi32>
        %add3A_106 = arith.addi %xor3A_100, %add3A_105 : vector<16xi32>
        %add3A_107 = arith.constant 1 : i32
        %add3A_108 = vector.broadcast %add3A_107 : i32 to vector<16xi32>
        %add3A_109 = arith.addi %add3A_106, %add3A_108 : vector<16xi32>
        %add3A_110 = arith.addi %add3A_103, %add3A_109 : vector<16xi32>
        %shift_left3A_111 = arith.constant 17 : i32
        %shift_left3A_112 = vector.broadcast %shift_left3A_111 : i32 to vector<16xi32>
        %shift_left3A_113 = arith.shli %add3A_109, %shift_left3A_112 : vector<16xi32>
        %shift_right_logical3A_114 = arith.constant 15 : i32
        %shift_right_logical3A_115 = vector.broadcast %shift_right_logical3A_114 : i32 to vector<16xi32>
        %shift_right_logical3A_116 = arith.shrui %add3A_109, %shift_right_logical3A_115 : vector<16xi32>
        %or3A_117 = arith.ori %shift_left3A_113, %shift_right_logical3A_116 : vector<16xi32>
        %xor3A_118 = arith.xori %or3A_117, %add3A_110 : vector<16xi32>
        %add3A_119 = arith.addi %add3A_110, %xor3A_118 : vector<16xi32>
        %shift_left3A_120 = arith.constant 29 : i32
        %shift_left3A_121 = vector.broadcast %shift_left3A_120 : i32 to vector<16xi32>
        %shift_left3A_122 = arith.shli %xor3A_118, %shift_left3A_121 : vector<16xi32>
        %shift_right_logical3A_123 = arith.constant 3 : i32
        %shift_right_logical3A_124 = vector.broadcast %shift_right_logical3A_123 : i32 to vector<16xi32>
        %shift_right_logical3A_125 = arith.shrui %xor3A_118, %shift_right_logical3A_124 : vector<16xi32>
        %or3A_126 = arith.ori %shift_left3A_122, %shift_right_logical3A_125 : vector<16xi32>
        %xor3A_127 = arith.xori %or3A_126, %add3A_119 : vector<16xi32>
        %add3A_128 = arith.addi %add3A_119, %xor3A_127 : vector<16xi32>
        %shift_left3A_129 = arith.constant 16 : i32
        %shift_left3A_130 = vector.broadcast %shift_left3A_129 : i32 to vector<16xi32>
        %shift_left3A_131 = arith.shli %xor3A_127, %shift_left3A_130 : vector<16xi32>
        %shift_right_logical3A_132 = arith.constant 16 : i32
        %shift_right_logical3A_133 = vector.broadcast %shift_right_logical3A_132 : i32 to vector<16xi32>
        %shift_right_logical3A_134 = arith.shrui %xor3A_127, %shift_right_logical3A_133 : vector<16xi32>
        %or3A_135 = arith.ori %shift_left3A_131, %shift_right_logical3A_134 : vector<16xi32>
        %xor3A_136 = arith.xori %or3A_135, %add3A_128 : vector<16xi32>
        %add3A_137 = arith.addi %add3A_128, %xor3A_136 : vector<16xi32>
        %shift_left3A_138 = arith.constant 24 : i32
        %shift_left3A_139 = vector.broadcast %shift_left3A_138 : i32 to vector<16xi32>
        %shift_left3A_140 = arith.shli %xor3A_136, %shift_left3A_139 : vector<16xi32>
        %shift_right_logical3A_141 = arith.constant 8 : i32
        %shift_right_logical3A_142 = vector.broadcast %shift_right_logical3A_141 : i32 to vector<16xi32>
        %shift_right_logical3A_143 = arith.shrui %xor3A_136, %shift_right_logical3A_142 : vector<16xi32>
        %or3A_144 = arith.ori %shift_left3A_140, %shift_right_logical3A_143 : vector<16xi32>
        %xor3A_145 = arith.xori %or3A_144, %add3A_137 : vector<16xi32>
        %add3A_146 = arith.constant 1724713080 : i32
        %add3A_147 = vector.broadcast %add3A_146 : i32 to vector<16xi32>
        %add3A_148 = arith.addi %add3A_137, %add3A_147 : vector<16xi32>
        %add3A_149 = arith.constant 1832780943 : i32
        %add3A_150 = vector.broadcast %add3A_149 : i32 to vector<16xi32>
        %add3A_151 = arith.addi %xor3A_145, %add3A_150 : vector<16xi32>
        %add3A_152 = arith.constant 2 : i32
        %add3A_153 = vector.broadcast %add3A_152 : i32 to vector<16xi32>
        %add3A_154 = arith.addi %add3A_151, %add3A_153 : vector<16xi32>
        %add3A_155 = arith.addi %add3A_148, %add3A_154 : vector<16xi32>
        %shift_left3A_156 = arith.constant 13 : i32
        %shift_left3A_157 = vector.broadcast %shift_left3A_156 : i32 to vector<16xi32>
        %shift_left3A_158 = arith.shli %add3A_154, %shift_left3A_157 : vector<16xi32>
        %shift_right_logical3A_159 = arith.constant 19 : i32
        %shift_right_logical3A_160 = vector.broadcast %shift_right_logical3A_159 : i32 to vector<16xi32>
        %shift_right_logical3A_161 = arith.shrui %add3A_154, %shift_right_logical3A_160 : vector<16xi32>
        %or3A_162 = arith.ori %shift_left3A_158, %shift_right_logical3A_161 : vector<16xi32>
        %xor3A_163 = arith.xori %or3A_162, %add3A_155 : vector<16xi32>
        %add3A_164 = arith.addi %add3A_155, %xor3A_163 : vector<16xi32>
        %shift_left3A_165 = arith.constant 15 : i32
        %shift_left3A_166 = vector.broadcast %shift_left3A_165 : i32 to vector<16xi32>
        %shift_left3A_167 = arith.shli %xor3A_163, %shift_left3A_166 : vector<16xi32>
        %shift_right_logical3A_168 = arith.constant 17 : i32
        %shift_right_logical3A_169 = vector.broadcast %shift_right_logical3A_168 : i32 to vector<16xi32>
        %shift_right_logical3A_170 = arith.shrui %xor3A_163, %shift_right_logical3A_169 : vector<16xi32>
        %or3A_171 = arith.ori %shift_left3A_167, %shift_right_logical3A_170 : vector<16xi32>
        %xor3A_172 = arith.xori %or3A_171, %add3A_164 : vector<16xi32>
        %add3A_173 = arith.addi %add3A_164, %xor3A_172 : vector<16xi32>
        %shift_left3A_174 = arith.constant 26 : i32
        %shift_left3A_175 = vector.broadcast %shift_left3A_174 : i32 to vector<16xi32>
        %shift_left3A_176 = arith.shli %xor3A_172, %shift_left3A_175 : vector<16xi32>
        %shift_right_logical3A_177 = arith.constant 6 : i32
        %shift_right_logical3A_178 = vector.broadcast %shift_right_logical3A_177 : i32 to vector<16xi32>
        %shift_right_logical3A_179 = arith.shrui %xor3A_172, %shift_right_logical3A_178 : vector<16xi32>
        %or3A_180 = arith.ori %shift_left3A_176, %shift_right_logical3A_179 : vector<16xi32>
        %xor3A_181 = arith.xori %or3A_180, %add3A_173 : vector<16xi32>
        %add3A_182 = arith.addi %add3A_173, %xor3A_181 : vector<16xi32>
        %shift_left3A_183 = arith.constant 6 : i32
        %shift_left3A_184 = vector.broadcast %shift_left3A_183 : i32 to vector<16xi32>
        %shift_left3A_185 = arith.shli %xor3A_181, %shift_left3A_184 : vector<16xi32>
        %shift_right_logical3A_186 = arith.constant 26 : i32
        %shift_right_logical3A_187 = vector.broadcast %shift_right_logical3A_186 : i32 to vector<16xi32>
        %shift_right_logical3A_188 = arith.shrui %xor3A_181, %shift_right_logical3A_187 : vector<16xi32>
        %or3A_189 = arith.ori %shift_left3A_185, %shift_right_logical3A_188 : vector<16xi32>
        %xor3A_190 = arith.xori %or3A_189, %add3A_182 : vector<16xi32>
        %add3A_191 = arith.constant 1832780943 : i32
        %add3A_192 = vector.broadcast %add3A_191 : i32 to vector<16xi32>
        %add3A_193 = arith.addi %add3A_182, %add3A_192 : vector<16xi32>
        %add3A_194 = arith.constant 270669613 : i32
        %add3A_195 = vector.broadcast %add3A_194 : i32 to vector<16xi32>
        %add3A_196 = arith.addi %xor3A_190, %add3A_195 : vector<16xi32>
        %add3A_197 = arith.constant 3 : i32
        %add3A_198 = vector.broadcast %add3A_197 : i32 to vector<16xi32>
        %add3A_199 = arith.addi %add3A_196, %add3A_198 : vector<16xi32>
        %add3A_200 = arith.addi %add3A_193, %add3A_199 : vector<16xi32>
        %shift_left3A_201 = arith.constant 17 : i32
        %shift_left3A_202 = vector.broadcast %shift_left3A_201 : i32 to vector<16xi32>
        %shift_left3A_203 = arith.shli %add3A_199, %shift_left3A_202 : vector<16xi32>
        %shift_right_logical3A_204 = arith.constant 15 : i32
        %shift_right_logical3A_205 = vector.broadcast %shift_right_logical3A_204 : i32 to vector<16xi32>
        %shift_right_logical3A_206 = arith.shrui %add3A_199, %shift_right_logical3A_205 : vector<16xi32>
        %or3A_207 = arith.ori %shift_left3A_203, %shift_right_logical3A_206 : vector<16xi32>
        %xor3A_208 = arith.xori %or3A_207, %add3A_200 : vector<16xi32>
        %add3A_209 = arith.addi %add3A_200, %xor3A_208 : vector<16xi32>
        %shift_left3A_210 = arith.constant 29 : i32
        %shift_left3A_211 = vector.broadcast %shift_left3A_210 : i32 to vector<16xi32>
        %shift_left3A_212 = arith.shli %xor3A_208, %shift_left3A_211 : vector<16xi32>
        %shift_right_logical3A_213 = arith.constant 3 : i32
        %shift_right_logical3A_214 = vector.broadcast %shift_right_logical3A_213 : i32 to vector<16xi32>
        %shift_right_logical3A_215 = arith.shrui %xor3A_208, %shift_right_logical3A_214 : vector<16xi32>
        %or3A_216 = arith.ori %shift_left3A_212, %shift_right_logical3A_215 : vector<16xi32>
        %xor3A_217 = arith.xori %or3A_216, %add3A_209 : vector<16xi32>
        %add3A_218 = arith.addi %add3A_209, %xor3A_217 : vector<16xi32>
        %shift_left3A_219 = arith.constant 16 : i32
        %shift_left3A_220 = vector.broadcast %shift_left3A_219 : i32 to vector<16xi32>
        %shift_left3A_221 = arith.shli %xor3A_217, %shift_left3A_220 : vector<16xi32>
        %shift_right_logical3A_222 = arith.constant 16 : i32
        %shift_right_logical3A_223 = vector.broadcast %shift_right_logical3A_222 : i32 to vector<16xi32>
        %shift_right_logical3A_224 = arith.shrui %xor3A_217, %shift_right_logical3A_223 : vector<16xi32>
        %or3A_225 = arith.ori %shift_left3A_221, %shift_right_logical3A_224 : vector<16xi32>
        %xor3A_226 = arith.xori %or3A_225, %add3A_218 : vector<16xi32>
        %add3A_227 = arith.addi %add3A_218, %xor3A_226 : vector<16xi32>
        %shift_left3A_228 = arith.constant 24 : i32
        %shift_left3A_229 = vector.broadcast %shift_left3A_228 : i32 to vector<16xi32>
        %shift_left3A_230 = arith.shli %xor3A_226, %shift_left3A_229 : vector<16xi32>
        %shift_right_logical3A_231 = arith.constant 8 : i32
        %shift_right_logical3A_232 = vector.broadcast %shift_right_logical3A_231 : i32 to vector<16xi32>
        %shift_right_logical3A_233 = arith.shrui %xor3A_226, %shift_right_logical3A_232 : vector<16xi32>
        %or3A_234 = arith.ori %shift_left3A_230, %shift_right_logical3A_233 : vector<16xi32>
        %xor3A_235 = arith.xori %or3A_234, %add3A_227 : vector<16xi32>
        %add3A_236 = arith.constant 270669613 : i32
        %add3A_237 = vector.broadcast %add3A_236 : i32 to vector<16xi32>
        %add3A_238 = arith.addi %add3A_227, %add3A_237 : vector<16xi32>
        %add3A_239 = arith.constant 1724713080 : i32
        %add3A_240 = vector.broadcast %add3A_239 : i32 to vector<16xi32>
        %add3A_241 = arith.addi %xor3A_235, %add3A_240 : vector<16xi32>
        %add3A_242 = arith.constant 4 : i32
        %add3A_243 = vector.broadcast %add3A_242 : i32 to vector<16xi32>
        %add3A_244 = arith.addi %add3A_241, %add3A_243 : vector<16xi32>
        %add3A_245 = arith.addi %add3A_238, %add3A_244 : vector<16xi32>
        %shift_left3A_246 = arith.constant 13 : i32
        %shift_left3A_247 = vector.broadcast %shift_left3A_246 : i32 to vector<16xi32>
        %shift_left3A_248 = arith.shli %add3A_244, %shift_left3A_247 : vector<16xi32>
        %shift_right_logical3A_249 = arith.constant 19 : i32
        %shift_right_logical3A_250 = vector.broadcast %shift_right_logical3A_249 : i32 to vector<16xi32>
        %shift_right_logical3A_251 = arith.shrui %add3A_244, %shift_right_logical3A_250 : vector<16xi32>
        %or3A_252 = arith.ori %shift_left3A_248, %shift_right_logical3A_251 : vector<16xi32>
        %xor3A_253 = arith.xori %or3A_252, %add3A_245 : vector<16xi32>
        %add3A_254 = arith.addi %add3A_245, %xor3A_253 : vector<16xi32>
        %shift_left3A_255 = arith.constant 15 : i32
        %shift_left3A_256 = vector.broadcast %shift_left3A_255 : i32 to vector<16xi32>
        %shift_left3A_257 = arith.shli %xor3A_253, %shift_left3A_256 : vector<16xi32>
        %shift_right_logical3A_258 = arith.constant 17 : i32
        %shift_right_logical3A_259 = vector.broadcast %shift_right_logical3A_258 : i32 to vector<16xi32>
        %shift_right_logical3A_260 = arith.shrui %xor3A_253, %shift_right_logical3A_259 : vector<16xi32>
        %or3A_261 = arith.ori %shift_left3A_257, %shift_right_logical3A_260 : vector<16xi32>
        %xor3A_262 = arith.xori %or3A_261, %add3A_254 : vector<16xi32>
        %add3A_263 = arith.addi %add3A_254, %xor3A_262 : vector<16xi32>
        %shift_left3A_264 = arith.constant 26 : i32
        %shift_left3A_265 = vector.broadcast %shift_left3A_264 : i32 to vector<16xi32>
        %shift_left3A_266 = arith.shli %xor3A_262, %shift_left3A_265 : vector<16xi32>
        %shift_right_logical3A_267 = arith.constant 6 : i32
        %shift_right_logical3A_268 = vector.broadcast %shift_right_logical3A_267 : i32 to vector<16xi32>
        %shift_right_logical3A_269 = arith.shrui %xor3A_262, %shift_right_logical3A_268 : vector<16xi32>
        %or3A_270 = arith.ori %shift_left3A_266, %shift_right_logical3A_269 : vector<16xi32>
        %xor3A_271 = arith.xori %or3A_270, %add3A_263 : vector<16xi32>
        %add3A_272 = arith.addi %add3A_263, %xor3A_271 : vector<16xi32>
        %shift_left3A_273 = arith.constant 6 : i32
        %shift_left3A_274 = vector.broadcast %shift_left3A_273 : i32 to vector<16xi32>
        %shift_left3A_275 = arith.shli %xor3A_271, %shift_left3A_274 : vector<16xi32>
        %shift_right_logical3A_276 = arith.constant 26 : i32
        %shift_right_logical3A_277 = vector.broadcast %shift_right_logical3A_276 : i32 to vector<16xi32>
        %shift_right_logical3A_278 = arith.shrui %xor3A_271, %shift_right_logical3A_277 : vector<16xi32>
        %or3A_279 = arith.ori %shift_left3A_275, %shift_right_logical3A_278 : vector<16xi32>
        %xor3A_280 = arith.xori %or3A_279, %add3A_272 : vector<16xi32>
        %add3A_281 = arith.constant 1724713080 : i32
        %add3A_282 = vector.broadcast %add3A_281 : i32 to vector<16xi32>
        %add3A_283 = arith.addi %add3A_272, %add3A_282 : vector<16xi32>
        %add3A_284 = arith.constant 1832780943 : i32
        %add3A_285 = vector.broadcast %add3A_284 : i32 to vector<16xi32>
        %add3A_286 = arith.addi %xor3A_280, %add3A_285 : vector<16xi32>
        %add3A_287 = arith.constant 5 : i32
        %add3A_288 = vector.broadcast %add3A_287 : i32 to vector<16xi32>
        %add3A_289 = arith.addi %add3A_286, %add3A_288 : vector<16xi32>
        %xor3A_290 = arith.xori %add3A_283, %add3A_289 : vector<16xi32>
        %shift_right_logical3A_291 = arith.constant 9 : i32
        %shift_right_logical3A_292 = vector.broadcast %shift_right_logical3A_291 : i32 to vector<16xi32>
        %shift_right_logical3A_293 = arith.shrui %xor3A_290, %shift_right_logical3A_292 : vector<16xi32>
        %lt3A = arith.constant 419431 : i32
        %lt3A_294 = vector.broadcast %lt3A : i32 to vector<16xi32>
        %lt3A_295 = arith.cmpi slt, %shift_right_logical3A_293, %lt3A_294 : vector<16xi32>
        %gt3A = arith.constant 2 : i32
        %gt3A_296 = vector.broadcast %gt3A : i32 to vector<16xi32>
        %gt3A_297 = arith.cmpi sgt, %get3A_62, %gt3A_296 : vector<16xi32>
        %and3A = arith.andi %lt3A_295, %gt3A_297 : vector<16xi1>
        %jit3A = arith.constant 1 : i32
        %jit3A_298 = arith.constant 0 : i32
        %broadcast_in_dim3A_299 = vector.broadcast %jit3A : i32 to vector<16xi32>
        %broadcast_in_dim3A_300 = vector.broadcast %jit3A_298 : i32 to vector<16xi32>
        %select_n3A = arith.select %and3A, %broadcast_in_dim3A_299, %broadcast_in_dim3A_300 : vector<16xi1>, vector<16xi32>
        %sub3A_301 = arith.constant 1 : i32
        %sub3A_302 = vector.broadcast %sub3A_301 : i32 to vector<16xi32>
        %sub3A_303 = arith.subi %iota3A, %sub3A_302 : vector<16xi32>
        %max3A = arith.constant 0 : i32
        %max3A_304 = vector.broadcast %max3A : i32 to vector<16xi32>
        %max3A_305 = arith.maxsi %sub3A_303, %max3A_304 : vector<16xi32>
        %broadcast_in_dim3A_306 = vector.shape_cast %max3A_305 : vector<16xi32> to vector<16x1xi32>
        %gather3A_307 = vector.shape_cast %broadcast_in_dim3A_306 : vector<16x1xi32> to vector<16xi32>
        %gather3A_308 = tpu.dynamic_gather %select_n3A[%gather3A_307] in [0] : vector<16xi32>, vector<16xi32> -> vector<16xi32>
        %ge3A = arith.constant 1 : i32
        %ge3A_309 = vector.broadcast %ge3A : i32 to vector<16xi32>
        %ge3A_310 = arith.cmpi sge, %iota3A, %ge3A_309 : vector<16xi32>
        %jit3A_311 = arith.constant 0 : i32
        %broadcast_in_dim3A_312 = vector.broadcast %jit3A_311 : i32 to vector<16xi32>
        %select_n3A_313 = arith.select %ge3A_310, %gather3A_308, %broadcast_in_dim3A_312 : vector<16xi1>, vector<16xi32>
        %add3A_314 = arith.addi %select_n3A, %select_n3A_313 : vector<16xi32>
        %sub3A_315 = arith.constant 2 : i32
        %sub3A_316 = vector.broadcast %sub3A_315 : i32 to vector<16xi32>
        %sub3A_317 = arith.subi %iota3A, %sub3A_316 : vector<16xi32>
        %max3A_318 = arith.constant 0 : i32
        %max3A_319 = vector.broadcast %max3A_318 : i32 to vector<16xi32>
        %max3A_320 = arith.maxsi %sub3A_317, %max3A_319 : vector<16xi32>
        %broadcast_in_dim3A_321 = vector.shape_cast %max3A_320 : vector<16xi32> to vector<16x1xi32>
        %gather3A_322 = vector.shape_cast %broadcast_in_dim3A_321 : vector<16x1xi32> to vector<16xi32>
        %gather3A_323 = tpu.dynamic_gather %add3A_314[%gather3A_322] in [0] : vector<16xi32>, vector<16xi32> -> vector<16xi32>
        %ge3A_324 = arith.constant 2 : i32
        %ge3A_325 = vector.broadcast %ge3A_324 : i32 to vector<16xi32>
        %ge3A_326 = arith.cmpi sge, %iota3A, %ge3A_325 : vector<16xi32>
        %jit3A_327 = arith.constant 0 : i32
        %broadcast_in_dim3A_328 = vector.broadcast %jit3A_327 : i32 to vector<16xi32>
        %select_n3A_329 = arith.select %ge3A_326, %gather3A_323, %broadcast_in_dim3A_328 : vector<16xi1>, vector<16xi32>
        %add3A_330 = arith.addi %add3A_314, %select_n3A_329 : vector<16xi32>
        %sub3A_331 = arith.constant 4 : i32
        %sub3A_332 = vector.broadcast %sub3A_331 : i32 to vector<16xi32>
        %sub3A_333 = arith.subi %iota3A, %sub3A_332 : vector<16xi32>
        %max3A_334 = arith.constant 0 : i32
        %max3A_335 = vector.broadcast %max3A_334 : i32 to vector<16xi32>
        %max3A_336 = arith.maxsi %sub3A_333, %max3A_335 : vector<16xi32>
        %broadcast_in_dim3A_337 = vector.shape_cast %max3A_336 : vector<16xi32> to vector<16x1xi32>
        %gather3A_338 = vector.shape_cast %broadcast_in_dim3A_337 : vector<16x1xi32> to vector<16xi32>
        %gather3A_339 = tpu.dynamic_gather %add3A_330[%gather3A_338] in [0] : vector<16xi32>, vector<16xi32> -> vector<16xi32>
        %ge3A_340 = arith.constant 4 : i32
        %ge3A_341 = vector.broadcast %ge3A_340 : i32 to vector<16xi32>
        %ge3A_342 = arith.cmpi sge, %iota3A, %ge3A_341 : vector<16xi32>
        %jit3A_343 = arith.constant 0 : i32
        %broadcast_in_dim3A_344 = vector.broadcast %jit3A_343 : i32 to vector<16xi32>
        %select_n3A_345 = arith.select %ge3A_342, %gather3A_339, %broadcast_in_dim3A_344 : vector<16xi1>, vector<16xi32>
        %add3A_346 = arith.addi %add3A_330, %select_n3A_345 : vector<16xi32>
        %sub3A_347 = arith.constant 8 : i32
        %sub3A_348 = vector.broadcast %sub3A_347 : i32 to vector<16xi32>
        %sub3A_349 = arith.subi %iota3A, %sub3A_348 : vector<16xi32>
        %max3A_350 = arith.constant 0 : i32
        %max3A_351 = vector.broadcast %max3A_350 : i32 to vector<16xi32>
        %max3A_352 = arith.maxsi %sub3A_349, %max3A_351 : vector<16xi32>
        %broadcast_in_dim3A_353 = vector.shape_cast %max3A_352 : vector<16xi32> to vector<16x1xi32>
        %gather3A_354 = vector.shape_cast %broadcast_in_dim3A_353 : vector<16x1xi32> to vector<16xi32>
        %gather3A_355 = tpu.dynamic_gather %add3A_346[%gather3A_354] in [0] : vector<16xi32>, vector<16xi32> -> vector<16xi32>
        %ge3A_356 = arith.constant 8 : i32
        %ge3A_357 = vector.broadcast %ge3A_356 : i32 to vector<16xi32>
        %ge3A_358 = arith.cmpi sge, %iota3A, %ge3A_357 : vector<16xi32>
        %jit3A_359 = arith.constant 0 : i32
        %broadcast_in_dim3A_360 = vector.broadcast %jit3A_359 : i32 to vector<16xi32>
        %select_n3A_361 = arith.select %ge3A_358, %gather3A_355, %broadcast_in_dim3A_360 : vector<16xi1>, vector<16xi32>
        %add3A_362 = arith.addi %add3A_346, %select_n3A_361 : vector<16xi32>
        %broadcast_in_dim3A_363 = arith.constant 0 : i32
        %broadcast_in_dim3A_364 = vector.broadcast %broadcast_in_dim3A_363 : i32 to vector<16xi32>
        %add3A_365 = arith.constant 1 : i32
        %add3A_366 = vector.broadcast %add3A_365 : i32 to vector<16xi32>
        %add3A_367 = arith.addi %iota3A, %add3A_366 : vector<16xi32>
        %add3A_368 = arith.constant 8 : i32
        %add3A_369 = vector.broadcast %add3A_368 : i32 to vector<16xi32>
        %add3A_370 = arith.addi %broadcast_in_dim3A_364, %add3A_369 : vector<16xi32>
        %sub3A_371 = arith.constant 1 : i32
        %sub3A_372 = vector.broadcast %sub3A_371 : i32 to vector<16xi32>
        %sub3A_373 = arith.subi %add3A_370, %sub3A_372 : vector<16xi32>
        %min3A = arith.constant 15 : i32
        %min3A_374 = vector.broadcast %min3A : i32 to vector<16xi32>
        %min3A_375 = arith.minsi %sub3A_373, %min3A_374 : vector<16xi32>
        %broadcast_in_dim3A_376 = vector.shape_cast %min3A_375 : vector<16xi32> to vector<16x1xi32>
        %gather3A_377 = vector.shape_cast %broadcast_in_dim3A_376 : vector<16x1xi32> to vector<16xi32>
        %gather3A_378 = tpu.dynamic_gather %add3A_362[%gather3A_377] in [0] : vector<16xi32>, vector<16xi32> -> vector<16xi32>
        %lt3A_379 = arith.cmpi slt, %gather3A_378, %add3A_367 : vector<16xi32>
        %select_n3A_380 = arith.select %lt3A_379, %add3A_370, %broadcast_in_dim3A_364 : vector<16xi1>, vector<16xi32>
        %add3A_381 = arith.constant 4 : i32
        %add3A_382 = vector.broadcast %add3A_381 : i32 to vector<16xi32>
        %add3A_383 = arith.addi %select_n3A_380, %add3A_382 : vector<16xi32>
        %sub3A_384 = arith.constant 1 : i32
        %sub3A_385 = vector.broadcast %sub3A_384 : i32 to vector<16xi32>
        %sub3A_386 = arith.subi %add3A_383, %sub3A_385 : vector<16xi32>
        %min3A_387 = arith.constant 15 : i32
        %min3A_388 = vector.broadcast %min3A_387 : i32 to vector<16xi32>
        %min3A_389 = arith.minsi %sub3A_386, %min3A_388 : vector<16xi32>
        %broadcast_in_dim3A_390 = vector.shape_cast %min3A_389 : vector<16xi32> to vector<16x1xi32>
        %gather3A_391 = vector.shape_cast %broadcast_in_dim3A_390 : vector<16x1xi32> to vector<16xi32>
        %gather3A_392 = tpu.dynamic_gather %add3A_362[%gather3A_391] in [0] : vector<16xi32>, vector<16xi32> -> vector<16xi32>
        %lt3A_393 = arith.cmpi slt, %gather3A_392, %add3A_367 : vector<16xi32>
        %select_n3A_394 = arith.select %lt3A_393, %add3A_383, %select_n3A_380 : vector<16xi1>, vector<16xi32>
        %add3A_395 = arith.constant 2 : i32
        %add3A_396 = vector.broadcast %add3A_395 : i32 to vector<16xi32>
        %add3A_397 = arith.addi %select_n3A_394, %add3A_396 : vector<16xi32>
        %sub3A_398 = arith.constant 1 : i32
        %sub3A_399 = vector.broadcast %sub3A_398 : i32 to vector<16xi32>
        %sub3A_400 = arith.subi %add3A_397, %sub3A_399 : vector<16xi32>
        %min3A_401 = arith.constant 15 : i32
        %min3A_402 = vector.broadcast %min3A_401 : i32 to vector<16xi32>
        %min3A_403 = arith.minsi %sub3A_400, %min3A_402 : vector<16xi32>
        %broadcast_in_dim3A_404 = vector.shape_cast %min3A_403 : vector<16xi32> to vector<16x1xi32>
        %gather3A_405 = vector.shape_cast %broadcast_in_dim3A_404 : vector<16x1xi32> to vector<16xi32>
        %gather3A_406 = tpu.dynamic_gather %add3A_362[%gather3A_405] in [0] : vector<16xi32>, vector<16xi32> -> vector<16xi32>
        %lt3A_407 = arith.cmpi slt, %gather3A_406, %add3A_367 : vector<16xi32>
        %select_n3A_408 = arith.select %lt3A_407, %add3A_397, %select_n3A_394 : vector<16xi1>, vector<16xi32>
        %add3A_409 = arith.constant 1 : i32
        %add3A_410 = vector.broadcast %add3A_409 : i32 to vector<16xi32>
        %add3A_411 = arith.addi %select_n3A_408, %add3A_410 : vector<16xi32>
        %sub3A_412 = arith.constant 1 : i32
        %sub3A_413 = vector.broadcast %sub3A_412 : i32 to vector<16xi32>
        %sub3A_414 = arith.subi %add3A_411, %sub3A_413 : vector<16xi32>
        %min3A_415 = arith.constant 15 : i32
        %min3A_416 = vector.broadcast %min3A_415 : i32 to vector<16xi32>
        %min3A_417 = arith.minsi %sub3A_414, %min3A_416 : vector<16xi32>
        %broadcast_in_dim3A_418 = vector.shape_cast %min3A_417 : vector<16xi32> to vector<16x1xi32>
        %gather3A_419 = vector.shape_cast %broadcast_in_dim3A_418 : vector<16x1xi32> to vector<16xi32>
        %gather3A_420 = tpu.dynamic_gather %add3A_362[%gather3A_419] in [0] : vector<16xi32>, vector<16xi32> -> vector<16xi32>
        %lt3A_421 = arith.cmpi slt, %gather3A_420, %add3A_367 : vector<16xi32>
        %select_n3A_422 = arith.select %lt3A_421, %add3A_411, %select_n3A_408 : vector<16xi1>, vector<16xi32>
        %min3A_423 = arith.constant 15 : i32
        %min3A_424 = vector.broadcast %min3A_423 : i32 to vector<16xi32>
        %min3A_425 = arith.minsi %select_n3A_422, %min3A_424 : vector<16xi32>
        %add3A_426 = vector.broadcast %mul3A_56 : i32 to vector<16xi32>
        %add3A_427 = arith.addi %min3A_425, %add3A_426 : vector<16xi32>
        %swap3A = arith.index_cast %scan3A_50 : i32 to index
        %swap3A_428 = tpu.vector_load %arg5[%swap3A] {strides = array<i32>} : memref<272xi32, #tpu.memory_space<vmem>>, vector<16xi32>,
        %swap3A_429 = vector.shape_cast %swap3A_428 : vector<16xi32> to vector<16xi32>
        %swap3A_430 = vector.shape_cast %add3A_427 : vector<16xi32> to vector<16xi32>
        tpu.vector_store %arg5[%swap3A], %swap3A_430 {strides = array<i32>} : memref<272xi32, #tpu.memory_space<vmem>>, vector<16xi32>,
        %slice3A = vector.extract_strided_slice %add3A_362 {offsets = [15], sizes = [1], strides = [1]} : vector<16xi32> to vector<1xi32>
        %squeeze3A = vector.extract %slice3A[0] : i32 from vector<1xi32>
        %add3A_431 = arith.addi %scan3A_50, %squeeze3A : i32
        %mul3A_432 = arith.constant 4 : i32
        %mul3A_433 = arith.muli %scan3A_49, %mul3A_432 : i32
        %add3A_434 = arith.constant 1 : i32
        %add3A_435 = arith.addi %mul3A_433, %add3A_434 : i32
        %mul3A_436 = arith.constant 16 : i32
        %mul3A_437 = arith.muli %add3A_435, %mul3A_436 : i32
        %add3A_438 = arith.addi %add3A_13, %mul3A_437 : i32
        %add3A_439 = vector.broadcast %add3A_438 : i32 to vector<16xi32>
        %add3A_440 = arith.addi %iota3A, %add3A_439 : vector<16xi32>
        %get3A_441 = arith.index_cast %mul3A_437 : i32 to index
        %get3A_442 = tpu.vector_load %arg4[%get3A_441] {strides = array<i32>} : memref<4096xi32, #tpu.memory_space<vmem>>, vector<16xi32>,
        %get3A_443 = vector.shape_cast %get3A_442 : vector<16xi32> to vector<16xi32>
        %broadcast_in_dim3A_444 = arith.constant 1832780943 : i32
        %broadcast_in_dim3A_445 = vector.broadcast %broadcast_in_dim3A_444 : i32 to vector<16xi32>
        %add3A_446 = arith.constant 270669613 : i32
        %add3A_447 = vector.broadcast %add3A_446 : i32 to vector<16xi32>
        %add3A_448 = arith.addi %add3A_440, %add3A_447 : vector<16xi32>
        %add3A_449 = arith.addi %broadcast_in_dim3A_445, %add3A_448 : vector<16xi32>
        %shift_left3A_450 = arith.constant 13 : i32
        %shift_left3A_451 = vector.broadcast %shift_left3A_450 : i32 to vector<16xi32>
        %shift_left3A_452 = arith.shli %add3A_448, %shift_left3A_451 : vector<16xi32>
        %shift_right_logical3A_453 = arith.constant 19 : i32
        %shift_right_logical3A_454 = vector.broadcast %shift_right_logical3A_453 : i32 to vector<16xi32>
        %shift_right_logical3A_455 = arith.shrui %add3A_448, %shift_right_logical3A_454 : vector<16xi32>
        %or3A_456 = arith.ori %shift_left3A_452, %shift_right_logical3A_455 : vector<16xi32>
        %xor3A_457 = arith.xori %or3A_456, %add3A_449 : vector<16xi32>
        %add3A_458 = arith.addi %add3A_449, %xor3A_457 : vector<16xi32>
        %shift_left3A_459 = arith.constant 15 : i32
        %shift_left3A_460 = vector.broadcast %shift_left3A_459 : i32 to vector<16xi32>
        %shift_left3A_461 = arith.shli %xor3A_457, %shift_left3A_460 : vector<16xi32>
        %shift_right_logical3A_462 = arith.constant 17 : i32
        %shift_right_logical3A_463 = vector.broadcast %shift_right_logical3A_462 : i32 to vector<16xi32>
        %shift_right_logical3A_464 = arith.shrui %xor3A_457, %shift_right_logical3A_463 : vector<16xi32>
        %or3A_465 = arith.ori %shift_left3A_461, %shift_right_logical3A_464 : vector<16xi32>
        %xor3A_466 = arith.xori %or3A_465, %add3A_458 : vector<16xi32>
        %add3A_467 = arith.addi %add3A_458, %xor3A_466 : vector<16xi32>
        %shift_left3A_468 = arith.constant 26 : i32
        %shift_left3A_469 = vector.broadcast %shift_left3A_468 : i32 to vector<16xi32>
        %shift_left3A_470 = arith.shli %xor3A_466, %shift_left3A_469 : vector<16xi32>
        %shift_right_logical3A_471 = arith.constant 6 : i32
        %shift_right_logical3A_472 = vector.broadcast %shift_right_logical3A_471 : i32 to vector<16xi32>
        %shift_right_logical3A_473 = arith.shrui %xor3A_466, %shift_right_logical3A_472 : vector<16xi32>
        %or3A_474 = arith.ori %shift_left3A_470, %shift_right_logical3A_473 : vector<16xi32>
        %xor3A_475 = arith.xori %or3A_474, %add3A_467 : vector<16xi32>
        %add3A_476 = arith.addi %add3A_467, %xor3A_475 : vector<16xi32>
        %shift_left3A_477 = arith.constant 6 : i32
        %shift_left3A_478 = vector.broadcast %shift_left3A_477 : i32 to vector<16xi32>
        %shift_left3A_479 = arith.shli %xor3A_475, %shift_left3A_478 : vector<16xi32>
        %shift_right_logical3A_480 = arith.constant 26 : i32
        %shift_right_logical3A_481 = vector.broadcast %shift_right_logical3A_480 : i32 to vector<16xi32>
        %shift_right_logical3A_482 = arith.shrui %xor3A_475, %shift_right_logical3A_481 : vector<16xi32>
        %or3A_483 = arith.ori %shift_left3A_479, %shift_right_logical3A_482 : vector<16xi32>
        %xor3A_484 = arith.xori %or3A_483, %add3A_476 : vector<16xi32>
        %add3A_485 = arith.constant 270669613 : i32
        %add3A_486 = vector.broadcast %add3A_485 : i32 to vector<16xi32>
        %add3A_487 = arith.addi %add3A_476, %add3A_486 : vector<16xi32>
        %add3A_488 = arith.constant 1724713080 : i32
        %add3A_489 = vector.broadcast %add3A_488 : i32 to vector<16xi32>
        %add3A_490 = arith.addi %xor3A_484, %add3A_489 : vector<16xi32>
        %add3A_491 = arith.constant 1 : i32
        %add3A_492 = vector.broadcast %add3A_491 : i32 to vector<16xi32>
        %add3A_493 = arith.addi %add3A_490, %add3A_492 : vector<16xi32>
        %add3A_494 = arith.addi %add3A_487, %add3A_493 : vector<16xi32>
        %shift_left3A_495 = arith.constant 17 : i32
        %shift_left3A_496 = vector.broadcast %shift_left3A_495 : i32 to vector<16xi32>
        %shift_left3A_497 = arith.shli %add3A_493, %shift_left3A_496 : vector<16xi32>
        %shift_right_logical3A_498 = arith.constant 15 : i32
        %shift_right_logical3A_499 = vector.broadcast %shift_right_logical3A_498 : i32 to vector<16xi32>
        %shift_right_logical3A_500 = arith.shrui %add3A_493, %shift_right_logical3A_499 : vector<16xi32>
        %or3A_501 = arith.ori %shift_left3A_497, %shift_right_logical3A_500 : vector<16xi32>
        %xor3A_502 = arith.xori %or3A_501, %add3A_494 : vector<16xi32>
        %add3A_503 = arith.addi %add3A_494, %xor3A_502 : vector<16xi32>
        %shift_left3A_504 = arith.constant 29 : i32
        %shift_left3A_505 = vector.broadcast %shift_left3A_504 : i32 to vector<16xi32>
        %shift_left3A_506 = arith.shli %xor3A_502, %shift_left3A_505 : vector<16xi32>
        %shift_right_logical3A_507 = arith.constant 3 : i32
        %shift_right_logical3A_508 = vector.broadcast %shift_right_logical3A_507 : i32 to vector<16xi32>
        %shift_right_logical3A_509 = arith.shrui %xor3A_502, %shift_right_logical3A_508 : vector<16xi32>
        %or3A_510 = arith.ori %shift_left3A_506, %shift_right_logical3A_509 : vector<16xi32>
        %xor3A_511 = arith.xori %or3A_510, %add3A_503 : vector<16xi32>
        %add3A_512 = arith.addi %add3A_503, %xor3A_511 : vector<16xi32>
        %shift_left3A_513 = arith.constant 16 : i32
        %shift_left3A_514 = vector.broadcast %shift_left3A_513 : i32 to vector<16xi32>
        %shift_left3A_515 = arith.shli %xor3A_511, %shift_left3A_514 : vector<16xi32>
        %shift_right_logical3A_516 = arith.constant 16 : i32
        %shift_right_logical3A_517 = vector.broadcast %shift_right_logical3A_516 : i32 to vector<16xi32>
        %shift_right_logical3A_518 = arith.shrui %xor3A_511, %shift_right_logical3A_517 : vector<16xi32>
        %or3A_519 = arith.ori %shift_left3A_515, %shift_right_logical3A_518 : vector<16xi32>
        %xor3A_520 = arith.xori %or3A_519, %add3A_512 : vector<16xi32>
        %add3A_521 = arith.addi %add3A_512, %xor3A_520 : vector<16xi32>
        %shift_left3A_522 = arith.constant 24 : i32
        %shift_left3A_523 = vector.broadcast %shift_left3A_522 : i32 to vector<16xi32>
        %shift_left3A_524 = arith.shli %xor3A_520, %shift_left3A_523 : vector<16xi32>
        %shift_right_logical3A_525 = arith.constant 8 : i32
        %shift_right_logical3A_526 = vector.broadcast %shift_right_logical3A_525 : i32 to vector<16xi32>
        %shift_right_logical3A_527 = arith.shrui %xor3A_520, %shift_right_logical3A_526 : vector<16xi32>
        %or3A_528 = arith.ori %shift_left3A_524, %shift_right_logical3A_527 : vector<16xi32>
        %xor3A_529 = arith.xori %or3A_528, %add3A_521 : vector<16xi32>
        %add3A_530 = arith.constant 1724713080 : i32
        %add3A_531 = vector.broadcast %add3A_530 : i32 to vector<16xi32>
        %add3A_532 = arith.addi %add3A_521, %add3A_531 : vector<16xi32>
        %add3A_533 = arith.constant 1832780943 : i32
        %add3A_534 = vector.broadcast %add3A_533 : i32 to vector<16xi32>
        %add3A_535 = arith.addi %xor3A_529, %add3A_534 : vector<16xi32>
        %add3A_536 = arith.constant 2 : i32
        %add3A_537 = vector.broadcast %add3A_536 : i32 to vector<16xi32>
        %add3A_538 = arith.addi %add3A_535, %add3A_537 : vector<16xi32>
        %add3A_539 = arith.addi %add3A_532, %add3A_538 : vector<16xi32>
        %shift_left3A_540 = arith.constant 13 : i32
        %shift_left3A_541 = vector.broadcast %shift_left3A_540 : i32 to vector<16xi32>
        %shift_left3A_542 = arith.shli %add3A_538, %shift_left3A_541 : vector<16xi32>
        %shift_right_logical3A_543 = arith.constant 19 : i32
        %shift_right_logical3A_544 = vector.broadcast %shift_right_logical3A_543 : i32 to vector<16xi32>
        %shift_right_logical3A_545 = arith.shrui %add3A_538, %shift_right_logical3A_544 : vector<16xi32>
        %or3A_546 = arith.ori %shift_left3A_542, %shift_right_logical3A_545 : vector<16xi32>
        %xor3A_547 = arith.xori %or3A_546, %add3A_539 : vector<16xi32>
        %add3A_548 = arith.addi %add3A_539, %xor3A_547 : vector<16xi32>
        %shift_left3A_549 = arith.constant 15 : i32
        %shift_left3A_550 = vector.broadcast %shift_left3A_549 : i32 to vector<16xi32>
        %shift_left3A_551 = arith.shli %xor3A_547, %shift_left3A_550 : vector<16xi32>
        %shift_right_logical3A_552 = arith.constant 17 : i32
        %shift_right_logical3A_553 = vector.broadcast %shift_right_logical3A_552 : i32 to vector<16xi32>
        %shift_right_logical3A_554 = arith.shrui %xor3A_547, %shift_right_logical3A_553 : vector<16xi32>
        %or3A_555 = arith.ori %shift_left3A_551, %shift_right_logical3A_554 : vector<16xi32>
        %xor3A_556 = arith.xori %or3A_555, %add3A_548 : vector<16xi32>
        %add3A_557 = arith.addi %add3A_548, %xor3A_556 : vector<16xi32>
        %shift_left3A_558 = arith.constant 26 : i32
        %shift_left3A_559 = vector.broadcast %shift_left3A_558 : i32 to vector<16xi32>
        %shift_left3A_560 = arith.shli %xor3A_556, %shift_left3A_559 : vector<16xi32>
        %shift_right_logical3A_561 = arith.constant 6 : i32
        %shift_right_logical3A_562 = vector.broadcast %shift_right_logical3A_561 : i32 to vector<16xi32>
        %shift_right_logical3A_563 = arith.shrui %xor3A_556, %shift_right_logical3A_562 : vector<16xi32>
        %or3A_564 = arith.ori %shift_left3A_560, %shift_right_logical3A_563 : vector<16xi32>
        %xor3A_565 = arith.xori %or3A_564, %add3A_557 : vector<16xi32>
        %add3A_566 = arith.addi %add3A_557, %xor3A_565 : vector<16xi32>
        %shift_left3A_567 = arith.constant 6 : i32
        %shift_left3A_568 = vector.broadcast %shift_left3A_567 : i32 to vector<16xi32>
        %shift_left3A_569 = arith.shli %xor3A_565, %shift_left3A_568 : vector<16xi32>
        %shift_right_logical3A_570 = arith.constant 26 : i32
        %shift_right_logical3A_571 = vector.broadcast %shift_right_logical3A_570 : i32 to vector<16xi32>
        %shift_right_logical3A_572 = arith.shrui %xor3A_565, %shift_right_logical3A_571 : vector<16xi32>
        %or3A_573 = arith.ori %shift_left3A_569, %shift_right_logical3A_572 : vector<16xi32>
        %xor3A_574 = arith.xori %or3A_573, %add3A_566 : vector<16xi32>
        %add3A_575 = arith.constant 1832780943 : i32
        %add3A_576 = vector.broadcast %add3A_575 : i32 to vector<16xi32>
        %add3A_577 = arith.addi %add3A_566, %add3A_576 : vector<16xi32>
        %add3A_578 = arith.constant 270669613 : i32
        %add3A_579 = vector.broadcast %add3A_578 : i32 to vector<16xi32>
        %add3A_580 = arith.addi %xor3A_574, %add3A_579 : vector<16xi32>
        %add3A_581 = arith.constant 3 : i32
        %add3A_582 = vector.broadcast %add3A_581 : i32 to vector<16xi32>
        %add3A_583 = arith.addi %add3A_580, %add3A_582 : vector<16xi32>
        %add3A_584 = arith.addi %add3A_577, %add3A_583 : vector<16xi32>
        %shift_left3A_585 = arith.constant 17 : i32
        %shift_left3A_586 = vector.broadcast %shift_left3A_585 : i32 to vector<16xi32>
        %shift_left3A_587 = arith.shli %add3A_583, %shift_left3A_586 : vector<16xi32>
        %shift_right_logical3A_588 = arith.constant 15 : i32
        %shift_right_logical3A_589 = vector.broadcast %shift_right_logical3A_588 : i32 to vector<16xi32>
        %shift_right_logical3A_590 = arith.shrui %add3A_583, %shift_right_logical3A_589 : vector<16xi32>
        %or3A_591 = arith.ori %shift_left3A_587, %shift_right_logical3A_590 : vector<16xi32>
        %xor3A_592 = arith.xori %or3A_591, %add3A_584 : vector<16xi32>
        %add3A_593 = arith.addi %add3A_584, %xor3A_592 : vector<16xi32>
        %shift_left3A_594 = arith.constant 29 : i32
        %shift_left3A_595 = vector.broadcast %shift_left3A_594 : i32 to vector<16xi32>
        %shift_left3A_596 = arith.shli %xor3A_592, %shift_left3A_595 : vector<16xi32>
        %shift_right_logical3A_597 = arith.constant 3 : i32
        %shift_right_logical3A_598 = vector.broadcast %shift_right_logical3A_597 : i32 to vector<16xi32>
        %shift_right_logical3A_599 = arith.shrui %xor3A_592, %shift_right_logical3A_598 : vector<16xi32>
        %or3A_600 = arith.ori %shift_left3A_596, %shift_right_logical3A_599 : vector<16xi32>
        %xor3A_601 = arith.xori %or3A_600, %add3A_593 : vector<16xi32>
        %add3A_602 = arith.addi %add3A_593, %xor3A_601 : vector<16xi32>
        %shift_left3A_603 = arith.constant 16 : i32
        %shift_left3A_604 = vector.broadcast %shift_left3A_603 : i32 to vector<16xi32>
        %shift_left3A_605 = arith.shli %xor3A_601, %shift_left3A_604 : vector<16xi32>
        %shift_right_logical3A_606 = arith.constant 16 : i32
        %shift_right_logical3A_607 = vector.broadcast %shift_right_logical3A_606 : i32 to vector<16xi32>
        %shift_right_logical3A_608 = arith.shrui %xor3A_601, %shift_right_logical3A_607 : vector<16xi32>
        %or3A_609 = arith.ori %shift_left3A_605, %shift_right_logical3A_608 : vector<16xi32>
        %xor3A_610 = arith.xori %or3A_609, %add3A_602 : vector<16xi32>
        %add3A_611 = arith.addi %add3A_602, %xor3A_610 : vector<16xi32>
        %shift_left3A_612 = arith.constant 24 : i32
        %shift_left3A_613 = vector.broadcast %shift_left3A_612 : i32 to vector<16xi32>
        %shift_left3A_614 = arith.shli %xor3A_610, %shift_left3A_613 : vector<16xi32>
        %shift_right_logical3A_615 = arith.constant 8 : i32
        %shift_right_logical3A_616 = vector.broadcast %shift_right_logical3A_615 : i32 to vector<16xi32>
        %shift_right_logical3A_617 = arith.shrui %xor3A_610, %shift_right_logical3A_616 : vector<16xi32>
        %or3A_618 = arith.ori %shift_left3A_614, %shift_right_logical3A_617 : vector<16xi32>
        %xor3A_619 = arith.xori %or3A_618, %add3A_611 : vector<16xi32>
        %add3A_620 = arith.constant 270669613 : i32
        %add3A_621 = vector.broadcast %add3A_620 : i32 to vector<16xi32>
        %add3A_622 = arith.addi %add3A_611, %add3A_621 : vector<16xi32>
        %add3A_623 = arith.constant 1724713080 : i32
        %add3A_624 = vector.broadcast %add3A_623 : i32 to vector<16xi32>
        %add3A_625 = arith.addi %xor3A_619, %add3A_624 : vector<16xi32>
        %add3A_626 = arith.constant 4 : i32
        %add3A_627 = vector.broadcast %add3A_626 : i32 to vector<16xi32>
        %add3A_628 = arith.addi %add3A_625, %add3A_627 : vector<16xi32>
        %add3A_629 = arith.addi %add3A_622, %add3A_628 : vector<16xi32>
        %shift_left3A_630 = arith.constant 13 : i32
        %shift_left3A_631 = vector.broadcast %shift_left3A_630 : i32 to vector<16xi32>
        %shift_left3A_632 = arith.shli %add3A_628, %shift_left3A_631 : vector<16xi32>
        %shift_right_logical3A_633 = arith.constant 19 : i32
        %shift_right_logical3A_634 = vector.broadcast %shift_right_logical3A_633 : i32 to vector<16xi32>
        %shift_right_logical3A_635 = arith.shrui %add3A_628, %shift_right_logical3A_634 : vector<16xi32>
        %or3A_636 = arith.ori %shift_left3A_632, %shift_right_logical3A_635 : vector<16xi32>
        %xor3A_637 = arith.xori %or3A_636, %add3A_629 : vector<16xi32>
        %add3A_638 = arith.addi %add3A_629, %xor3A_637 : vector<16xi32>
        %shift_left3A_639 = arith.constant 15 : i32
        %shift_left3A_640 = vector.broadcast %shift_left3A_639 : i32 to vector<16xi32>
        %shift_left3A_641 = arith.shli %xor3A_637, %shift_left3A_640 : vector<16xi32>
        %shift_right_logical3A_642 = arith.constant 17 : i32
        %shift_right_logical3A_643 = vector.broadcast %shift_right_logical3A_642 : i32 to vector<16xi32>
        %shift_right_logical3A_644 = arith.shrui %xor3A_637, %shift_right_logical3A_643 : vector<16xi32>
        %or3A_645 = arith.ori %shift_left3A_641, %shift_right_logical3A_644 : vector<16xi32>
        %xor3A_646 = arith.xori %or3A_645, %add3A_638 : vector<16xi32>
        %add3A_647 = arith.addi %add3A_638, %xor3A_646 : vector<16xi32>
        %shift_left3A_648 = arith.constant 26 : i32
        %shift_left3A_649 = vector.broadcast %shift_left3A_648 : i32 to vector<16xi32>
        %shift_left3A_650 = arith.shli %xor3A_646, %shift_left3A_649 : vector<16xi32>
        %shift_right_logical3A_651 = arith.constant 6 : i32
        %shift_right_logical3A_652 = vector.broadcast %shift_right_logical3A_651 : i32 to vector<16xi32>
        %shift_right_logical3A_653 = arith.shrui %xor3A_646, %shift_right_logical3A_652 : vector<16xi32>
        %or3A_654 = arith.ori %shift_left3A_650, %shift_right_logical3A_653 : vector<16xi32>
        %xor3A_655 = arith.xori %or3A_654, %add3A_647 : vector<16xi32>
        %add3A_656 = arith.addi %add3A_647, %xor3A_655 : vector<16xi32>
        %shift_left3A_657 = arith.constant 6 : i32
        %shift_left3A_658 = vector.broadcast %shift_left3A_657 : i32 to vector<16xi32>
        %shift_left3A_659 = arith.shli %xor3A_655, %shift_left3A_658 : vector<16xi32>
        %shift_right_logical3A_660 = arith.constant 26 : i32
        %shift_right_logical3A_661 = vector.broadcast %shift_right_logical3A_660 : i32 to vector<16xi32>
        %shift_right_logical3A_662 = arith.shrui %xor3A_655, %shift_right_logical3A_661 : vector<16xi32>
        %or3A_663 = arith.ori %shift_left3A_659, %shift_right_logical3A_662 : vector<16xi32>
        %xor3A_664 = arith.xori %or3A_663, %add3A_656 : vector<16xi32>
        %add3A_665 = arith.constant 1724713080 : i32
        %add3A_666 = vector.broadcast %add3A_665 : i32 to vector<16xi32>
        %add3A_667 = arith.addi %add3A_656, %add3A_666 : vector<16xi32>
        %add3A_668 = arith.constant 1832780943 : i32
        %add3A_669 = vector.broadcast %add3A_668 : i32 to vector<16xi32>
        %add3A_670 = arith.addi %xor3A_664, %add3A_669 : vector<16xi32>
        %add3A_671 = arith.constant 5 : i32
        %add3A_672 = vector.broadcast %add3A_671 : i32 to vector<16xi32>
        %add3A_673 = arith.addi %add3A_670, %add3A_672 : vector<16xi32>
        %xor3A_674 = arith.xori %add3A_667, %add3A_673 : vector<16xi32>
        %shift_right_logical3A_675 = arith.constant 9 : i32
        %shift_right_logical3A_676 = vector.broadcast %shift_right_logical3A_675 : i32 to vector<16xi32>
        %shift_right_logical3A_677 = arith.shrui %xor3A_674, %shift_right_logical3A_676 : vector<16xi32>
        %lt3A_678 = arith.constant 419431 : i32
        %lt3A_679 = vector.broadcast %lt3A_678 : i32 to vector<16xi32>
        %lt3A_680 = arith.cmpi slt, %shift_right_logical3A_677, %lt3A_679 : vector<16xi32>
        %gt3A_681 = arith.constant 2 : i32
        %gt3A_682 = vector.broadcast %gt3A_681 : i32 to vector<16xi32>
        %gt3A_683 = arith.cmpi sgt, %get3A_443, %gt3A_682 : vector<16xi32>
        %and3A_684 = arith.andi %lt3A_680, %gt3A_683 : vector<16xi1>
        %jit3A_685 = arith.constant 1 : i32
        %jit3A_686 = arith.constant 0 : i32
        %broadcast_in_dim3A_687 = vector.broadcast %jit3A_685 : i32 to vector<16xi32>
        %broadcast_in_dim3A_688 = vector.broadcast %jit3A_686 : i32 to vector<16xi32>
        %select_n3A_689 = arith.select %and3A_684, %broadcast_in_dim3A_687, %broadcast_in_dim3A_688 : vector<16xi1>, vector<16xi32>
        %sub3A_690 = arith.constant 1 : i32
        %sub3A_691 = vector.broadcast %sub3A_690 : i32 to vector<16xi32>
        %sub3A_692 = arith.subi %iota3A, %sub3A_691 : vector<16xi32>
        %max3A_693 = arith.constant 0 : i32
        %max3A_694 = vector.broadcast %max3A_693 : i32 to vector<16xi32>
        %max3A_695 = arith.maxsi %sub3A_692, %max3A_694 : vector<16xi32>
        %broadcast_in_dim3A_696 = vector.shape_cast %max3A_695 : vector<16xi32> to vector<16x1xi32>
        %gather3A_697 = vector.shape_cast %broadcast_in_dim3A_696 : vector<16x1xi32> to vector<16xi32>
        %gather3A_698 = tpu.dynamic_gather %select_n3A_689[%gather3A_697] in [0] : vector<16xi32>, vector<16xi32> -> vector<16xi32>
        %ge3A_699 = arith.constant 1 : i32
        %ge3A_700 = vector.broadcast %ge3A_699 : i32 to vector<16xi32>
        %ge3A_701 = arith.cmpi sge, %iota3A, %ge3A_700 : vector<16xi32>
        %jit3A_702 = arith.constant 0 : i32
        %broadcast_in_dim3A_703 = vector.broadcast %jit3A_702 : i32 to vector<16xi32>
        %select_n3A_704 = arith.select %ge3A_701, %gather3A_698, %broadcast_in_dim3A_703 : vector<16xi1>, vector<16xi32>
        %add3A_705 = arith.addi %select_n3A_689, %select_n3A_704 : vector<16xi32>
        %sub3A_706 = arith.constant 2 : i32
        %sub3A_707 = vector.broadcast %sub3A_706 : i32 to vector<16xi32>
        %sub3A_708 = arith.subi %iota3A, %sub3A_707 : vector<16xi32>
        %max3A_709 = arith.constant 0 : i32
        %max3A_710 = vector.broadcast %max3A_709 : i32 to vector<16xi32>
        %max3A_711 = arith.maxsi %sub3A_708, %max3A_710 : vector<16xi32>
        %broadcast_in_dim3A_712 = vector.shape_cast %max3A_711 : vector<16xi32> to vector<16x1xi32>
        %gather3A_713 = vector.shape_cast %broadcast_in_dim3A_712 : vector<16x1xi32> to vector<16xi32>
        %gather3A_714 = tpu.dynamic_gather %add3A_705[%gather3A_713] in [0] : vector<16xi32>, vector<16xi32> -> vector<16xi32>
        %ge3A_715 = arith.constant 2 : i32
        %ge3A_716 = vector.broadcast %ge3A_715 : i32 to vector<16xi32>
        %ge3A_717 = arith.cmpi sge, %iota3A, %ge3A_716 : vector<16xi32>
        %jit3A_718 = arith.constant 0 : i32
        %broadcast_in_dim3A_719 = vector.broadcast %jit3A_718 : i32 to vector<16xi32>
        %select_n3A_720 = arith.select %ge3A_717, %gather3A_714, %broadcast_in_dim3A_719 : vector<16xi1>, vector<16xi32>
        %add3A_721 = arith.addi %add3A_705, %select_n3A_720 : vector<16xi32>
        %sub3A_722 = arith.constant 4 : i32
        %sub3A_723 = vector.broadcast %sub3A_722 : i32 to vector<16xi32>
        %sub3A_724 = arith.subi %iota3A, %sub3A_723 : vector<16xi32>
        %max3A_725 = arith.constant 0 : i32
        %max3A_726 = vector.broadcast %max3A_725 : i32 to vector<16xi32>
        %max3A_727 = arith.maxsi %sub3A_724, %max3A_726 : vector<16xi32>
        %broadcast_in_dim3A_728 = vector.shape_cast %max3A_727 : vector<16xi32> to vector<16x1xi32>
        %gather3A_729 = vector.shape_cast %broadcast_in_dim3A_728 : vector<16x1xi32> to vector<16xi32>
        %gather3A_730 = tpu.dynamic_gather %add3A_721[%gather3A_729] in [0] : vector<16xi32>, vector<16xi32> -> vector<16xi32>
        %ge3A_731 = arith.constant 4 : i32
        %ge3A_732 = vector.broadcast %ge3A_731 : i32 to vector<16xi32>
        %ge3A_733 = arith.cmpi sge, %iota3A, %ge3A_732 : vector<16xi32>
        %jit3A_734 = arith.constant 0 : i32
        %broadcast_in_dim3A_735 = vector.broadcast %jit3A_734 : i32 to vector<16xi32>
        %select_n3A_736 = arith.select %ge3A_733, %gather3A_730, %broadcast_in_dim3A_735 : vector<16xi1>, vector<16xi32>
        %add3A_737 = arith.addi %add3A_721, %select_n3A_736 : vector<16xi32>
        %sub3A_738 = arith.constant 8 : i32
        %sub3A_739 = vector.broadcast %sub3A_738 : i32 to vector<16xi32>
        %sub3A_740 = arith.subi %iota3A, %sub3A_739 : vector<16xi32>
        %max3A_741 = arith.constant 0 : i32
        %max3A_742 = vector.broadcast %max3A_741 : i32 to vector<16xi32>
        %max3A_743 = arith.maxsi %sub3A_740, %max3A_742 : vector<16xi32>
        %broadcast_in_dim3A_744 = vector.shape_cast %max3A_743 : vector<16xi32> to vector<16x1xi32>
        %gather3A_745 = vector.shape_cast %broadcast_in_dim3A_744 : vector<16x1xi32> to vector<16xi32>
        %gather3A_746 = tpu.dynamic_gather %add3A_737[%gather3A_745] in [0] : vector<16xi32>, vector<16xi32> -> vector<16xi32>
        %ge3A_747 = arith.constant 8 : i32
        %ge3A_748 = vector.broadcast %ge3A_747 : i32 to vector<16xi32>
        %ge3A_749 = arith.cmpi sge, %iota3A, %ge3A_748 : vector<16xi32>
        %jit3A_750 = arith.constant 0 : i32
        %broadcast_in_dim3A_751 = vector.broadcast %jit3A_750 : i32 to vector<16xi32>
        %select_n3A_752 = arith.select %ge3A_749, %gather3A_746, %broadcast_in_dim3A_751 : vector<16xi1>, vector<16xi32>
        %add3A_753 = arith.addi %add3A_737, %select_n3A_752 : vector<16xi32>
        %broadcast_in_dim3A_754 = arith.constant 0 : i32
        %broadcast_in_dim3A_755 = vector.broadcast %broadcast_in_dim3A_754 : i32 to vector<16xi32>
        %add3A_756 = arith.constant 1 : i32
        %add3A_757 = vector.broadcast %add3A_756 : i32 to vector<16xi32>
        %add3A_758 = arith.addi %iota3A, %add3A_757 : vector<16xi32>
        %add3A_759 = arith.constant 8 : i32
        %add3A_760 = vector.broadcast %add3A_759 : i32 to vector<16xi32>
        %add3A_761 = arith.addi %broadcast_in_dim3A_755, %add3A_760 : vector<16xi32>
        %sub3A_762 = arith.constant 1 : i32
        %sub3A_763 = vector.broadcast %sub3A_762 : i32 to vector<16xi32>
        %sub3A_764 = arith.subi %add3A_761, %sub3A_763 : vector<16xi32>
        %min3A_765 = arith.constant 15 : i32
        %min3A_766 = vector.broadcast %min3A_765 : i32 to vector<16xi32>
        %min3A_767 = arith.minsi %sub3A_764, %min3A_766 : vector<16xi32>
        %broadcast_in_dim3A_768 = vector.shape_cast %min3A_767 : vector<16xi32> to vector<16x1xi32>
        %gather3A_769 = vector.shape_cast %broadcast_in_dim3A_768 : vector<16x1xi32> to vector<16xi32>
        %gather3A_770 = tpu.dynamic_gather %add3A_753[%gather3A_769] in [0] : vector<16xi32>, vector<16xi32> -> vector<16xi32>
        %lt3A_771 = arith.cmpi slt, %gather3A_770, %add3A_758 : vector<16xi32>
        %select_n3A_772 = arith.select %lt3A_771, %add3A_761, %broadcast_in_dim3A_755 : vector<16xi1>, vector<16xi32>
        %add3A_773 = arith.constant 4 : i32
        %add3A_774 = vector.broadcast %add3A_773 : i32 to vector<16xi32>
        %add3A_775 = arith.addi %select_n3A_772, %add3A_774 : vector<16xi32>
        %sub3A_776 = arith.constant 1 : i32
        %sub3A_777 = vector.broadcast %sub3A_776 : i32 to vector<16xi32>
        %sub3A_778 = arith.subi %add3A_775, %sub3A_777 : vector<16xi32>
        %min3A_779 = arith.constant 15 : i32
        %min3A_780 = vector.broadcast %min3A_779 : i32 to vector<16xi32>
        %min3A_781 = arith.minsi %sub3A_778, %min3A_780 : vector<16xi32>
        %broadcast_in_dim3A_782 = vector.shape_cast %min3A_781 : vector<16xi32> to vector<16x1xi32>
        %gather3A_783 = vector.shape_cast %broadcast_in_dim3A_782 : vector<16x1xi32> to vector<16xi32>
        %gather3A_784 = tpu.dynamic_gather %add3A_753[%gather3A_783] in [0] : vector<16xi32>, vector<16xi32> -> vector<16xi32>
        %lt3A_785 = arith.cmpi slt, %gather3A_784, %add3A_758 : vector<16xi32>
        %select_n3A_786 = arith.select %lt3A_785, %add3A_775, %select_n3A_772 : vector<16xi1>, vector<16xi32>
        %add3A_787 = arith.constant 2 : i32
        %add3A_788 = vector.broadcast %add3A_787 : i32 to vector<16xi32>
        %add3A_789 = arith.addi %select_n3A_786, %add3A_788 : vector<16xi32>
        %sub3A_790 = arith.constant 1 : i32
        %sub3A_791 = vector.broadcast %sub3A_790 : i32 to vector<16xi32>
        %sub3A_792 = arith.subi %add3A_789, %sub3A_791 : vector<16xi32>
        %min3A_793 = arith.constant 15 : i32
        %min3A_794 = vector.broadcast %min3A_793 : i32 to vector<16xi32>
        %min3A_795 = arith.minsi %sub3A_792, %min3A_794 : vector<16xi32>
        %broadcast_in_dim3A_796 = vector.shape_cast %min3A_795 : vector<16xi32> to vector<16x1xi32>
        %gather3A_797 = vector.shape_cast %broadcast_in_dim3A_796 : vector<16x1xi32> to vector<16xi32>
        %gather3A_798 = tpu.dynamic_gather %add3A_753[%gather3A_797] in [0] : vector<16xi32>, vector<16xi32> -> vector<16xi32>
        %lt3A_799 = arith.cmpi slt, %gather3A_798, %add3A_758 : vector<16xi32>
        %select_n3A_800 = arith.select %lt3A_799, %add3A_789, %select_n3A_786 : vector<16xi1>, vector<16xi32>
        %add3A_801 = arith.constant 1 : i32
        %add3A_802 = vector.broadcast %add3A_801 : i32 to vector<16xi32>
        %add3A_803 = arith.addi %select_n3A_800, %add3A_802 : vector<16xi32>
        %sub3A_804 = arith.constant 1 : i32
        %sub3A_805 = vector.broadcast %sub3A_804 : i32 to vector<16xi32>
        %sub3A_806 = arith.subi %add3A_803, %sub3A_805 : vector<16xi32>
        %min3A_807 = arith.constant 15 : i32
        %min3A_808 = vector.broadcast %min3A_807 : i32 to vector<16xi32>
        %min3A_809 = arith.minsi %sub3A_806, %min3A_808 : vector<16xi32>
        %broadcast_in_dim3A_810 = vector.shape_cast %min3A_809 : vector<16xi32> to vector<16x1xi32>
        %gather3A_811 = vector.shape_cast %broadcast_in_dim3A_810 : vector<16x1xi32> to vector<16xi32>
        %gather3A_812 = tpu.dynamic_gather %add3A_753[%gather3A_811] in [0] : vector<16xi32>, vector<16xi32> -> vector<16xi32>
        %lt3A_813 = arith.cmpi slt, %gather3A_812, %add3A_758 : vector<16xi32>
        %select_n3A_814 = arith.select %lt3A_813, %add3A_803, %select_n3A_800 : vector<16xi1>, vector<16xi32>
        %min3A_815 = arith.constant 15 : i32
        %min3A_816 = vector.broadcast %min3A_815 : i32 to vector<16xi32>
        %min3A_817 = arith.minsi %select_n3A_814, %min3A_816 : vector<16xi32>
        %add3A_818 = vector.broadcast %mul3A_437 : i32 to vector<16xi32>
        %add3A_819 = arith.addi %min3A_817, %add3A_818 : vector<16xi32>
        %swap3A_820 = arith.index_cast %add3A_431 : i32 to index
        %swap3A_821 = tpu.vector_load %arg5[%swap3A_820] {strides = array<i32>} : memref<272xi32, #tpu.memory_space<vmem>>, vector<16xi32>,
        %swap3A_822 = vector.shape_cast %swap3A_821 : vector<16xi32> to vector<16xi32>
        %swap3A_823 = vector.shape_cast %add3A_819 : vector<16xi32> to vector<16xi32>
        tpu.vector_store %arg5[%swap3A_820], %swap3A_823 {strides = array<i32>} : memref<272xi32, #tpu.memory_space<vmem>>, vector<16xi32>,
        %slice3A_824 = vector.extract_strided_slice %add3A_753 {offsets = [15], sizes = [1], strides = [1]} : vector<16xi32> to vector<1xi32>
        %squeeze3A_825 = vector.extract %slice3A_824[0] : i32 from vector<1xi32>
        %add3A_826 = arith.addi %add3A_431, %squeeze3A_825 : i32
        %mul3A_827 = arith.constant 4 : i32
        %mul3A_828 = arith.muli %scan3A_49, %mul3A_827 : i32
        %add3A_829 = arith.constant 2 : i32
        %add3A_830 = arith.addi %mul3A_828, %add3A_829 : i32
        %mul3A_831 = arith.constant 16 : i32
        %mul3A_832 = arith.muli %add3A_830, %mul3A_831 : i32
        %add3A_833 = arith.addi %add3A_13, %mul3A_832 : i32
        %add3A_834 = vector.broadcast %add3A_833 : i32 to vector<16xi32>
        %add3A_835 = arith.addi %iota3A, %add3A_834 : vector<16xi32>
        %get3A_836 = arith.index_cast %mul3A_832 : i32 to index
        %get3A_837 = tpu.vector_load %arg4[%get3A_836] {strides = array<i32>} : memref<4096xi32, #tpu.memory_space<vmem>>, vector<16xi32>,
        %get3A_838 = vector.shape_cast %get3A_837 : vector<16xi32> to vector<16xi32>
        %broadcast_in_dim3A_839 = arith.constant 1832780943 : i32
        %broadcast_in_dim3A_840 = vector.broadcast %broadcast_in_dim3A_839 : i32 to vector<16xi32>
        %add3A_841 = arith.constant 270669613 : i32
        %add3A_842 = vector.broadcast %add3A_841 : i32 to vector<16xi32>
        %add3A_843 = arith.addi %add3A_835, %add3A_842 : vector<16xi32>
        %add3A_844 = arith.addi %broadcast_in_dim3A_840, %add3A_843 : vector<16xi32>
        %shift_left3A_845 = arith.constant 13 : i32
        %shift_left3A_846 = vector.broadcast %shift_left3A_845 : i32 to vector<16xi32>
        %shift_left3A_847 = arith.shli %add3A_843, %shift_left3A_846 : vector<16xi32>
        %shift_right_logical3A_848 = arith.constant 19 : i32
        %shift_right_logical3A_849 = vector.broadcast %shift_right_logical3A_848 : i32 to vector<16xi32>
        %shift_right_logical3A_850 = arith.shrui %add3A_843, %shift_right_logical3A_849 : vector<16xi32>
        %or3A_851 = arith.ori %shift_left3A_847, %shift_right_logical3A_850 : vector<16xi32>
        %xor3A_852 = arith.xori %or3A_851, %add3A_844 : vector<16xi32>
        %add3A_853 = arith.addi %add3A_844, %xor3A_852 : vector<16xi32>
        %shift_left3A_854 = arith.constant 15 : i32
        %shift_left3A_855 = vector.broadcast %shift_left3A_854 : i32 to vector<16xi32>
        %shift_left3A_856 = arith.shli %xor3A_852, %shift_left3A_855 : vector<16xi32>
        %shift_right_logical3A_857 = arith.constant 17 : i32
        %shift_right_logical3A_858 = vector.broadcast %shift_right_logical3A_857 : i32 to vector<16xi32>
        %shift_right_logical3A_859 = arith.shrui %xor3A_852, %shift_right_logical3A_858 : vector<16xi32>
        %or3A_860 = arith.ori %shift_left3A_856, %shift_right_logical3A_859 : vector<16xi32>
        %xor3A_861 = arith.xori %or3A_860, %add3A_853 : vector<16xi32>
        %add3A_862 = arith.addi %add3A_853, %xor3A_861 : vector<16xi32>
        %shift_left3A_863 = arith.constant 26 : i32
        %shift_left3A_864 = vector.broadcast %shift_left3A_863 : i32 to vector<16xi32>
        %shift_left3A_865 = arith.shli %xor3A_861, %shift_left3A_864 : vector<16xi32>
        %shift_right_logical3A_866 = arith.constant 6 : i32
        %shift_right_logical3A_867 = vector.broadcast %shift_right_logical3A_866 : i32 to vector<16xi32>
        %shift_right_logical3A_868 = arith.shrui %xor3A_861, %shift_right_logical3A_867 : vector<16xi32>
        %or3A_869 = arith.ori %shift_left3A_865, %shift_right_logical3A_868 : vector<16xi32>
        %xor3A_870 = arith.xori %or3A_869, %add3A_862 : vector<16xi32>
        %add3A_871 = arith.addi %add3A_862, %xor3A_870 : vector<16xi32>
        %shift_left3A_872 = arith.constant 6 : i32
        %shift_left3A_873 = vector.broadcast %shift_left3A_872 : i32 to vector<16xi32>
        %shift_left3A_874 = arith.shli %xor3A_870, %shift_left3A_873 : vector<16xi32>
        %shift_right_logical3A_875 = arith.constant 26 : i32
        %shift_right_logical3A_876 = vector.broadcast %shift_right_logical3A_875 : i32 to vector<16xi32>
        %shift_right_logical3A_877 = arith.shrui %xor3A_870, %shift_right_logical3A_876 : vector<16xi32>
        %or3A_878 = arith.ori %shift_left3A_874, %shift_right_logical3A_877 : vector<16xi32>
        %xor3A_879 = arith.xori %or3A_878, %add3A_871 : vector<16xi32>
        %add3A_880 = arith.constant 270669613 : i32
        %add3A_881 = vector.broadcast %add3A_880 : i32 to vector<16xi32>
        %add3A_882 = arith.addi %add3A_871, %add3A_881 : vector<16xi32>
        %add3A_883 = arith.constant 1724713080 : i32
        %add3A_884 = vector.broadcast %add3A_883 : i32 to vector<16xi32>
        %add3A_885 = arith.addi %xor3A_879, %add3A_884 : vector<16xi32>
        %add3A_886 = arith.constant 1 : i32
        %add3A_887 = vector.broadcast %add3A_886 : i32 to vector<16xi32>
        %add3A_888 = arith.addi %add3A_885, %add3A_887 : vector<16xi32>
        %add3A_889 = arith.addi %add3A_882, %add3A_888 : vector<16xi32>
        %shift_left3A_890 = arith.constant 17 : i32
        %shift_left3A_891 = vector.broadcast %shift_left3A_890 : i32 to vector<16xi32>
        %shift_left3A_892 = arith.shli %add3A_888, %shift_left3A_891 : vector<16xi32>
        %shift_right_logical3A_893 = arith.constant 15 : i32
        %shift_right_logical3A_894 = vector.broadcast %shift_right_logical3A_893 : i32 to vector<16xi32>
        %shift_right_logical3A_895 = arith.shrui %add3A_888, %shift_right_logical3A_894 : vector<16xi32>
        %or3A_896 = arith.ori %shift_left3A_892, %shift_right_logical3A_895 : vector<16xi32>
        %xor3A_897 = arith.xori %or3A_896, %add3A_889 : vector<16xi32>
        %add3A_898 = arith.addi %add3A_889, %xor3A_897 : vector<16xi32>
        %shift_left3A_899 = arith.constant 29 : i32
        %shift_left3A_900 = vector.broadcast %shift_left3A_899 : i32 to vector<16xi32>
        %shift_left3A_901 = arith.shli %xor3A_897, %shift_left3A_900 : vector<16xi32>
        %shift_right_logical3A_902 = arith.constant 3 : i32
        %shift_right_logical3A_903 = vector.broadcast %shift_right_logical3A_902 : i32 to vector<16xi32>
        %shift_right_logical3A_904 = arith.shrui %xor3A_897, %shift_right_logical3A_903 : vector<16xi32>
        %or3A_905 = arith.ori %shift_left3A_901, %shift_right_logical3A_904 : vector<16xi32>
        %xor3A_906 = arith.xori %or3A_905, %add3A_898 : vector<16xi32>
        %add3A_907 = arith.addi %add3A_898, %xor3A_906 : vector<16xi32>
        %shift_left3A_908 = arith.constant 16 : i32
        %shift_left3A_909 = vector.broadcast %shift_left3A_908 : i32 to vector<16xi32>
        %shift_left3A_910 = arith.shli %xor3A_906, %shift_left3A_909 : vector<16xi32>
        %shift_right_logical3A_911 = arith.constant 16 : i32
        %shift_right_logical3A_912 = vector.broadcast %shift_right_logical3A_911 : i32 to vector<16xi32>
        %shift_right_logical3A_913 = arith.shrui %xor3A_906, %shift_right_logical3A_912 : vector<16xi32>
        %or3A_914 = arith.ori %shift_left3A_910, %shift_right_logical3A_913 : vector<16xi32>
        %xor3A_915 = arith.xori %or3A_914, %add3A_907 : vector<16xi32>
        %add3A_916 = arith.addi %add3A_907, %xor3A_915 : vector<16xi32>
        %shift_left3A_917 = arith.constant 24 : i32
        %shift_left3A_918 = vector.broadcast %shift_left3A_917 : i32 to vector<16xi32>
        %shift_left3A_919 = arith.shli %xor3A_915, %shift_left3A_918 : vector<16xi32>
        %shift_right_logical3A_920 = arith.constant 8 : i32
        %shift_right_logical3A_921 = vector.broadcast %shift_right_logical3A_920 : i32 to vector<16xi32>
        %shift_right_logical3A_922 = arith.shrui %xor3A_915, %shift_right_logical3A_921 : vector<16xi32>
        %or3A_923 = arith.ori %shift_left3A_919, %shift_right_logical3A_922 : vector<16xi32>
        %xor3A_924 = arith.xori %or3A_923, %add3A_916 : vector<16xi32>
        %add3A_925 = arith.constant 1724713080 : i32
        %add3A_926 = vector.broadcast %add3A_925 : i32 to vector<16xi32>
        %add3A_927 = arith.addi %add3A_916, %add3A_926 : vector<16xi32>
        %add3A_928 = arith.constant 1832780943 : i32
        %add3A_929 = vector.broadcast %add3A_928 : i32 to vector<16xi32>
        %add3A_930 = arith.addi %xor3A_924, %add3A_929 : vector<16xi32>
        %add3A_931 = arith.constant 2 : i32
        %add3A_932 = vector.broadcast %add3A_931 : i32 to vector<16xi32>
        %add3A_933 = arith.addi %add3A_930, %add3A_932 : vector<16xi32>
        %add3A_934 = arith.addi %add3A_927, %add3A_933 : vector<16xi32>
        %shift_left3A_935 = arith.constant 13 : i32
        %shift_left3A_936 = vector.broadcast %shift_left3A_935 : i32 to vector<16xi32>
        %shift_left3A_937 = arith.shli %add3A_933, %shift_left3A_936 : vector<16xi32>
        %shift_right_logical3A_938 = arith.constant 19 : i32
        %shift_right_logical3A_939 = vector.broadcast %shift_right_logical3A_938 : i32 to vector<16xi32>
        %shift_right_logical3A_940 = arith.shrui %add3A_933, %shift_right_logical3A_939 : vector<16xi32>
        %or3A_941 = arith.ori %shift_left3A_937, %shift_right_logical3A_940 : vector<16xi32>
        %xor3A_942 = arith.xori %or3A_941, %add3A_934 : vector<16xi32>
        %add3A_943 = arith.addi %add3A_934, %xor3A_942 : vector<16xi32>
        %shift_left3A_944 = arith.constant 15 : i32
        %shift_left3A_945 = vector.broadcast %shift_left3A_944 : i32 to vector<16xi32>
        %shift_left3A_946 = arith.shli %xor3A_942, %shift_left3A_945 : vector<16xi32>
        %shift_right_logical3A_947 = arith.constant 17 : i32
        %shift_right_logical3A_948 = vector.broadcast %shift_right_logical3A_947 : i32 to vector<16xi32>
        %shift_right_logical3A_949 = arith.shrui %xor3A_942, %shift_right_logical3A_948 : vector<16xi32>
        %or3A_950 = arith.ori %shift_left3A_946, %shift_right_logical3A_949 : vector<16xi32>
        %xor3A_951 = arith.xori %or3A_950, %add3A_943 : vector<16xi32>
        %add3A_952 = arith.addi %add3A_943, %xor3A_951 : vector<16xi32>
        %shift_left3A_953 = arith.constant 26 : i32
        %shift_left3A_954 = vector.broadcast %shift_left3A_953 : i32 to vector<16xi32>
        %shift_left3A_955 = arith.shli %xor3A_951, %shift_left3A_954 : vector<16xi32>
        %shift_right_logical3A_956 = arith.constant 6 : i32
        %shift_right_logical3A_957 = vector.broadcast %shift_right_logical3A_956 : i32 to vector<16xi32>
        %shift_right_logical3A_958 = arith.shrui %xor3A_951, %shift_right_logical3A_957 : vector<16xi32>
        %or3A_959 = arith.ori %shift_left3A_955, %shift_right_logical3A_958 : vector<16xi32>
        %xor3A_960 = arith.xori %or3A_959, %add3A_952 : vector<16xi32>
        %add3A_961 = arith.addi %add3A_952, %xor3A_960 : vector<16xi32>
        %shift_left3A_962 = arith.constant 6 : i32
        %shift_left3A_963 = vector.broadcast %shift_left3A_962 : i32 to vector<16xi32>
        %shift_left3A_964 = arith.shli %xor3A_960, %shift_left3A_963 : vector<16xi32>
        %shift_right_logical3A_965 = arith.constant 26 : i32
        %shift_right_logical3A_966 = vector.broadcast %shift_right_logical3A_965 : i32 to vector<16xi32>
        %shift_right_logical3A_967 = arith.shrui %xor3A_960, %shift_right_logical3A_966 : vector<16xi32>
        %or3A_968 = arith.ori %shift_left3A_964, %shift_right_logical3A_967 : vector<16xi32>
        %xor3A_969 = arith.xori %or3A_968, %add3A_961 : vector<16xi32>
        %add3A_970 = arith.constant 1832780943 : i32
        %add3A_971 = vector.broadcast %add3A_970 : i32 to vector<16xi32>
        %add3A_972 = arith.addi %add3A_961, %add3A_971 : vector<16xi32>
        %add3A_973 = arith.constant 270669613 : i32
        %add3A_974 = vector.broadcast %add3A_973 : i32 to vector<16xi32>
        %add3A_975 = arith.addi %xor3A_969, %add3A_974 : vector<16xi32>
        %add3A_976 = arith.constant 3 : i32
        %add3A_977 = vector.broadcast %add3A_976 : i32 to vector<16xi32>
        %add3A_978 = arith.addi %add3A_975, %add3A_977 : vector<16xi32>
        %add3A_979 = arith.addi %add3A_972, %add3A_978 : vector<16xi32>
        %shift_left3A_980 = arith.constant 17 : i32
        %shift_left3A_981 = vector.broadcast %shift_left3A_980 : i32 to vector<16xi32>
        %shift_left3A_982 = arith.shli %add3A_978, %shift_left3A_981 : vector<16xi32>
        %shift_right_logical3A_983 = arith.constant 15 : i32
        %shift_right_logical3A_984 = vector.broadcast %shift_right_logical3A_983 : i32 to vector<16xi32>
        %shift_right_logical3A_985 = arith.shrui %add3A_978, %shift_right_logical3A_984 : vector<16xi32>
        %or3A_986 = arith.ori %shift_left3A_982, %shift_right_logical3A_985 : vector<16xi32>
        %xor3A_987 = arith.xori %or3A_986, %add3A_979 : vector<16xi32>
        %add3A_988 = arith.addi %add3A_979, %xor3A_987 : vector<16xi32>
        %shift_left3A_989 = arith.constant 29 : i32
        %shift_left3A_990 = vector.broadcast %shift_left3A_989 : i32 to vector<16xi32>
        %shift_left3A_991 = arith.shli %xor3A_987, %shift_left3A_990 : vector<16xi32>
        %shift_right_logical3A_992 = arith.constant 3 : i32
        %shift_right_logical3A_993 = vector.broadcast %shift_right_logical3A_992 : i32 to vector<16xi32>
        %shift_right_logical3A_994 = arith.shrui %xor3A_987, %shift_right_logical3A_993 : vector<16xi32>
        %or3A_995 = arith.ori %shift_left3A_991, %shift_right_logical3A_994 : vector<16xi32>
        %xor3A_996 = arith.xori %or3A_995, %add3A_988 : vector<16xi32>
        %add3A_997 = arith.addi %add3A_988, %xor3A_996 : vector<16xi32>
        %shift_left3A_998 = arith.constant 16 : i32
        %shift_left3A_999 = vector.broadcast %shift_left3A_998 : i32 to vector<16xi32>
        %shift_left3A_1000 = arith.shli %xor3A_996, %shift_left3A_999 : vector<16xi32>
        %shift_right_logical3A_1001 = arith.constant 16 : i32
        %shift_right_logical3A_1002 = vector.broadcast %shift_right_logical3A_1001 : i32 to vector<16xi32>
        %shift_right_logical3A_1003 = arith.shrui %xor3A_996, %shift_right_logical3A_1002 : vector<16xi32>
        %or3A_1004 = arith.ori %shift_left3A_1000, %shift_right_logical3A_1003 : vector<16xi32>
        %xor3A_1005 = arith.xori %or3A_1004, %add3A_997 : vector<16xi32>
        %add3A_1006 = arith.addi %add3A_997, %xor3A_1005 : vector<16xi32>
        %shift_left3A_1007 = arith.constant 24 : i32
        %shift_left3A_1008 = vector.broadcast %shift_left3A_1007 : i32 to vector<16xi32>
        %shift_left3A_1009 = arith.shli %xor3A_1005, %shift_left3A_1008 : vector<16xi32>
        %shift_right_logical3A_1010 = arith.constant 8 : i32
        %shift_right_logical3A_1011 = vector.broadcast %shift_right_logical3A_1010 : i32 to vector<16xi32>
        %shift_right_logical3A_1012 = arith.shrui %xor3A_1005, %shift_right_logical3A_1011 : vector<16xi32>
        %or3A_1013 = arith.ori %shift_left3A_1009, %shift_right_logical3A_1012 : vector<16xi32>
        %xor3A_1014 = arith.xori %or3A_1013, %add3A_1006 : vector<16xi32>
        %add3A_1015 = arith.constant 270669613 : i32
        %add3A_1016 = vector.broadcast %add3A_1015 : i32 to vector<16xi32>
        %add3A_1017 = arith.addi %add3A_1006, %add3A_1016 : vector<16xi32>
        %add3A_1018 = arith.constant 1724713080 : i32
        %add3A_1019 = vector.broadcast %add3A_1018 : i32 to vector<16xi32>
        %add3A_1020 = arith.addi %xor3A_1014, %add3A_1019 : vector<16xi32>
        %add3A_1021 = arith.constant 4 : i32
        %add3A_1022 = vector.broadcast %add3A_1021 : i32 to vector<16xi32>
        %add3A_1023 = arith.addi %add3A_1020, %add3A_1022 : vector<16xi32>
        %add3A_1024 = arith.addi %add3A_1017, %add3A_1023 : vector<16xi32>
        %shift_left3A_1025 = arith.constant 13 : i32
        %shift_left3A_1026 = vector.broadcast %shift_left3A_1025 : i32 to vector<16xi32>
        %shift_left3A_1027 = arith.shli %add3A_1023, %shift_left3A_1026 : vector<16xi32>
        %shift_right_logical3A_1028 = arith.constant 19 : i32
        %shift_right_logical3A_1029 = vector.broadcast %shift_right_logical3A_1028 : i32 to vector<16xi32>
        %shift_right_logical3A_1030 = arith.shrui %add3A_1023, %shift_right_logical3A_1029 : vector<16xi32>
        %or3A_1031 = arith.ori %shift_left3A_1027, %shift_right_logical3A_1030 : vector<16xi32>
        %xor3A_1032 = arith.xori %or3A_1031, %add3A_1024 : vector<16xi32>
        %add3A_1033 = arith.addi %add3A_1024, %xor3A_1032 : vector<16xi32>
        %shift_left3A_1034 = arith.constant 15 : i32
        %shift_left3A_1035 = vector.broadcast %shift_left3A_1034 : i32 to vector<16xi32>
        %shift_left3A_1036 = arith.shli %xor3A_1032, %shift_left3A_1035 : vector<16xi32>
        %shift_right_logical3A_1037 = arith.constant 17 : i32
        %shift_right_logical3A_1038 = vector.broadcast %shift_right_logical3A_1037 : i32 to vector<16xi32>
        %shift_right_logical3A_1039 = arith.shrui %xor3A_1032, %shift_right_logical3A_1038 : vector<16xi32>
        %or3A_1040 = arith.ori %shift_left3A_1036, %shift_right_logical3A_1039 : vector<16xi32>
        %xor3A_1041 = arith.xori %or3A_1040, %add3A_1033 : vector<16xi32>
        %add3A_1042 = arith.addi %add3A_1033, %xor3A_1041 : vector<16xi32>
        %shift_left3A_1043 = arith.constant 26 : i32
        %shift_left3A_1044 = vector.broadcast %shift_left3A_1043 : i32 to vector<16xi32>
        %shift_left3A_1045 = arith.shli %xor3A_1041, %shift_left3A_1044 : vector<16xi32>
        %shift_right_logical3A_1046 = arith.constant 6 : i32
        %shift_right_logical3A_1047 = vector.broadcast %shift_right_logical3A_1046 : i32 to vector<16xi32>
        %shift_right_logical3A_1048 = arith.shrui %xor3A_1041, %shift_right_logical3A_1047 : vector<16xi32>
        %or3A_1049 = arith.ori %shift_left3A_1045, %shift_right_logical3A_1048 : vector<16xi32>
        %xor3A_1050 = arith.xori %or3A_1049, %add3A_1042 : vector<16xi32>
        %add3A_1051 = arith.addi %add3A_1042, %xor3A_1050 : vector<16xi32>
        %shift_left3A_1052 = arith.constant 6 : i32
        %shift_left3A_1053 = vector.broadcast %shift_left3A_1052 : i32 to vector<16xi32>
        %shift_left3A_1054 = arith.shli %xor3A_1050, %shift_left3A_1053 : vector<16xi32>
        %shift_right_logical3A_1055 = arith.constant 26 : i32
        %shift_right_logical3A_1056 = vector.broadcast %shift_right_logical3A_1055 : i32 to vector<16xi32>
        %shift_right_logical3A_1057 = arith.shrui %xor3A_1050, %shift_right_logical3A_1056 : vector<16xi32>
        %or3A_1058 = arith.ori %shift_left3A_1054, %shift_right_logical3A_1057 : vector<16xi32>
        %xor3A_1059 = arith.xori %or3A_1058, %add3A_1051 : vector<16xi32>
        %add3A_1060 = arith.constant 1724713080 : i32
        %add3A_1061 = vector.broadcast %add3A_1060 : i32 to vector<16xi32>
        %add3A_1062 = arith.addi %add3A_1051, %add3A_1061 : vector<16xi32>
        %add3A_1063 = arith.constant 1832780943 : i32
        %add3A_1064 = vector.broadcast %add3A_1063 : i32 to vector<16xi32>
        %add3A_1065 = arith.addi %xor3A_1059, %add3A_1064 : vector<16xi32>
        %add3A_1066 = arith.constant 5 : i32
        %add3A_1067 = vector.broadcast %add3A_1066 : i32 to vector<16xi32>
        %add3A_1068 = arith.addi %add3A_1065, %add3A_1067 : vector<16xi32>
        %xor3A_1069 = arith.xori %add3A_1062, %add3A_1068 : vector<16xi32>
        %shift_right_logical3A_1070 = arith.constant 9 : i32
        %shift_right_logical3A_1071 = vector.broadcast %shift_right_logical3A_1070 : i32 to vector<16xi32>
        %shift_right_logical3A_1072 = arith.shrui %xor3A_1069, %shift_right_logical3A_1071 : vector<16xi32>
        %lt3A_1073 = arith.constant 419431 : i32
        %lt3A_1074 = vector.broadcast %lt3A_1073 : i32 to vector<16xi32>
        %lt3A_1075 = arith.cmpi slt, %shift_right_logical3A_1072, %lt3A_1074 : vector<16xi32>
        %gt3A_1076 = arith.constant 2 : i32
        %gt3A_1077 = vector.broadcast %gt3A_1076 : i32 to vector<16xi32>
        %gt3A_1078 = arith.cmpi sgt, %get3A_838, %gt3A_1077 : vector<16xi32>
        %and3A_1079 = arith.andi %lt3A_1075, %gt3A_1078 : vector<16xi1>
        %jit3A_1080 = arith.constant 1 : i32
        %jit3A_1081 = arith.constant 0 : i32
        %broadcast_in_dim3A_1082 = vector.broadcast %jit3A_1080 : i32 to vector<16xi32>
        %broadcast_in_dim3A_1083 = vector.broadcast %jit3A_1081 : i32 to vector<16xi32>
        %select_n3A_1084 = arith.select %and3A_1079, %broadcast_in_dim3A_1082, %broadcast_in_dim3A_1083 : vector<16xi1>, vector<16xi32>
        %sub3A_1085 = arith.constant 1 : i32
        %sub3A_1086 = vector.broadcast %sub3A_1085 : i32 to vector<16xi32>
        %sub3A_1087 = arith.subi %iota3A, %sub3A_1086 : vector<16xi32>
        %max3A_1088 = arith.constant 0 : i32
        %max3A_1089 = vector.broadcast %max3A_1088 : i32 to vector<16xi32>
        %max3A_1090 = arith.maxsi %sub3A_1087, %max3A_1089 : vector<16xi32>
        %broadcast_in_dim3A_1091 = vector.shape_cast %max3A_1090 : vector<16xi32> to vector<16x1xi32>
        %gather3A_1092 = vector.shape_cast %broadcast_in_dim3A_1091 : vector<16x1xi32> to vector<16xi32>
        %gather3A_1093 = tpu.dynamic_gather %select_n3A_1084[%gather3A_1092] in [0] : vector<16xi32>, vector<16xi32> -> vector<16xi32>
        %ge3A_1094 = arith.constant 1 : i32
        %ge3A_1095 = vector.broadcast %ge3A_1094 : i32 to vector<16xi32>
        %ge3A_1096 = arith.cmpi sge, %iota3A, %ge3A_1095 : vector<16xi32>
        %jit3A_1097 = arith.constant 0 : i32
        %broadcast_in_dim3A_1098 = vector.broadcast %jit3A_1097 : i32 to vector<16xi32>
        %select_n3A_1099 = arith.select %ge3A_1096, %gather3A_1093, %broadcast_in_dim3A_1098 : vector<16xi1>, vector<16xi32>
        %add3A_1100 = arith.addi %select_n3A_1084, %select_n3A_1099 : vector<16xi32>
        %sub3A_1101 = arith.constant 2 : i32
        %sub3A_1102 = vector.broadcast %sub3A_1101 : i32 to vector<16xi32>
        %sub3A_1103 = arith.subi %iota3A, %sub3A_1102 : vector<16xi32>
        %max3A_1104 = arith.constant 0 : i32
        %max3A_1105 = vector.broadcast %max3A_1104 : i32 to vector<16xi32>
        %max3A_1106 = arith.maxsi %sub3A_1103, %max3A_1105 : vector<16xi32>
        %broadcast_in_dim3A_1107 = vector.shape_cast %max3A_1106 : vector<16xi32> to vector<16x1xi32>
        %gather3A_1108 = vector.shape_cast %broadcast_in_dim3A_1107 : vector<16x1xi32> to vector<16xi32>
        %gather3A_1109 = tpu.dynamic_gather %add3A_1100[%gather3A_1108] in [0] : vector<16xi32>, vector<16xi32> -> vector<16xi32>
        %ge3A_1110 = arith.constant 2 : i32
        %ge3A_1111 = vector.broadcast %ge3A_1110 : i32 to vector<16xi32>
        %ge3A_1112 = arith.cmpi sge, %iota3A, %ge3A_1111 : vector<16xi32>
        %jit3A_1113 = arith.constant 0 : i32
        %broadcast_in_dim3A_1114 = vector.broadcast %jit3A_1113 : i32 to vector<16xi32>
        %select_n3A_1115 = arith.select %ge3A_1112, %gather3A_1109, %broadcast_in_dim3A_1114 : vector<16xi1>, vector<16xi32>
        %add3A_1116 = arith.addi %add3A_1100, %select_n3A_1115 : vector<16xi32>
        %sub3A_1117 = arith.constant 4 : i32
        %sub3A_1118 = vector.broadcast %sub3A_1117 : i32 to vector<16xi32>
        %sub3A_1119 = arith.subi %iota3A, %sub3A_1118 : vector<16xi32>
        %max3A_1120 = arith.constant 0 : i32
        %max3A_1121 = vector.broadcast %max3A_1120 : i32 to vector<16xi32>
        %max3A_1122 = arith.maxsi %sub3A_1119, %max3A_1121 : vector<16xi32>
        %broadcast_in_dim3A_1123 = vector.shape_cast %max3A_1122 : vector<16xi32> to vector<16x1xi32>
        %gather3A_1124 = vector.shape_cast %broadcast_in_dim3A_1123 : vector<16x1xi32> to vector<16xi32>
        %gather3A_1125 = tpu.dynamic_gather %add3A_1116[%gather3A_1124] in [0] : vector<16xi32>, vector<16xi32> -> vector<16xi32>
        %ge3A_1126 = arith.constant 4 : i32
        %ge3A_1127 = vector.broadcast %ge3A_1126 : i32 to vector<16xi32>
        %ge3A_1128 = arith.cmpi sge, %iota3A, %ge3A_1127 : vector<16xi32>
        %jit3A_1129 = arith.constant 0 : i32
        %broadcast_in_dim3A_1130 = vector.broadcast %jit3A_1129 : i32 to vector<16xi32>
        %select_n3A_1131 = arith.select %ge3A_1128, %gather3A_1125, %broadcast_in_dim3A_1130 : vector<16xi1>, vector<16xi32>
        %add3A_1132 = arith.addi %add3A_1116, %select_n3A_1131 : vector<16xi32>
        %sub3A_1133 = arith.constant 8 : i32
        %sub3A_1134 = vector.broadcast %sub3A_1133 : i32 to vector<16xi32>
        %sub3A_1135 = arith.subi %iota3A, %sub3A_1134 : vector<16xi32>
        %max3A_1136 = arith.constant 0 : i32
        %max3A_1137 = vector.broadcast %max3A_1136 : i32 to vector<16xi32>
        %max3A_1138 = arith.maxsi %sub3A_1135, %max3A_1137 : vector<16xi32>
        %broadcast_in_dim3A_1139 = vector.shape_cast %max3A_1138 : vector<16xi32> to vector<16x1xi32>
        %gather3A_1140 = vector.shape_cast %broadcast_in_dim3A_1139 : vector<16x1xi32> to vector<16xi32>
        %gather3A_1141 = tpu.dynamic_gather %add3A_1132[%gather3A_1140] in [0] : vector<16xi32>, vector<16xi32> -> vector<16xi32>
        %ge3A_1142 = arith.constant 8 : i32
        %ge3A_1143 = vector.broadcast %ge3A_1142 : i32 to vector<16xi32>
        %ge3A_1144 = arith.cmpi sge, %iota3A, %ge3A_1143 : vector<16xi32>
        %jit3A_1145 = arith.constant 0 : i32
        %broadcast_in_dim3A_1146 = vector.broadcast %jit3A_1145 : i32 to vector<16xi32>
        %select_n3A_1147 = arith.select %ge3A_1144, %gather3A_1141, %broadcast_in_dim3A_1146 : vector<16xi1>, vector<16xi32>
        %add3A_1148 = arith.addi %add3A_1132, %select_n3A_1147 : vector<16xi32>
        %broadcast_in_dim3A_1149 = arith.constant 0 : i32
        %broadcast_in_dim3A_1150 = vector.broadcast %broadcast_in_dim3A_1149 : i32 to vector<16xi32>
        %add3A_1151 = arith.constant 1 : i32
        %add3A_1152 = vector.broadcast %add3A_1151 : i32 to vector<16xi32>
        %add3A_1153 = arith.addi %iota3A, %add3A_1152 : vector<16xi32>
        %add3A_1154 = arith.constant 8 : i32
        %add3A_1155 = vector.broadcast %add3A_1154 : i32 to vector<16xi32>
        %add3A_1156 = arith.addi %broadcast_in_dim3A_1150, %add3A_1155 : vector<16xi32>
        %sub3A_1157 = arith.constant 1 : i32
        %sub3A_1158 = vector.broadcast %sub3A_1157 : i32 to vector<16xi32>
        %sub3A_1159 = arith.subi %add3A_1156, %sub3A_1158 : vector<16xi32>
        %min3A_1160 = arith.constant 15 : i32
        %min3A_1161 = vector.broadcast %min3A_1160 : i32 to vector<16xi32>
        %min3A_1162 = arith.minsi %sub3A_1159, %min3A_1161 : vector<16xi32>
        %broadcast_in_dim3A_1163 = vector.shape_cast %min3A_1162 : vector<16xi32> to vector<16x1xi32>
        %gather3A_1164 = vector.shape_cast %broadcast_in_dim3A_1163 : vector<16x1xi32> to vector<16xi32>
        %gather3A_1165 = tpu.dynamic_gather %add3A_1148[%gather3A_1164] in [0] : vector<16xi32>, vector<16xi32> -> vector<16xi32>
        %lt3A_1166 = arith.cmpi slt, %gather3A_1165, %add3A_1153 : vector<16xi32>
        %select_n3A_1167 = arith.select %lt3A_1166, %add3A_1156, %broadcast_in_dim3A_1150 : vector<16xi1>, vector<16xi32>
        %add3A_1168 = arith.constant 4 : i32
        %add3A_1169 = vector.broadcast %add3A_1168 : i32 to vector<16xi32>
        %add3A_1170 = arith.addi %select_n3A_1167, %add3A_1169 : vector<16xi32>
        %sub3A_1171 = arith.constant 1 : i32
        %sub3A_1172 = vector.broadcast %sub3A_1171 : i32 to vector<16xi32>
        %sub3A_1173 = arith.subi %add3A_1170, %sub3A_1172 : vector<16xi32>
        %min3A_1174 = arith.constant 15 : i32
        %min3A_1175 = vector.broadcast %min3A_1174 : i32 to vector<16xi32>
        %min3A_1176 = arith.minsi %sub3A_1173, %min3A_1175 : vector<16xi32>
        %broadcast_in_dim3A_1177 = vector.shape_cast %min3A_1176 : vector<16xi32> to vector<16x1xi32>
        %gather3A_1178 = vector.shape_cast %broadcast_in_dim3A_1177 : vector<16x1xi32> to vector<16xi32>
        %gather3A_1179 = tpu.dynamic_gather %add3A_1148[%gather3A_1178] in [0] : vector<16xi32>, vector<16xi32> -> vector<16xi32>
        %lt3A_1180 = arith.cmpi slt, %gather3A_1179, %add3A_1153 : vector<16xi32>
        %select_n3A_1181 = arith.select %lt3A_1180, %add3A_1170, %select_n3A_1167 : vector<16xi1>, vector<16xi32>
        %add3A_1182 = arith.constant 2 : i32
        %add3A_1183 = vector.broadcast %add3A_1182 : i32 to vector<16xi32>
        %add3A_1184 = arith.addi %select_n3A_1181, %add3A_1183 : vector<16xi32>
        %sub3A_1185 = arith.constant 1 : i32
        %sub3A_1186 = vector.broadcast %sub3A_1185 : i32 to vector<16xi32>
        %sub3A_1187 = arith.subi %add3A_1184, %sub3A_1186 : vector<16xi32>
        %min3A_1188 = arith.constant 15 : i32
        %min3A_1189 = vector.broadcast %min3A_1188 : i32 to vector<16xi32>
        %min3A_1190 = arith.minsi %sub3A_1187, %min3A_1189 : vector<16xi32>
        %broadcast_in_dim3A_1191 = vector.shape_cast %min3A_1190 : vector<16xi32> to vector<16x1xi32>
        %gather3A_1192 = vector.shape_cast %broadcast_in_dim3A_1191 : vector<16x1xi32> to vector<16xi32>
        %gather3A_1193 = tpu.dynamic_gather %add3A_1148[%gather3A_1192] in [0] : vector<16xi32>, vector<16xi32> -> vector<16xi32>
        %lt3A_1194 = arith.cmpi slt, %gather3A_1193, %add3A_1153 : vector<16xi32>
        %select_n3A_1195 = arith.select %lt3A_1194, %add3A_1184, %select_n3A_1181 : vector<16xi1>, vector<16xi32>
        %add3A_1196 = arith.constant 1 : i32
        %add3A_1197 = vector.broadcast %add3A_1196 : i32 to vector<16xi32>
        %add3A_1198 = arith.addi %select_n3A_1195, %add3A_1197 : vector<16xi32>
        %sub3A_1199 = arith.constant 1 : i32
        %sub3A_1200 = vector.broadcast %sub3A_1199 : i32 to vector<16xi32>
        %sub3A_1201 = arith.subi %add3A_1198, %sub3A_1200 : vector<16xi32>
        %min3A_1202 = arith.constant 15 : i32
        %min3A_1203 = vector.broadcast %min3A_1202 : i32 to vector<16xi32>
        %min3A_1204 = arith.minsi %sub3A_1201, %min3A_1203 : vector<16xi32>
        %broadcast_in_dim3A_1205 = vector.shape_cast %min3A_1204 : vector<16xi32> to vector<16x1xi32>
        %gather3A_1206 = vector.shape_cast %broadcast_in_dim3A_1205 : vector<16x1xi32> to vector<16xi32>
        %gather3A_1207 = tpu.dynamic_gather %add3A_1148[%gather3A_1206] in [0] : vector<16xi32>, vector<16xi32> -> vector<16xi32>
        %lt3A_1208 = arith.cmpi slt, %gather3A_1207, %add3A_1153 : vector<16xi32>
        %select_n3A_1209 = arith.select %lt3A_1208, %add3A_1198, %select_n3A_1195 : vector<16xi1>, vector<16xi32>
        %min3A_1210 = arith.constant 15 : i32
        %min3A_1211 = vector.broadcast %min3A_1210 : i32 to vector<16xi32>
        %min3A_1212 = arith.minsi %select_n3A_1209, %min3A_1211 : vector<16xi32>
        %add3A_1213 = vector.broadcast %mul3A_832 : i32 to vector<16xi32>
        %add3A_1214 = arith.addi %min3A_1212, %add3A_1213 : vector<16xi32>
        %swap3A_1215 = arith.index_cast %add3A_826 : i32 to index
        %swap3A_1216 = tpu.vector_load %arg5[%swap3A_1215] {strides = array<i32>} : memref<272xi32, #tpu.memory_space<vmem>>, vector<16xi32>,
        %swap3A_1217 = vector.shape_cast %swap3A_1216 : vector<16xi32> to vector<16xi32>
        %swap3A_1218 = vector.shape_cast %add3A_1214 : vector<16xi32> to vector<16xi32>
        tpu.vector_store %arg5[%swap3A_1215], %swap3A_1218 {strides = array<i32>} : memref<272xi32, #tpu.memory_space<vmem>>, vector<16xi32>,
        %slice3A_1219 = vector.extract_strided_slice %add3A_1148 {offsets = [15], sizes = [1], strides = [1]} : vector<16xi32> to vector<1xi32>
        %squeeze3A_1220 = vector.extract %slice3A_1219[0] : i32 from vector<1xi32>
        %add3A_1221 = arith.addi %add3A_826, %squeeze3A_1220 : i32
        %mul3A_1222 = arith.constant 4 : i32
        %mul3A_1223 = arith.muli %scan3A_49, %mul3A_1222 : i32
        %add3A_1224 = arith.constant 3 : i32
        %add3A_1225 = arith.addi %mul3A_1223, %add3A_1224 : i32
        %mul3A_1226 = arith.constant 16 : i32
        %mul3A_1227 = arith.muli %add3A_1225, %mul3A_1226 : i32
        %add3A_1228 = arith.addi %add3A_13, %mul3A_1227 : i32
        %add3A_1229 = vector.broadcast %add3A_1228 : i32 to vector<16xi32>
        %add3A_1230 = arith.addi %iota3A, %add3A_1229 : vector<16xi32>
        %get3A_1231 = arith.index_cast %mul3A_1227 : i32 to index
        %get3A_1232 = tpu.vector_load %arg4[%get3A_1231] {strides = array<i32>} : memref<4096xi32, #tpu.memory_space<vmem>>, vector<16xi32>,
        %get3A_1233 = vector.shape_cast %get3A_1232 : vector<16xi32> to vector<16xi32>
        %broadcast_in_dim3A_1234 = arith.constant 1832780943 : i32
        %broadcast_in_dim3A_1235 = vector.broadcast %broadcast_in_dim3A_1234 : i32 to vector<16xi32>
        %add3A_1236 = arith.constant 270669613 : i32
        %add3A_1237 = vector.broadcast %add3A_1236 : i32 to vector<16xi32>
        %add3A_1238 = arith.addi %add3A_1230, %add3A_1237 : vector<16xi32>
        %add3A_1239 = arith.addi %broadcast_in_dim3A_1235, %add3A_1238 : vector<16xi32>
        %shift_left3A_1240 = arith.constant 13 : i32
        %shift_left3A_1241 = vector.broadcast %shift_left3A_1240 : i32 to vector<16xi32>
        %shift_left3A_1242 = arith.shli %add3A_1238, %shift_left3A_1241 : vector<16xi32>
        %shift_right_logical3A_1243 = arith.constant 19 : i32
        %shift_right_logical3A_1244 = vector.broadcast %shift_right_logical3A_1243 : i32 to vector<16xi32>
        %shift_right_logical3A_1245 = arith.shrui %add3A_1238, %shift_right_logical3A_1244 : vector<16xi32>
        %or3A_1246 = arith.ori %shift_left3A_1242, %shift_right_logical3A_1245 : vector<16xi32>
        %xor3A_1247 = arith.xori %or3A_1246, %add3A_1239 : vector<16xi32>
        %add3A_1248 = arith.addi %add3A_1239, %xor3A_1247 : vector<16xi32>
        %shift_left3A_1249 = arith.constant 15 : i32
        %shift_left3A_1250 = vector.broadcast %shift_left3A_1249 : i32 to vector<16xi32>
        %shift_left3A_1251 = arith.shli %xor3A_1247, %shift_left3A_1250 : vector<16xi32>
        %shift_right_logical3A_1252 = arith.constant 17 : i32
        %shift_right_logical3A_1253 = vector.broadcast %shift_right_logical3A_1252 : i32 to vector<16xi32>
        %shift_right_logical3A_1254 = arith.shrui %xor3A_1247, %shift_right_logical3A_1253 : vector<16xi32>
        %or3A_1255 = arith.ori %shift_left3A_1251, %shift_right_logical3A_1254 : vector<16xi32>
        %xor3A_1256 = arith.xori %or3A_1255, %add3A_1248 : vector<16xi32>
        %add3A_1257 = arith.addi %add3A_1248, %xor3A_1256 : vector<16xi32>
        %shift_left3A_1258 = arith.constant 26 : i32
        %shift_left3A_1259 = vector.broadcast %shift_left3A_1258 : i32 to vector<16xi32>
        %shift_left3A_1260 = arith.shli %xor3A_1256, %shift_left3A_1259 : vector<16xi32>
        %shift_right_logical3A_1261 = arith.constant 6 : i32
        %shift_right_logical3A_1262 = vector.broadcast %shift_right_logical3A_1261 : i32 to vector<16xi32>
        %shift_right_logical3A_1263 = arith.shrui %xor3A_1256, %shift_right_logical3A_1262 : vector<16xi32>
        %or3A_1264 = arith.ori %shift_left3A_1260, %shift_right_logical3A_1263 : vector<16xi32>
        %xor3A_1265 = arith.xori %or3A_1264, %add3A_1257 : vector<16xi32>
        %add3A_1266 = arith.addi %add3A_1257, %xor3A_1265 : vector<16xi32>
        %shift_left3A_1267 = arith.constant 6 : i32
        %shift_left3A_1268 = vector.broadcast %shift_left3A_1267 : i32 to vector<16xi32>
        %shift_left3A_1269 = arith.shli %xor3A_1265, %shift_left3A_1268 : vector<16xi32>
        %shift_right_logical3A_1270 = arith.constant 26 : i32
        %shift_right_logical3A_1271 = vector.broadcast %shift_right_logical3A_1270 : i32 to vector<16xi32>
        %shift_right_logical3A_1272 = arith.shrui %xor3A_1265, %shift_right_logical3A_1271 : vector<16xi32>
        %or3A_1273 = arith.ori %shift_left3A_1269, %shift_right_logical3A_1272 : vector<16xi32>
        %xor3A_1274 = arith.xori %or3A_1273, %add3A_1266 : vector<16xi32>
        %add3A_1275 = arith.constant 270669613 : i32
        %add3A_1276 = vector.broadcast %add3A_1275 : i32 to vector<16xi32>
        %add3A_1277 = arith.addi %add3A_1266, %add3A_1276 : vector<16xi32>
        %add3A_1278 = arith.constant 1724713080 : i32
        %add3A_1279 = vector.broadcast %add3A_1278 : i32 to vector<16xi32>
        %add3A_1280 = arith.addi %xor3A_1274, %add3A_1279 : vector<16xi32>
        %add3A_1281 = arith.constant 1 : i32
        %add3A_1282 = vector.broadcast %add3A_1281 : i32 to vector<16xi32>
        %add3A_1283 = arith.addi %add3A_1280, %add3A_1282 : vector<16xi32>
        %add3A_1284 = arith.addi %add3A_1277, %add3A_1283 : vector<16xi32>
        %shift_left3A_1285 = arith.constant 17 : i32
        %shift_left3A_1286 = vector.broadcast %shift_left3A_1285 : i32 to vector<16xi32>
        %shift_left3A_1287 = arith.shli %add3A_1283, %shift_left3A_1286 : vector<16xi32>
        %shift_right_logical3A_1288 = arith.constant 15 : i32
        %shift_right_logical3A_1289 = vector.broadcast %shift_right_logical3A_1288 : i32 to vector<16xi32>
        %shift_right_logical3A_1290 = arith.shrui %add3A_1283, %shift_right_logical3A_1289 : vector<16xi32>
        %or3A_1291 = arith.ori %shift_left3A_1287, %shift_right_logical3A_1290 : vector<16xi32>
        %xor3A_1292 = arith.xori %or3A_1291, %add3A_1284 : vector<16xi32>
        %add3A_1293 = arith.addi %add3A_1284, %xor3A_1292 : vector<16xi32>
        %shift_left3A_1294 = arith.constant 29 : i32
        %shift_left3A_1295 = vector.broadcast %shift_left3A_1294 : i32 to vector<16xi32>
        %shift_left3A_1296 = arith.shli %xor3A_1292, %shift_left3A_1295 : vector<16xi32>
        %shift_right_logical3A_1297 = arith.constant 3 : i32
        %shift_right_logical3A_1298 = vector.broadcast %shift_right_logical3A_1297 : i32 to vector<16xi32>
        %shift_right_logical3A_1299 = arith.shrui %xor3A_1292, %shift_right_logical3A_1298 : vector<16xi32>
        %or3A_1300 = arith.ori %shift_left3A_1296, %shift_right_logical3A_1299 : vector<16xi32>
        %xor3A_1301 = arith.xori %or3A_1300, %add3A_1293 : vector<16xi32>
        %add3A_1302 = arith.addi %add3A_1293, %xor3A_1301 : vector<16xi32>
        %shift_left3A_1303 = arith.constant 16 : i32
        %shift_left3A_1304 = vector.broadcast %shift_left3A_1303 : i32 to vector<16xi32>
        %shift_left3A_1305 = arith.shli %xor3A_1301, %shift_left3A_1304 : vector<16xi32>
        %shift_right_logical3A_1306 = arith.constant 16 : i32
        %shift_right_logical3A_1307 = vector.broadcast %shift_right_logical3A_1306 : i32 to vector<16xi32>
        %shift_right_logical3A_1308 = arith.shrui %xor3A_1301, %shift_right_logical3A_1307 : vector<16xi32>
        %or3A_1309 = arith.ori %shift_left3A_1305, %shift_right_logical3A_1308 : vector<16xi32>
        %xor3A_1310 = arith.xori %or3A_1309, %add3A_1302 : vector<16xi32>
        %add3A_1311 = arith.addi %add3A_1302, %xor3A_1310 : vector<16xi32>
        %shift_left3A_1312 = arith.constant 24 : i32
        %shift_left3A_1313 = vector.broadcast %shift_left3A_1312 : i32 to vector<16xi32>
        %shift_left3A_1314 = arith.shli %xor3A_1310, %shift_left3A_1313 : vector<16xi32>
        %shift_right_logical3A_1315 = arith.constant 8 : i32
        %shift_right_logical3A_1316 = vector.broadcast %shift_right_logical3A_1315 : i32 to vector<16xi32>
        %shift_right_logical3A_1317 = arith.shrui %xor3A_1310, %shift_right_logical3A_1316 : vector<16xi32>
        %or3A_1318 = arith.ori %shift_left3A_1314, %shift_right_logical3A_1317 : vector<16xi32>
        %xor3A_1319 = arith.xori %or3A_1318, %add3A_1311 : vector<16xi32>
        %add3A_1320 = arith.constant 1724713080 : i32
        %add3A_1321 = vector.broadcast %add3A_1320 : i32 to vector<16xi32>
        %add3A_1322 = arith.addi %add3A_1311, %add3A_1321 : vector<16xi32>
        %add3A_1323 = arith.constant 1832780943 : i32
        %add3A_1324 = vector.broadcast %add3A_1323 : i32 to vector<16xi32>
        %add3A_1325 = arith.addi %xor3A_1319, %add3A_1324 : vector<16xi32>
        %add3A_1326 = arith.constant 2 : i32
        %add3A_1327 = vector.broadcast %add3A_1326 : i32 to vector<16xi32>
        %add3A_1328 = arith.addi %add3A_1325, %add3A_1327 : vector<16xi32>
        %add3A_1329 = arith.addi %add3A_1322, %add3A_1328 : vector<16xi32>
        %shift_left3A_1330 = arith.constant 13 : i32
        %shift_left3A_1331 = vector.broadcast %shift_left3A_1330 : i32 to vector<16xi32>
        %shift_left3A_1332 = arith.shli %add3A_1328, %shift_left3A_1331 : vector<16xi32>
        %shift_right_logical3A_1333 = arith.constant 19 : i32
        %shift_right_logical3A_1334 = vector.broadcast %shift_right_logical3A_1333 : i32 to vector<16xi32>
        %shift_right_logical3A_1335 = arith.shrui %add3A_1328, %shift_right_logical3A_1334 : vector<16xi32>
        %or3A_1336 = arith.ori %shift_left3A_1332, %shift_right_logical3A_1335 : vector<16xi32>
        %xor3A_1337 = arith.xori %or3A_1336, %add3A_1329 : vector<16xi32>
        %add3A_1338 = arith.addi %add3A_1329, %xor3A_1337 : vector<16xi32>
        %shift_left3A_1339 = arith.constant 15 : i32
        %shift_left3A_1340 = vector.broadcast %shift_left3A_1339 : i32 to vector<16xi32>
        %shift_left3A_1341 = arith.shli %xor3A_1337, %shift_left3A_1340 : vector<16xi32>
        %shift_right_logical3A_1342 = arith.constant 17 : i32
        %shift_right_logical3A_1343 = vector.broadcast %shift_right_logical3A_1342 : i32 to vector<16xi32>
        %shift_right_logical3A_1344 = arith.shrui %xor3A_1337, %shift_right_logical3A_1343 : vector<16xi32>
        %or3A_1345 = arith.ori %shift_left3A_1341, %shift_right_logical3A_1344 : vector<16xi32>
        %xor3A_1346 = arith.xori %or3A_1345, %add3A_1338 : vector<16xi32>
        %add3A_1347 = arith.addi %add3A_1338, %xor3A_1346 : vector<16xi32>
        %shift_left3A_1348 = arith.constant 26 : i32
        %shift_left3A_1349 = vector.broadcast %shift_left3A_1348 : i32 to vector<16xi32>
        %shift_left3A_1350 = arith.shli %xor3A_1346, %shift_left3A_1349 : vector<16xi32>
        %shift_right_logical3A_1351 = arith.constant 6 : i32
        %shift_right_logical3A_1352 = vector.broadcast %shift_right_logical3A_1351 : i32 to vector<16xi32>
        %shift_right_logical3A_1353 = arith.shrui %xor3A_1346, %shift_right_logical3A_1352 : vector<16xi32>
        %or3A_1354 = arith.ori %shift_left3A_1350, %shift_right_logical3A_1353 : vector<16xi32>
        %xor3A_1355 = arith.xori %or3A_1354, %add3A_1347 : vector<16xi32>
        %add3A_1356 = arith.addi %add3A_1347, %xor3A_1355 : vector<16xi32>
        %shift_left3A_1357 = arith.constant 6 : i32
        %shift_left3A_1358 = vector.broadcast %shift_left3A_1357 : i32 to vector<16xi32>
        %shift_left3A_1359 = arith.shli %xor3A_1355, %shift_left3A_1358 : vector<16xi32>
        %shift_right_logical3A_1360 = arith.constant 26 : i32
        %shift_right_logical3A_1361 = vector.broadcast %shift_right_logical3A_1360 : i32 to vector<16xi32>
        %shift_right_logical3A_1362 = arith.shrui %xor3A_1355, %shift_right_logical3A_1361 : vector<16xi32>
        %or3A_1363 = arith.ori %shift_left3A_1359, %shift_right_logical3A_1362 : vector<16xi32>
        %xor3A_1364 = arith.xori %or3A_1363, %add3A_1356 : vector<16xi32>
        %add3A_1365 = arith.constant 1832780943 : i32
        %add3A_1366 = vector.broadcast %add3A_1365 : i32 to vector<16xi32>
        %add3A_1367 = arith.addi %add3A_1356, %add3A_1366 : vector<16xi32>
        %add3A_1368 = arith.constant 270669613 : i32
        %add3A_1369 = vector.broadcast %add3A_1368 : i32 to vector<16xi32>
        %add3A_1370 = arith.addi %xor3A_1364, %add3A_1369 : vector<16xi32>
        %add3A_1371 = arith.constant 3 : i32
        %add3A_1372 = vector.broadcast %add3A_1371 : i32 to vector<16xi32>
        %add3A_1373 = arith.addi %add3A_1370, %add3A_1372 : vector<16xi32>
        %add3A_1374 = arith.addi %add3A_1367, %add3A_1373 : vector<16xi32>
        %shift_left3A_1375 = arith.constant 17 : i32
        %shift_left3A_1376 = vector.broadcast %shift_left3A_1375 : i32 to vector<16xi32>
        %shift_left3A_1377 = arith.shli %add3A_1373, %shift_left3A_1376 : vector<16xi32>
        %shift_right_logical3A_1378 = arith.constant 15 : i32
        %shift_right_logical3A_1379 = vector.broadcast %shift_right_logical3A_1378 : i32 to vector<16xi32>
        %shift_right_logical3A_1380 = arith.shrui %add3A_1373, %shift_right_logical3A_1379 : vector<16xi32>
        %or3A_1381 = arith.ori %shift_left3A_1377, %shift_right_logical3A_1380 : vector<16xi32>
        %xor3A_1382 = arith.xori %or3A_1381, %add3A_1374 : vector<16xi32>
        %add3A_1383 = arith.addi %add3A_1374, %xor3A_1382 : vector<16xi32>
        %shift_left3A_1384 = arith.constant 29 : i32
        %shift_left3A_1385 = vector.broadcast %shift_left3A_1384 : i32 to vector<16xi32>
        %shift_left3A_1386 = arith.shli %xor3A_1382, %shift_left3A_1385 : vector<16xi32>
        %shift_right_logical3A_1387 = arith.constant 3 : i32
        %shift_right_logical3A_1388 = vector.broadcast %shift_right_logical3A_1387 : i32 to vector<16xi32>
        %shift_right_logical3A_1389 = arith.shrui %xor3A_1382, %shift_right_logical3A_1388 : vector<16xi32>
        %or3A_1390 = arith.ori %shift_left3A_1386, %shift_right_logical3A_1389 : vector<16xi32>
        %xor3A_1391 = arith.xori %or3A_1390, %add3A_1383 : vector<16xi32>
        %add3A_1392 = arith.addi %add3A_1383, %xor3A_1391 : vector<16xi32>
        %shift_left3A_1393 = arith.constant 16 : i32
        %shift_left3A_1394 = vector.broadcast %shift_left3A_1393 : i32 to vector<16xi32>
        %shift_left3A_1395 = arith.shli %xor3A_1391, %shift_left3A_1394 : vector<16xi32>
        %shift_right_logical3A_1396 = arith.constant 16 : i32
        %shift_right_logical3A_1397 = vector.broadcast %shift_right_logical3A_1396 : i32 to vector<16xi32>
        %shift_right_logical3A_1398 = arith.shrui %xor3A_1391, %shift_right_logical3A_1397 : vector<16xi32>
        %or3A_1399 = arith.ori %shift_left3A_1395, %shift_right_logical3A_1398 : vector<16xi32>
        %xor3A_1400 = arith.xori %or3A_1399, %add3A_1392 : vector<16xi32>
        %add3A_1401 = arith.addi %add3A_1392, %xor3A_1400 : vector<16xi32>
        %shift_left3A_1402 = arith.constant 24 : i32
        %shift_left3A_1403 = vector.broadcast %shift_left3A_1402 : i32 to vector<16xi32>
        %shift_left3A_1404 = arith.shli %xor3A_1400, %shift_left3A_1403 : vector<16xi32>
        %shift_right_logical3A_1405 = arith.constant 8 : i32
        %shift_right_logical3A_1406 = vector.broadcast %shift_right_logical3A_1405 : i32 to vector<16xi32>
        %shift_right_logical3A_1407 = arith.shrui %xor3A_1400, %shift_right_logical3A_1406 : vector<16xi32>
        %or3A_1408 = arith.ori %shift_left3A_1404, %shift_right_logical3A_1407 : vector<16xi32>
        %xor3A_1409 = arith.xori %or3A_1408, %add3A_1401 : vector<16xi32>
        %add3A_1410 = arith.constant 270669613 : i32
        %add3A_1411 = vector.broadcast %add3A_1410 : i32 to vector<16xi32>
        %add3A_1412 = arith.addi %add3A_1401, %add3A_1411 : vector<16xi32>
        %add3A_1413 = arith.constant 1724713080 : i32
        %add3A_1414 = vector.broadcast %add3A_1413 : i32 to vector<16xi32>
        %add3A_1415 = arith.addi %xor3A_1409, %add3A_1414 : vector<16xi32>
        %add3A_1416 = arith.constant 4 : i32
        %add3A_1417 = vector.broadcast %add3A_1416 : i32 to vector<16xi32>
        %add3A_1418 = arith.addi %add3A_1415, %add3A_1417 : vector<16xi32>
        %add3A_1419 = arith.addi %add3A_1412, %add3A_1418 : vector<16xi32>
        %shift_left3A_1420 = arith.constant 13 : i32
        %shift_left3A_1421 = vector.broadcast %shift_left3A_1420 : i32 to vector<16xi32>
        %shift_left3A_1422 = arith.shli %add3A_1418, %shift_left3A_1421 : vector<16xi32>
        %shift_right_logical3A_1423 = arith.constant 19 : i32
        %shift_right_logical3A_1424 = vector.broadcast %shift_right_logical3A_1423 : i32 to vector<16xi32>
        %shift_right_logical3A_1425 = arith.shrui %add3A_1418, %shift_right_logical3A_1424 : vector<16xi32>
        %or3A_1426 = arith.ori %shift_left3A_1422, %shift_right_logical3A_1425 : vector<16xi32>
        %xor3A_1427 = arith.xori %or3A_1426, %add3A_1419 : vector<16xi32>
        %add3A_1428 = arith.addi %add3A_1419, %xor3A_1427 : vector<16xi32>
        %shift_left3A_1429 = arith.constant 15 : i32
        %shift_left3A_1430 = vector.broadcast %shift_left3A_1429 : i32 to vector<16xi32>
        %shift_left3A_1431 = arith.shli %xor3A_1427, %shift_left3A_1430 : vector<16xi32>
        %shift_right_logical3A_1432 = arith.constant 17 : i32
        %shift_right_logical3A_1433 = vector.broadcast %shift_right_logical3A_1432 : i32 to vector<16xi32>
        %shift_right_logical3A_1434 = arith.shrui %xor3A_1427, %shift_right_logical3A_1433 : vector<16xi32>
        %or3A_1435 = arith.ori %shift_left3A_1431, %shift_right_logical3A_1434 : vector<16xi32>
        %xor3A_1436 = arith.xori %or3A_1435, %add3A_1428 : vector<16xi32>
        %add3A_1437 = arith.addi %add3A_1428, %xor3A_1436 : vector<16xi32>
        %shift_left3A_1438 = arith.constant 26 : i32
        %shift_left3A_1439 = vector.broadcast %shift_left3A_1438 : i32 to vector<16xi32>
        %shift_left3A_1440 = arith.shli %xor3A_1436, %shift_left3A_1439 : vector<16xi32>
        %shift_right_logical3A_1441 = arith.constant 6 : i32
        %shift_right_logical3A_1442 = vector.broadcast %shift_right_logical3A_1441 : i32 to vector<16xi32>
        %shift_right_logical3A_1443 = arith.shrui %xor3A_1436, %shift_right_logical3A_1442 : vector<16xi32>
        %or3A_1444 = arith.ori %shift_left3A_1440, %shift_right_logical3A_1443 : vector<16xi32>
        %xor3A_1445 = arith.xori %or3A_1444, %add3A_1437 : vector<16xi32>
        %add3A_1446 = arith.addi %add3A_1437, %xor3A_1445 : vector<16xi32>
        %shift_left3A_1447 = arith.constant 6 : i32
        %shift_left3A_1448 = vector.broadcast %shift_left3A_1447 : i32 to vector<16xi32>
        %shift_left3A_1449 = arith.shli %xor3A_1445, %shift_left3A_1448 : vector<16xi32>
        %shift_right_logical3A_1450 = arith.constant 26 : i32
        %shift_right_logical3A_1451 = vector.broadcast %shift_right_logical3A_1450 : i32 to vector<16xi32>
        %shift_right_logical3A_1452 = arith.shrui %xor3A_1445, %shift_right_logical3A_1451 : vector<16xi32>
        %or3A_1453 = arith.ori %shift_left3A_1449, %shift_right_logical3A_1452 : vector<16xi32>
        %xor3A_1454 = arith.xori %or3A_1453, %add3A_1446 : vector<16xi32>
        %add3A_1455 = arith.constant 1724713080 : i32
        %add3A_1456 = vector.broadcast %add3A_1455 : i32 to vector<16xi32>
        %add3A_1457 = arith.addi %add3A_1446, %add3A_1456 : vector<16xi32>
        %add3A_1458 = arith.constant 1832780943 : i32
        %add3A_1459 = vector.broadcast %add3A_1458 : i32 to vector<16xi32>
        %add3A_1460 = arith.addi %xor3A_1454, %add3A_1459 : vector<16xi32>
        %add3A_1461 = arith.constant 5 : i32
        %add3A_1462 = vector.broadcast %add3A_1461 : i32 to vector<16xi32>
        %add3A_1463 = arith.addi %add3A_1460, %add3A_1462 : vector<16xi32>
        %xor3A_1464 = arith.xori %add3A_1457, %add3A_1463 : vector<16xi32>
        %shift_right_logical3A_1465 = arith.constant 9 : i32
        %shift_right_logical3A_1466 = vector.broadcast %shift_right_logical3A_1465 : i32 to vector<16xi32>
        %shift_right_logical3A_1467 = arith.shrui %xor3A_1464, %shift_right_logical3A_1466 : vector<16xi32>
        %lt3A_1468 = arith.constant 419431 : i32
        %lt3A_1469 = vector.broadcast %lt3A_1468 : i32 to vector<16xi32>
        %lt3A_1470 = arith.cmpi slt, %shift_right_logical3A_1467, %lt3A_1469 : vector<16xi32>
        %gt3A_1471 = arith.constant 2 : i32
        %gt3A_1472 = vector.broadcast %gt3A_1471 : i32 to vector<16xi32>
        %gt3A_1473 = arith.cmpi sgt, %get3A_1233, %gt3A_1472 : vector<16xi32>
        %and3A_1474 = arith.andi %lt3A_1470, %gt3A_1473 : vector<16xi1>
        %jit3A_1475 = arith.constant 1 : i32
        %jit3A_1476 = arith.constant 0 : i32
        %broadcast_in_dim3A_1477 = vector.broadcast %jit3A_1475 : i32 to vector<16xi32>
        %broadcast_in_dim3A_1478 = vector.broadcast %jit3A_1476 : i32 to vector<16xi32>
        %select_n3A_1479 = arith.select %and3A_1474, %broadcast_in_dim3A_1477, %broadcast_in_dim3A_1478 : vector<16xi1>, vector<16xi32>
        %sub3A_1480 = arith.constant 1 : i32
        %sub3A_1481 = vector.broadcast %sub3A_1480 : i32 to vector<16xi32>
        %sub3A_1482 = arith.subi %iota3A, %sub3A_1481 : vector<16xi32>
        %max3A_1483 = arith.constant 0 : i32
        %max3A_1484 = vector.broadcast %max3A_1483 : i32 to vector<16xi32>
        %max3A_1485 = arith.maxsi %sub3A_1482, %max3A_1484 : vector<16xi32>
        %broadcast_in_dim3A_1486 = vector.shape_cast %max3A_1485 : vector<16xi32> to vector<16x1xi32>
        %gather3A_1487 = vector.shape_cast %broadcast_in_dim3A_1486 : vector<16x1xi32> to vector<16xi32>
        %gather3A_1488 = tpu.dynamic_gather %select_n3A_1479[%gather3A_1487] in [0] : vector<16xi32>, vector<16xi32> -> vector<16xi32>
        %ge3A_1489 = arith.constant 1 : i32
        %ge3A_1490 = vector.broadcast %ge3A_1489 : i32 to vector<16xi32>
        %ge3A_1491 = arith.cmpi sge, %iota3A, %ge3A_1490 : vector<16xi32>
        %jit3A_1492 = arith.constant 0 : i32
        %broadcast_in_dim3A_1493 = vector.broadcast %jit3A_1492 : i32 to vector<16xi32>
        %select_n3A_1494 = arith.select %ge3A_1491, %gather3A_1488, %broadcast_in_dim3A_1493 : vector<16xi1>, vector<16xi32>
        %add3A_1495 = arith.addi %select_n3A_1479, %select_n3A_1494 : vector<16xi32>
        %sub3A_1496 = arith.constant 2 : i32
        %sub3A_1497 = vector.broadcast %sub3A_1496 : i32 to vector<16xi32>
        %sub3A_1498 = arith.subi %iota3A, %sub3A_1497 : vector<16xi32>
        %max3A_1499 = arith.constant 0 : i32
        %max3A_1500 = vector.broadcast %max3A_1499 : i32 to vector<16xi32>
        %max3A_1501 = arith.maxsi %sub3A_1498, %max3A_1500 : vector<16xi32>
        %broadcast_in_dim3A_1502 = vector.shape_cast %max3A_1501 : vector<16xi32> to vector<16x1xi32>
        %gather3A_1503 = vector.shape_cast %broadcast_in_dim3A_1502 : vector<16x1xi32> to vector<16xi32>
        %gather3A_1504 = tpu.dynamic_gather %add3A_1495[%gather3A_1503] in [0] : vector<16xi32>, vector<16xi32> -> vector<16xi32>
        %ge3A_1505 = arith.constant 2 : i32
        %ge3A_1506 = vector.broadcast %ge3A_1505 : i32 to vector<16xi32>
        %ge3A_1507 = arith.cmpi sge, %iota3A, %ge3A_1506 : vector<16xi32>
        %jit3A_1508 = arith.constant 0 : i32
        %broadcast_in_dim3A_1509 = vector.broadcast %jit3A_1508 : i32 to vector<16xi32>
        %select_n3A_1510 = arith.select %ge3A_1507, %gather3A_1504, %broadcast_in_dim3A_1509 : vector<16xi1>, vector<16xi32>
        %add3A_1511 = arith.addi %add3A_1495, %select_n3A_1510 : vector<16xi32>
        %sub3A_1512 = arith.constant 4 : i32
        %sub3A_1513 = vector.broadcast %sub3A_1512 : i32 to vector<16xi32>
        %sub3A_1514 = arith.subi %iota3A, %sub3A_1513 : vector<16xi32>
        %max3A_1515 = arith.constant 0 : i32
        %max3A_1516 = vector.broadcast %max3A_1515 : i32 to vector<16xi32>
        %max3A_1517 = arith.maxsi %sub3A_1514, %max3A_1516 : vector<16xi32>
        %broadcast_in_dim3A_1518 = vector.shape_cast %max3A_1517 : vector<16xi32> to vector<16x1xi32>
        %gather3A_1519 = vector.shape_cast %broadcast_in_dim3A_1518 : vector<16x1xi32> to vector<16xi32>
        %gather3A_1520 = tpu.dynamic_gather %add3A_1511[%gather3A_1519] in [0] : vector<16xi32>, vector<16xi32> -> vector<16xi32>
        %ge3A_1521 = arith.constant 4 : i32
        %ge3A_1522 = vector.broadcast %ge3A_1521 : i32 to vector<16xi32>
        %ge3A_1523 = arith.cmpi sge, %iota3A, %ge3A_1522 : vector<16xi32>
        %jit3A_1524 = arith.constant 0 : i32
        %broadcast_in_dim3A_1525 = vector.broadcast %jit3A_1524 : i32 to vector<16xi32>
        %select_n3A_1526 = arith.select %ge3A_1523, %gather3A_1520, %broadcast_in_dim3A_1525 : vector<16xi1>, vector<16xi32>
        %add3A_1527 = arith.addi %add3A_1511, %select_n3A_1526 : vector<16xi32>
        %sub3A_1528 = arith.constant 8 : i32
        %sub3A_1529 = vector.broadcast %sub3A_1528 : i32 to vector<16xi32>
        %sub3A_1530 = arith.subi %iota3A, %sub3A_1529 : vector<16xi32>
        %max3A_1531 = arith.constant 0 : i32
        %max3A_1532 = vector.broadcast %max3A_1531 : i32 to vector<16xi32>
        %max3A_1533 = arith.maxsi %sub3A_1530, %max3A_1532 : vector<16xi32>
        %broadcast_in_dim3A_1534 = vector.shape_cast %max3A_1533 : vector<16xi32> to vector<16x1xi32>
        %gather3A_1535 = vector.shape_cast %broadcast_in_dim3A_1534 : vector<16x1xi32> to vector<16xi32>
        %gather3A_1536 = tpu.dynamic_gather %add3A_1527[%gather3A_1535] in [0] : vector<16xi32>, vector<16xi32> -> vector<16xi32>
        %ge3A_1537 = arith.constant 8 : i32
        %ge3A_1538 = vector.broadcast %ge3A_1537 : i32 to vector<16xi32>
        %ge3A_1539 = arith.cmpi sge, %iota3A, %ge3A_1538 : vector<16xi32>
        %jit3A_1540 = arith.constant 0 : i32
        %broadcast_in_dim3A_1541 = vector.broadcast %jit3A_1540 : i32 to vector<16xi32>
        %select_n3A_1542 = arith.select %ge3A_1539, %gather3A_1536, %broadcast_in_dim3A_1541 : vector<16xi1>, vector<16xi32>
        %add3A_1543 = arith.addi %add3A_1527, %select_n3A_1542 : vector<16xi32>
        %broadcast_in_dim3A_1544 = arith.constant 0 : i32
        %broadcast_in_dim3A_1545 = vector.broadcast %broadcast_in_dim3A_1544 : i32 to vector<16xi32>
        %add3A_1546 = arith.constant 1 : i32
        %add3A_1547 = vector.broadcast %add3A_1546 : i32 to vector<16xi32>
        %add3A_1548 = arith.addi %iota3A, %add3A_1547 : vector<16xi32>
        %add3A_1549 = arith.constant 8 : i32
        %add3A_1550 = vector.broadcast %add3A_1549 : i32 to vector<16xi32>
        %add3A_1551 = arith.addi %broadcast_in_dim3A_1545, %add3A_1550 : vector<16xi32>
        %sub3A_1552 = arith.constant 1 : i32
        %sub3A_1553 = vector.broadcast %sub3A_1552 : i32 to vector<16xi32>
        %sub3A_1554 = arith.subi %add3A_1551, %sub3A_1553 : vector<16xi32>
        %min3A_1555 = arith.constant 15 : i32
        %min3A_1556 = vector.broadcast %min3A_1555 : i32 to vector<16xi32>
        %min3A_1557 = arith.minsi %sub3A_1554, %min3A_1556 : vector<16xi32>
        %broadcast_in_dim3A_1558 = vector.shape_cast %min3A_1557 : vector<16xi32> to vector<16x1xi32>
        %gather3A_1559 = vector.shape_cast %broadcast_in_dim3A_1558 : vector<16x1xi32> to vector<16xi32>
        %gather3A_1560 = tpu.dynamic_gather %add3A_1543[%gather3A_1559] in [0] : vector<16xi32>, vector<16xi32> -> vector<16xi32>
        %lt3A_1561 = arith.cmpi slt, %gather3A_1560, %add3A_1548 : vector<16xi32>
        %select_n3A_1562 = arith.select %lt3A_1561, %add3A_1551, %broadcast_in_dim3A_1545 : vector<16xi1>, vector<16xi32>
        %add3A_1563 = arith.constant 4 : i32
        %add3A_1564 = vector.broadcast %add3A_1563 : i32 to vector<16xi32>
        %add3A_1565 = arith.addi %select_n3A_1562, %add3A_1564 : vector<16xi32>
        %sub3A_1566 = arith.constant 1 : i32
        %sub3A_1567 = vector.broadcast %sub3A_1566 : i32 to vector<16xi32>
        %sub3A_1568 = arith.subi %add3A_1565, %sub3A_1567 : vector<16xi32>
        %min3A_1569 = arith.constant 15 : i32
        %min3A_1570 = vector.broadcast %min3A_1569 : i32 to vector<16xi32>
        %min3A_1571 = arith.minsi %sub3A_1568, %min3A_1570 : vector<16xi32>
        %broadcast_in_dim3A_1572 = vector.shape_cast %min3A_1571 : vector<16xi32> to vector<16x1xi32>
        %gather3A_1573 = vector.shape_cast %broadcast_in_dim3A_1572 : vector<16x1xi32> to vector<16xi32>
        %gather3A_1574 = tpu.dynamic_gather %add3A_1543[%gather3A_1573] in [0] : vector<16xi32>, vector<16xi32> -> vector<16xi32>
        %lt3A_1575 = arith.cmpi slt, %gather3A_1574, %add3A_1548 : vector<16xi32>
        %select_n3A_1576 = arith.select %lt3A_1575, %add3A_1565, %select_n3A_1562 : vector<16xi1>, vector<16xi32>
        %add3A_1577 = arith.constant 2 : i32
        %add3A_1578 = vector.broadcast %add3A_1577 : i32 to vector<16xi32>
        %add3A_1579 = arith.addi %select_n3A_1576, %add3A_1578 : vector<16xi32>
        %sub3A_1580 = arith.constant 1 : i32
        %sub3A_1581 = vector.broadcast %sub3A_1580 : i32 to vector<16xi32>
        %sub3A_1582 = arith.subi %add3A_1579, %sub3A_1581 : vector<16xi32>
        %min3A_1583 = arith.constant 15 : i32
        %min3A_1584 = vector.broadcast %min3A_1583 : i32 to vector<16xi32>
        %min3A_1585 = arith.minsi %sub3A_1582, %min3A_1584 : vector<16xi32>
        %broadcast_in_dim3A_1586 = vector.shape_cast %min3A_1585 : vector<16xi32> to vector<16x1xi32>
        %gather3A_1587 = vector.shape_cast %broadcast_in_dim3A_1586 : vector<16x1xi32> to vector<16xi32>
        %gather3A_1588 = tpu.dynamic_gather %add3A_1543[%gather3A_1587] in [0] : vector<16xi32>, vector<16xi32> -> vector<16xi32>
        %lt3A_1589 = arith.cmpi slt, %gather3A_1588, %add3A_1548 : vector<16xi32>
        %select_n3A_1590 = arith.select %lt3A_1589, %add3A_1579, %select_n3A_1576 : vector<16xi1>, vector<16xi32>
        %add3A_1591 = arith.constant 1 : i32
        %add3A_1592 = vector.broadcast %add3A_1591 : i32 to vector<16xi32>
        %add3A_1593 = arith.addi %select_n3A_1590, %add3A_1592 : vector<16xi32>
        %sub3A_1594 = arith.constant 1 : i32
        %sub3A_1595 = vector.broadcast %sub3A_1594 : i32 to vector<16xi32>
        %sub3A_1596 = arith.subi %add3A_1593, %sub3A_1595 : vector<16xi32>
        %min3A_1597 = arith.constant 15 : i32
        %min3A_1598 = vector.broadcast %min3A_1597 : i32 to vector<16xi32>
        %min3A_1599 = arith.minsi %sub3A_1596, %min3A_1598 : vector<16xi32>
        %broadcast_in_dim3A_1600 = vector.shape_cast %min3A_1599 : vector<16xi32> to vector<16x1xi32>
        %gather3A_1601 = vector.shape_cast %broadcast_in_dim3A_1600 : vector<16x1xi32> to vector<16xi32>
        %gather3A_1602 = tpu.dynamic_gather %add3A_1543[%gather3A_1601] in [0] : vector<16xi32>, vector<16xi32> -> vector<16xi32>
        %lt3A_1603 = arith.cmpi slt, %gather3A_1602, %add3A_1548 : vector<16xi32>
        %select_n3A_1604 = arith.select %lt3A_1603, %add3A_1593, %select_n3A_1590 : vector<16xi1>, vector<16xi32>
        %min3A_1605 = arith.constant 15 : i32
        %min3A_1606 = vector.broadcast %min3A_1605 : i32 to vector<16xi32>
        %min3A_1607 = arith.minsi %select_n3A_1604, %min3A_1606 : vector<16xi32>
        %add3A_1608 = vector.broadcast %mul3A_1227 : i32 to vector<16xi32>
        %add3A_1609 = arith.addi %min3A_1607, %add3A_1608 : vector<16xi32>
        %swap3A_1610 = arith.index_cast %add3A_1221 : i32 to index
        %swap3A_1611 = tpu.vector_load %arg5[%swap3A_1610] {strides = array<i32>} : memref<272xi32, #tpu.memory_space<vmem>>, vector<16xi32>,
        %swap3A_1612 = vector.shape_cast %swap3A_1611 : vector<16xi32> to vector<16xi32>
        %swap3A_1613 = vector.shape_cast %add3A_1609 : vector<16xi32> to vector<16xi32>
        tpu.vector_store %arg5[%swap3A_1610], %swap3A_1613 {strides = array<i32>} : memref<272xi32, #tpu.memory_space<vmem>>, vector<16xi32>,
        %slice3A_1614 = vector.extract_strided_slice %add3A_1543 {offsets = [15], sizes = [1], strides = [1]} : vector<16xi32> to vector<1xi32>
        %squeeze3A_1615 = vector.extract %slice3A_1614[0] : i32 from vector<1xi32>
        %add3A_1616 = arith.addi %add3A_1221, %squeeze3A_1615 : i32
        scf.yield %add3A_1616 : i32
      }
      %scan3A_20 = arith.constant 64 : i32
      %sub3A = arith.constant 1703936 : i32
      %sub3A_21 = arith.subi %add3A_13, %sub3A : i32
      "tpu.region"() ({
        %run_scoped3A = tpu.sem_alloc : memref<!tpu.dma_semaphore, #tpu.memory_space<semaphore_mem>>
        %dma_start3A = tpu.memref_slice %arg3[%sub3A_21] : memref<393216xi32, #tpu.memory_space<hbm>> -> memref<4096xi32, #tpu.memory_space<hbm>>
        %dma_start3A_49 = tpu.memref_slice %arg3[%sub3A_21] : memref<393216xi32, #tpu.memory_space<hbm>> -> memref<4096xi32, #tpu.memory_space<hbm>>
        tpu.enqueue_dma source(%arg4 : memref<4096xi32, #tpu.memory_space<vmem>>) target(%dma_start3A_49 : memref<4096xi32, #tpu.memory_space<hbm>>) target_semaphore(%run_scoped3A : memref<!tpu.dma_semaphore, #tpu.memory_space<semaphore_mem>>)
        %dma_wait3A = tpu.memref_slice %arg3[%sub3A_21] : memref<393216xi32, #tpu.memory_space<hbm>> -> memref<4096xi32, #tpu.memory_space<hbm>>
        %dma_wait3A_50 = tpu.memref_slice %arg3[%sub3A_21] : memref<393216xi32, #tpu.memory_space<hbm>> -> memref<4096xi32, #tpu.memory_space<hbm>>
        tpu.wait_dma2 semaphore(%run_scoped3A : memref<!tpu.dma_semaphore, #tpu.memory_space<semaphore_mem>>) src(%arg4 : memref<4096xi32, #tpu.memory_space<vmem>>) dst(%dma_wait3A_50 : memref<4096xi32, #tpu.memory_space<hbm>>)
        tpu.yield
      }) : () -> ()
      %add3A_22 = arith.constant 15 : i32
      %add3A_23 = arith.addi %scan3A_19, %add3A_22 : i32
      %shift_right_logical3A = arith.constant 4 : i32
      %shift_right_logical3A_24 = arith.shrui %add3A_23, %shift_right_logical3A : i32
      %broadcast_in_dim3A = arith.constant 0 : i32
      %broadcast_in_dim3A_25 = vector.broadcast %broadcast_in_dim3A : i32 to vector<16xi32>
      %get3A = arith.constant 0 : index
      %get3A_26 = tpu.vector_load %arg5[%get3A] {strides = array<i32>} : memref<272xi32, #tpu.memory_space<vmem>>, vector<16xi32>,
      %get3A_27 = vector.shape_cast %get3A_26 : vector<16xi32> to vector<16xi32>
      %broadcast_in_dim3A_28 = vector.shape_cast %broadcast_in_dim3A_25 : vector<16xi32> to vector<16x1xi32>
      %gather3A = vector.shape_cast %broadcast_in_dim3A_28 : vector<16x1xi32> to vector<16xi32>
      %gather3A_29 = tpu.dynamic_gather %get3A_27[%gather3A] in [0] : vector<16xi32>, vector<16xi32> -> vector<16xi32>
      %while3A = arith.constant 0 : i32
      %while3A_30 = arith.constant 0 : i32
      %while3A_31 = arith.subi %shift_right_logical3A_24, %while3A_30 : i32
      %while3A_32 = arith.addi %while3A_30, %while3A_31 : i32
      %while3A_33 = arith.constant 1 : i32
      %while3A_34 = arith.divsi %while3A_31, %while3A_33 : i32
      %while3A_35 = arith.muli %while3A_34, %while3A_33 : i32
      %while3A_36 = arith.addi %while3A_30, %while3A_35 : i32
      %while3A_37 = arith.constant 1 : i32
      scf.for %while3A_49 = %while3A_30 to %while3A_36 step %while3A_37  : i32 {
        %mul3A_50 = arith.constant 16 : i32
        %mul3A_51 = arith.muli %while3A_49, %mul3A_50 : i32
        %get3A_52 = arith.index_cast %mul3A_51 : i32 to index
        %get3A_53 = tpu.vector_load %arg5[%get3A_52] {strides = array<i32>} : memref<272xi32, #tpu.memory_space<vmem>>, vector<16xi32>,
        %get3A_54 = vector.shape_cast %get3A_53 : vector<16xi32> to vector<16xi32>
        %mul3A_55 = arith.constant 16 : i32
        %mul3A_56 = arith.muli %while3A_49, %mul3A_55 : i32
        %add3A_57 = vector.broadcast %mul3A_56 : i32 to vector<16xi32>
        %add3A_58 = arith.addi %add3A_57, %iota3A : vector<16xi32>
        %lt3A = vector.broadcast %scan3A_19 : i32 to vector<16xi32>
        %lt3A_59 = arith.cmpi slt, %add3A_58, %lt3A : vector<16xi32>
        %select_n3A = arith.select %lt3A_59, %get3A_54, %gather3A_29 : vector<16xi1>, vector<16xi32>
        %add3A_60 = vector.broadcast %add3A_13 : i32 to vector<16xi32>
        %add3A_61 = arith.addi %select_n3A, %add3A_60 : vector<16xi32>
        %broadcast_in_dim3A_62 = arith.constant -1944951124 : i32
        %broadcast_in_dim3A_63 = vector.broadcast %broadcast_in_dim3A_62 : i32 to vector<16xi32>
        %add3A_64 = arith.constant 1168365246 : i32
        %add3A_65 = vector.broadcast %add3A_64 : i32 to vector<16xi32>
        %add3A_66 = arith.addi %add3A_61, %add3A_65 : vector<16xi32>
        %add3A_67 = arith.addi %broadcast_in_dim3A_63, %add3A_66 : vector<16xi32>
        %shift_left3A = arith.constant 13 : i32
        %shift_left3A_68 = vector.broadcast %shift_left3A : i32 to vector<16xi32>
        %shift_left3A_69 = arith.shli %add3A_66, %shift_left3A_68 : vector<16xi32>
        %shift_right_logical3A_70 = arith.constant 19 : i32
        %shift_right_logical3A_71 = vector.broadcast %shift_right_logical3A_70 : i32 to vector<16xi32>
        %shift_right_logical3A_72 = arith.shrui %add3A_66, %shift_right_logical3A_71 : vector<16xi32>
        %or3A = arith.ori %shift_left3A_69, %shift_right_logical3A_72 : vector<16xi32>
        %xor3A = arith.xori %or3A, %add3A_67 : vector<16xi32>
        %add3A_73 = arith.addi %add3A_67, %xor3A : vector<16xi32>
        %shift_left3A_74 = arith.constant 15 : i32
        %shift_left3A_75 = vector.broadcast %shift_left3A_74 : i32 to vector<16xi32>
        %shift_left3A_76 = arith.shli %xor3A, %shift_left3A_75 : vector<16xi32>
        %shift_right_logical3A_77 = arith.constant 17 : i32
        %shift_right_logical3A_78 = vector.broadcast %shift_right_logical3A_77 : i32 to vector<16xi32>
        %shift_right_logical3A_79 = arith.shrui %xor3A, %shift_right_logical3A_78 : vector<16xi32>
        %or3A_80 = arith.ori %shift_left3A_76, %shift_right_logical3A_79 : vector<16xi32>
        %xor3A_81 = arith.xori %or3A_80, %add3A_73 : vector<16xi32>
        %add3A_82 = arith.addi %add3A_73, %xor3A_81 : vector<16xi32>
        %shift_left3A_83 = arith.constant 26 : i32
        %shift_left3A_84 = vector.broadcast %shift_left3A_83 : i32 to vector<16xi32>
        %shift_left3A_85 = arith.shli %xor3A_81, %shift_left3A_84 : vector<16xi32>
        %shift_right_logical3A_86 = arith.constant 6 : i32
        %shift_right_logical3A_87 = vector.broadcast %shift_right_logical3A_86 : i32 to vector<16xi32>
        %shift_right_logical3A_88 = arith.shrui %xor3A_81, %shift_right_logical3A_87 : vector<16xi32>
        %or3A_89 = arith.ori %shift_left3A_85, %shift_right_logical3A_88 : vector<16xi32>
        %xor3A_90 = arith.xori %or3A_89, %add3A_82 : vector<16xi32>
        %add3A_91 = arith.addi %add3A_82, %xor3A_90 : vector<16xi32>
        %shift_left3A_92 = arith.constant 6 : i32
        %shift_left3A_93 = vector.broadcast %shift_left3A_92 : i32 to vector<16xi32>
        %shift_left3A_94 = arith.shli %xor3A_90, %shift_left3A_93 : vector<16xi32>
        %shift_right_logical3A_95 = arith.constant 26 : i32
        %shift_right_logical3A_96 = vector.broadcast %shift_right_logical3A_95 : i32 to vector<16xi32>
        %shift_right_logical3A_97 = arith.shrui %xor3A_90, %shift_right_logical3A_96 : vector<16xi32>
        %or3A_98 = arith.ori %shift_left3A_94, %shift_right_logical3A_97 : vector<16xi32>
        %xor3A_99 = arith.xori %or3A_98, %add3A_91 : vector<16xi32>
        %add3A_100 = arith.constant 1168365246 : i32
        %add3A_101 = vector.broadcast %add3A_100 : i32 to vector<16xi32>
        %add3A_102 = arith.addi %add3A_91, %add3A_101 : vector<16xi32>
        %add3A_103 = arith.constant -765416504 : i32
        %add3A_104 = vector.broadcast %add3A_103 : i32 to vector<16xi32>
        %add3A_105 = arith.addi %xor3A_99, %add3A_104 : vector<16xi32>
        %add3A_106 = arith.constant 1 : i32
        %add3A_107 = vector.broadcast %add3A_106 : i32 to vector<16xi32>
        %add3A_108 = arith.addi %add3A_105, %add3A_107 : vector<16xi32>
        %add3A_109 = arith.addi %add3A_102, %add3A_108 : vector<16xi32>
        %shift_left3A_110 = arith.constant 17 : i32
        %shift_left3A_111 = vector.broadcast %shift_left3A_110 : i32 to vector<16xi32>
        %shift_left3A_112 = arith.shli %add3A_108, %shift_left3A_111 : vector<16xi32>
        %shift_right_logical3A_113 = arith.constant 15 : i32
        %shift_right_logical3A_114 = vector.broadcast %shift_right_logical3A_113 : i32 to vector<16xi32>
        %shift_right_logical3A_115 = arith.shrui %add3A_108, %shift_right_logical3A_114 : vector<16xi32>
        %or3A_116 = arith.ori %shift_left3A_112, %shift_right_logical3A_115 : vector<16xi32>
        %xor3A_117 = arith.xori %or3A_116, %add3A_109 : vector<16xi32>
        %add3A_118 = arith.addi %add3A_109, %xor3A_117 : vector<16xi32>
        %shift_left3A_119 = arith.constant 29 : i32
        %shift_left3A_120 = vector.broadcast %shift_left3A_119 : i32 to vector<16xi32>
        %shift_left3A_121 = arith.shli %xor3A_117, %shift_left3A_120 : vector<16xi32>
        %shift_right_logical3A_122 = arith.constant 3 : i32
        %shift_right_logical3A_123 = vector.broadcast %shift_right_logical3A_122 : i32 to vector<16xi32>
        %shift_right_logical3A_124 = arith.shrui %xor3A_117, %shift_right_logical3A_123 : vector<16xi32>
        %or3A_125 = arith.ori %shift_left3A_121, %shift_right_logical3A_124 : vector<16xi32>
        %xor3A_126 = arith.xori %or3A_125, %add3A_118 : vector<16xi32>
        %add3A_127 = arith.addi %add3A_118, %xor3A_126 : vector<16xi32>
        %shift_left3A_128 = arith.constant 16 : i32
        %shift_left3A_129 = vector.broadcast %shift_left3A_128 : i32 to vector<16xi32>
        %shift_left3A_130 = arith.shli %xor3A_126, %shift_left3A_129 : vector<16xi32>
        %shift_right_logical3A_131 = arith.constant 16 : i32
        %shift_right_logical3A_132 = vector.broadcast %shift_right_logical3A_131 : i32 to vector<16xi32>
        %shift_right_logical3A_133 = arith.shrui %xor3A_126, %shift_right_logical3A_132 : vector<16xi32>
        %or3A_134 = arith.ori %shift_left3A_130, %shift_right_logical3A_133 : vector<16xi32>
        %xor3A_135 = arith.xori %or3A_134, %add3A_127 : vector<16xi32>
        %add3A_136 = arith.addi %add3A_127, %xor3A_135 : vector<16xi32>
        %shift_left3A_137 = arith.constant 24 : i32
        %shift_left3A_138 = vector.broadcast %shift_left3A_137 : i32 to vector<16xi32>
        %shift_left3A_139 = arith.shli %xor3A_135, %shift_left3A_138 : vector<16xi32>
        %shift_right_logical3A_140 = arith.constant 8 : i32
        %shift_right_logical3A_141 = vector.broadcast %shift_right_logical3A_140 : i32 to vector<16xi32>
        %shift_right_logical3A_142 = arith.shrui %xor3A_135, %shift_right_logical3A_141 : vector<16xi32>
        %or3A_143 = arith.ori %shift_left3A_139, %shift_right_logical3A_142 : vector<16xi32>
        %xor3A_144 = arith.xori %or3A_143, %add3A_136 : vector<16xi32>
        %add3A_145 = arith.constant -765416504 : i32
        %add3A_146 = vector.broadcast %add3A_145 : i32 to vector<16xi32>
        %add3A_147 = arith.addi %add3A_136, %add3A_146 : vector<16xi32>
        %add3A_148 = arith.constant -1944951124 : i32
        %add3A_149 = vector.broadcast %add3A_148 : i32 to vector<16xi32>
        %add3A_150 = arith.addi %xor3A_144, %add3A_149 : vector<16xi32>
        %add3A_151 = arith.constant 2 : i32
        %add3A_152 = vector.broadcast %add3A_151 : i32 to vector<16xi32>
        %add3A_153 = arith.addi %add3A_150, %add3A_152 : vector<16xi32>
        %add3A_154 = arith.addi %add3A_147, %add3A_153 : vector<16xi32>
        %shift_left3A_155 = arith.constant 13 : i32
        %shift_left3A_156 = vector.broadcast %shift_left3A_155 : i32 to vector<16xi32>
        %shift_left3A_157 = arith.shli %add3A_153, %shift_left3A_156 : vector<16xi32>
        %shift_right_logical3A_158 = arith.constant 19 : i32
        %shift_right_logical3A_159 = vector.broadcast %shift_right_logical3A_158 : i32 to vector<16xi32>
        %shift_right_logical3A_160 = arith.shrui %add3A_153, %shift_right_logical3A_159 : vector<16xi32>
        %or3A_161 = arith.ori %shift_left3A_157, %shift_right_logical3A_160 : vector<16xi32>
        %xor3A_162 = arith.xori %or3A_161, %add3A_154 : vector<16xi32>
        %add3A_163 = arith.addi %add3A_154, %xor3A_162 : vector<16xi32>
        %shift_left3A_164 = arith.constant 15 : i32
        %shift_left3A_165 = vector.broadcast %shift_left3A_164 : i32 to vector<16xi32>
        %shift_left3A_166 = arith.shli %xor3A_162, %shift_left3A_165 : vector<16xi32>
        %shift_right_logical3A_167 = arith.constant 17 : i32
        %shift_right_logical3A_168 = vector.broadcast %shift_right_logical3A_167 : i32 to vector<16xi32>
        %shift_right_logical3A_169 = arith.shrui %xor3A_162, %shift_right_logical3A_168 : vector<16xi32>
        %or3A_170 = arith.ori %shift_left3A_166, %shift_right_logical3A_169 : vector<16xi32>
        %xor3A_171 = arith.xori %or3A_170, %add3A_163 : vector<16xi32>
        %add3A_172 = arith.addi %add3A_163, %xor3A_171 : vector<16xi32>
        %shift_left3A_173 = arith.constant 26 : i32
        %shift_left3A_174 = vector.broadcast %shift_left3A_173 : i32 to vector<16xi32>
        %shift_left3A_175 = arith.shli %xor3A_171, %shift_left3A_174 : vector<16xi32>
        %shift_right_logical3A_176 = arith.constant 6 : i32
        %shift_right_logical3A_177 = vector.broadcast %shift_right_logical3A_176 : i32 to vector<16xi32>
        %shift_right_logical3A_178 = arith.shrui %xor3A_171, %shift_right_logical3A_177 : vector<16xi32>
        %or3A_179 = arith.ori %shift_left3A_175, %shift_right_logical3A_178 : vector<16xi32>
        %xor3A_180 = arith.xori %or3A_179, %add3A_172 : vector<16xi32>
        %add3A_181 = arith.addi %add3A_172, %xor3A_180 : vector<16xi32>
        %shift_left3A_182 = arith.constant 6 : i32
        %shift_left3A_183 = vector.broadcast %shift_left3A_182 : i32 to vector<16xi32>
        %shift_left3A_184 = arith.shli %xor3A_180, %shift_left3A_183 : vector<16xi32>
        %shift_right_logical3A_185 = arith.constant 26 : i32
        %shift_right_logical3A_186 = vector.broadcast %shift_right_logical3A_185 : i32 to vector<16xi32>
        %shift_right_logical3A_187 = arith.shrui %xor3A_180, %shift_right_logical3A_186 : vector<16xi32>
        %or3A_188 = arith.ori %shift_left3A_184, %shift_right_logical3A_187 : vector<16xi32>
        %xor3A_189 = arith.xori %or3A_188, %add3A_181 : vector<16xi32>
        %add3A_190 = arith.constant -1944951124 : i32
        %add3A_191 = vector.broadcast %add3A_190 : i32 to vector<16xi32>
        %add3A_192 = arith.addi %add3A_181, %add3A_191 : vector<16xi32>
        %add3A_193 = arith.constant 1168365246 : i32
        %add3A_194 = vector.broadcast %add3A_193 : i32 to vector<16xi32>
        %add3A_195 = arith.addi %xor3A_189, %add3A_194 : vector<16xi32>
        %add3A_196 = arith.constant 3 : i32
        %add3A_197 = vector.broadcast %add3A_196 : i32 to vector<16xi32>
        %add3A_198 = arith.addi %add3A_195, %add3A_197 : vector<16xi32>
        %add3A_199 = arith.addi %add3A_192, %add3A_198 : vector<16xi32>
        %shift_left3A_200 = arith.constant 17 : i32
        %shift_left3A_201 = vector.broadcast %shift_left3A_200 : i32 to vector<16xi32>
        %shift_left3A_202 = arith.shli %add3A_198, %shift_left3A_201 : vector<16xi32>
        %shift_right_logical3A_203 = arith.constant 15 : i32
        %shift_right_logical3A_204 = vector.broadcast %shift_right_logical3A_203 : i32 to vector<16xi32>
        %shift_right_logical3A_205 = arith.shrui %add3A_198, %shift_right_logical3A_204 : vector<16xi32>
        %or3A_206 = arith.ori %shift_left3A_202, %shift_right_logical3A_205 : vector<16xi32>
        %xor3A_207 = arith.xori %or3A_206, %add3A_199 : vector<16xi32>
        %add3A_208 = arith.addi %add3A_199, %xor3A_207 : vector<16xi32>
        %shift_left3A_209 = arith.constant 29 : i32
        %shift_left3A_210 = vector.broadcast %shift_left3A_209 : i32 to vector<16xi32>
        %shift_left3A_211 = arith.shli %xor3A_207, %shift_left3A_210 : vector<16xi32>
        %shift_right_logical3A_212 = arith.constant 3 : i32
        %shift_right_logical3A_213 = vector.broadcast %shift_right_logical3A_212 : i32 to vector<16xi32>
        %shift_right_logical3A_214 = arith.shrui %xor3A_207, %shift_right_logical3A_213 : vector<16xi32>
        %or3A_215 = arith.ori %shift_left3A_211, %shift_right_logical3A_214 : vector<16xi32>
        %xor3A_216 = arith.xori %or3A_215, %add3A_208 : vector<16xi32>
        %add3A_217 = arith.addi %add3A_208, %xor3A_216 : vector<16xi32>
        %shift_left3A_218 = arith.constant 16 : i32
        %shift_left3A_219 = vector.broadcast %shift_left3A_218 : i32 to vector<16xi32>
        %shift_left3A_220 = arith.shli %xor3A_216, %shift_left3A_219 : vector<16xi32>
        %shift_right_logical3A_221 = arith.constant 16 : i32
        %shift_right_logical3A_222 = vector.broadcast %shift_right_logical3A_221 : i32 to vector<16xi32>
        %shift_right_logical3A_223 = arith.shrui %xor3A_216, %shift_right_logical3A_222 : vector<16xi32>
        %or3A_224 = arith.ori %shift_left3A_220, %shift_right_logical3A_223 : vector<16xi32>
        %xor3A_225 = arith.xori %or3A_224, %add3A_217 : vector<16xi32>
        %add3A_226 = arith.addi %add3A_217, %xor3A_225 : vector<16xi32>
        %shift_left3A_227 = arith.constant 24 : i32
        %shift_left3A_228 = vector.broadcast %shift_left3A_227 : i32 to vector<16xi32>
        %shift_left3A_229 = arith.shli %xor3A_225, %shift_left3A_228 : vector<16xi32>
        %shift_right_logical3A_230 = arith.constant 8 : i32
        %shift_right_logical3A_231 = vector.broadcast %shift_right_logical3A_230 : i32 to vector<16xi32>
        %shift_right_logical3A_232 = arith.shrui %xor3A_225, %shift_right_logical3A_231 : vector<16xi32>
        %or3A_233 = arith.ori %shift_left3A_229, %shift_right_logical3A_232 : vector<16xi32>
        %xor3A_234 = arith.xori %or3A_233, %add3A_226 : vector<16xi32>
        %add3A_235 = arith.constant 1168365246 : i32
        %add3A_236 = vector.broadcast %add3A_235 : i32 to vector<16xi32>
        %add3A_237 = arith.addi %add3A_226, %add3A_236 : vector<16xi32>
        %add3A_238 = arith.constant -765416504 : i32
        %add3A_239 = vector.broadcast %add3A_238 : i32 to vector<16xi32>
        %add3A_240 = arith.addi %xor3A_234, %add3A_239 : vector<16xi32>
        %add3A_241 = arith.constant 4 : i32
        %add3A_242 = vector.broadcast %add3A_241 : i32 to vector<16xi32>
        %add3A_243 = arith.addi %add3A_240, %add3A_242 : vector<16xi32>
        %add3A_244 = arith.addi %add3A_237, %add3A_243 : vector<16xi32>
        %shift_left3A_245 = arith.constant 13 : i32
        %shift_left3A_246 = vector.broadcast %shift_left3A_245 : i32 to vector<16xi32>
        %shift_left3A_247 = arith.shli %add3A_243, %shift_left3A_246 : vector<16xi32>
        %shift_right_logical3A_248 = arith.constant 19 : i32
        %shift_right_logical3A_249 = vector.broadcast %shift_right_logical3A_248 : i32 to vector<16xi32>
        %shift_right_logical3A_250 = arith.shrui %add3A_243, %shift_right_logical3A_249 : vector<16xi32>
        %or3A_251 = arith.ori %shift_left3A_247, %shift_right_logical3A_250 : vector<16xi32>
        %xor3A_252 = arith.xori %or3A_251, %add3A_244 : vector<16xi32>
        %add3A_253 = arith.addi %add3A_244, %xor3A_252 : vector<16xi32>
        %shift_left3A_254 = arith.constant 15 : i32
        %shift_left3A_255 = vector.broadcast %shift_left3A_254 : i32 to vector<16xi32>
        %shift_left3A_256 = arith.shli %xor3A_252, %shift_left3A_255 : vector<16xi32>
        %shift_right_logical3A_257 = arith.constant 17 : i32
        %shift_right_logical3A_258 = vector.broadcast %shift_right_logical3A_257 : i32 to vector<16xi32>
        %shift_right_logical3A_259 = arith.shrui %xor3A_252, %shift_right_logical3A_258 : vector<16xi32>
        %or3A_260 = arith.ori %shift_left3A_256, %shift_right_logical3A_259 : vector<16xi32>
        %xor3A_261 = arith.xori %or3A_260, %add3A_253 : vector<16xi32>
        %add3A_262 = arith.addi %add3A_253, %xor3A_261 : vector<16xi32>
        %shift_left3A_263 = arith.constant 26 : i32
        %shift_left3A_264 = vector.broadcast %shift_left3A_263 : i32 to vector<16xi32>
        %shift_left3A_265 = arith.shli %xor3A_261, %shift_left3A_264 : vector<16xi32>
        %shift_right_logical3A_266 = arith.constant 6 : i32
        %shift_right_logical3A_267 = vector.broadcast %shift_right_logical3A_266 : i32 to vector<16xi32>
        %shift_right_logical3A_268 = arith.shrui %xor3A_261, %shift_right_logical3A_267 : vector<16xi32>
        %or3A_269 = arith.ori %shift_left3A_265, %shift_right_logical3A_268 : vector<16xi32>
        %xor3A_270 = arith.xori %or3A_269, %add3A_262 : vector<16xi32>
        %add3A_271 = arith.addi %add3A_262, %xor3A_270 : vector<16xi32>
        %shift_left3A_272 = arith.constant 6 : i32
        %shift_left3A_273 = vector.broadcast %shift_left3A_272 : i32 to vector<16xi32>
        %shift_left3A_274 = arith.shli %xor3A_270, %shift_left3A_273 : vector<16xi32>
        %shift_right_logical3A_275 = arith.constant 26 : i32
        %shift_right_logical3A_276 = vector.broadcast %shift_right_logical3A_275 : i32 to vector<16xi32>
        %shift_right_logical3A_277 = arith.shrui %xor3A_270, %shift_right_logical3A_276 : vector<16xi32>
        %or3A_278 = arith.ori %shift_left3A_274, %shift_right_logical3A_277 : vector<16xi32>
        %xor3A_279 = arith.xori %or3A_278, %add3A_271 : vector<16xi32>
        %add3A_280 = arith.constant -765416504 : i32
        %add3A_281 = vector.broadcast %add3A_280 : i32 to vector<16xi32>
        %add3A_282 = arith.addi %add3A_271, %add3A_281 : vector<16xi32>
        %add3A_283 = arith.constant -1944951124 : i32
        %add3A_284 = vector.broadcast %add3A_283 : i32 to vector<16xi32>
        %add3A_285 = arith.addi %xor3A_279, %add3A_284 : vector<16xi32>
        %add3A_286 = arith.constant 5 : i32
        %add3A_287 = vector.broadcast %add3A_286 : i32 to vector<16xi32>
        %add3A_288 = arith.addi %add3A_285, %add3A_287 : vector<16xi32>
        %xor3A_289 = arith.xori %add3A_282, %add3A_288 : vector<16xi32>
        %convert_element_type3A = arith.sitofp %xor3A_289 : vector<16xi32> to vector<16xf32>
        %lt3A_290 = arith.constant 0 : i32
        %lt3A_291 = vector.broadcast %lt3A_290 : i32 to vector<16xi32>
        %lt3A_292 = arith.cmpi slt, %xor3A_289, %lt3A_291 : vector<16xi32>
        %jit3A = arith.constant 4.2949673E+9 : f32
        %jit3A_293 = arith.constant 0.000000e+00 : f32
        %broadcast_in_dim3A_294 = vector.broadcast %jit3A : f32 to vector<16xf32>
        %broadcast_in_dim3A_295 = vector.broadcast %jit3A_293 : f32 to vector<16xf32>
        %select_n3A_296 = arith.select %lt3A_292, %broadcast_in_dim3A_294, %broadcast_in_dim3A_295 : vector<16xi1>, vector<16xf32>
        %add3A_297 = arith.addf %convert_element_type3A, %select_n3A_296 : vector<16xf32>
        %mul3A_298 = arith.constant 1.000030e-05 : f32
        %mul3A_299 = vector.broadcast %mul3A_298 : f32 to vector<16xf32>
        %mul3A_300 = arith.mulf %add3A_297, %mul3A_299 : vector<16xf32>
        %convert_element_type3A_301 = arith.fptosi %mul3A_300 : vector<16xf32> to vector<16xi32>
        %mul3A_302 = arith.constant 99997 : i32
        %mul3A_303 = vector.broadcast %mul3A_302 : i32 to vector<16xi32>
        %mul3A_304 = arith.muli %convert_element_type3A_301, %mul3A_303 : vector<16xi32>
        %sub3A_305 = arith.subi %xor3A_289, %mul3A_304 : vector<16xi32>
        %lt3A_306 = arith.constant 0 : i32
        %lt3A_307 = vector.broadcast %lt3A_306 : i32 to vector<16xi32>
        %lt3A_308 = arith.cmpi slt, %sub3A_305, %lt3A_307 : vector<16xi32>
        %jit3A_309 = arith.constant 99997 : i32
        %jit3A_310 = arith.constant 0 : i32
        %broadcast_in_dim3A_311 = vector.broadcast %jit3A_309 : i32 to vector<16xi32>
        %broadcast_in_dim3A_312 = vector.broadcast %jit3A_310 : i32 to vector<16xi32>
        %select_n3A_313 = arith.select %lt3A_308, %broadcast_in_dim3A_311, %broadcast_in_dim3A_312 : vector<16xi1>, vector<16xi32>
        %add3A_314 = arith.addi %sub3A_305, %select_n3A_313 : vector<16xi32>
        %ge3A = arith.constant 99997 : i32
        %ge3A_315 = vector.broadcast %ge3A : i32 to vector<16xi32>
        %ge3A_316 = arith.cmpi sge, %add3A_314, %ge3A_315 : vector<16xi32>
        %jit3A_317 = arith.constant 99997 : i32
        %jit3A_318 = arith.constant 0 : i32
        %broadcast_in_dim3A_319 = vector.broadcast %jit3A_317 : i32 to vector<16xi32>
        %broadcast_in_dim3A_320 = vector.broadcast %jit3A_318 : i32 to vector<16xi32>
        %select_n3A_321 = arith.select %ge3A_316, %broadcast_in_dim3A_319, %broadcast_in_dim3A_320 : vector<16xi1>, vector<16xi32>
        %sub3A_322 = arith.subi %add3A_314, %select_n3A_321 : vector<16xi32>
        %add3A_323 = arith.constant 3 : i32
        %add3A_324 = vector.broadcast %add3A_323 : i32 to vector<16xi32>
        %add3A_325 = arith.addi %sub3A_322, %add3A_324 : vector<16xi32>
        %mul3A_326 = arith.constant 16 : i32
        %mul3A_327 = arith.muli %while3A_49, %mul3A_326 : i32
        %swap3A = arith.index_cast %mul3A_327 : i32 to index
        %swap3A_328 = tpu.vector_load %arg6[%swap3A] {strides = array<i32>} : memref<272xi32, #tpu.memory_space<vmem>>, vector<16xi32>,
        %swap3A_329 = vector.shape_cast %swap3A_328 : vector<16xi32> to vector<16xi32>
        %swap3A_330 = vector.shape_cast %add3A_325 : vector<16xi32> to vector<16xi32>
        tpu.vector_store %arg6[%swap3A], %swap3A_330 {strides = array<i32>} : memref<272xi32, #tpu.memory_space<vmem>>, vector<16xi32>,
        %mul3A_331 = arith.constant 16 : i32
        %mul3A_332 = arith.muli %while3A_49, %mul3A_331 : i32
        %add3A_333 = vector.broadcast %sub3A_21 : i32 to vector<16xi32>
        %add3A_334 = arith.addi %select_n3A, %add3A_333 : vector<16xi32>
        %dma_start3A = tpu.memref_slice %arg6[%mul3A_332] : memref<272xi32, #tpu.memory_space<vmem>> -> memref<16xi32, #tpu.memory_space<vmem>>
        %dma_start3A_335 = arith.constant 0 : i32
        %dma_start3A_336 = tpu.memref_slice %arg3[%dma_start3A_335] : memref<393216xi32, #tpu.memory_space<hbm>> -> memref<393216xi32, #tpu.memory_space<hbm>>
        tpu.enqueue_indirect_dma source(%dma_start3A : memref<16xi32, #tpu.memory_space<vmem>>) target(%dma_start3A_336 : memref<393216xi32, #tpu.memory_space<hbm>>) offsets(%add3A_334 : vector<16xi32>) semaphore(%arg7 : memref<!tpu.dma_semaphore, #tpu.memory_space<semaphore_mem>>)
      }
      %while3A_38 = arith.constant 1 : i32
      scf.for %while3A_49 = %while3A_36 to %while3A_32 step %while3A_38  : i32 {
        %mul3A_50 = arith.constant 16 : i32
        %mul3A_51 = arith.muli %while3A_49, %mul3A_50 : i32
        %get3A_52 = arith.index_cast %mul3A_51 : i32 to index
        %get3A_53 = tpu.vector_load %arg5[%get3A_52] {strides = array<i32>} : memref<272xi32, #tpu.memory_space<vmem>>, vector<16xi32>,
        %get3A_54 = vector.shape_cast %get3A_53 : vector<16xi32> to vector<16xi32>
        %mul3A_55 = arith.constant 16 : i32
        %mul3A_56 = arith.muli %while3A_49, %mul3A_55 : i32
        %add3A_57 = vector.broadcast %mul3A_56 : i32 to vector<16xi32>
        %add3A_58 = arith.addi %add3A_57, %iota3A : vector<16xi32>
        %lt3A = vector.broadcast %scan3A_19 : i32 to vector<16xi32>
        %lt3A_59 = arith.cmpi slt, %add3A_58, %lt3A : vector<16xi32>
        %select_n3A = arith.select %lt3A_59, %get3A_54, %gather3A_29 : vector<16xi1>, vector<16xi32>
        %add3A_60 = vector.broadcast %add3A_13 : i32 to vector<16xi32>
        %add3A_61 = arith.addi %select_n3A, %add3A_60 : vector<16xi32>
        %broadcast_in_dim3A_62 = arith.constant -1944951124 : i32
        %broadcast_in_dim3A_63 = vector.broadcast %broadcast_in_dim3A_62 : i32 to vector<16xi32>
        %add3A_64 = arith.constant 1168365246 : i32
        %add3A_65 = vector.broadcast %add3A_64 : i32 to vector<16xi32>
        %add3A_66 = arith.addi %add3A_61, %add3A_65 : vector<16xi32>
        %add3A_67 = arith.addi %broadcast_in_dim3A_63, %add3A_66 : vector<16xi32>
        %shift_left3A = arith.constant 13 : i32
        %shift_left3A_68 = vector.broadcast %shift_left3A : i32 to vector<16xi32>
        %shift_left3A_69 = arith.shli %add3A_66, %shift_left3A_68 : vector<16xi32>
        %shift_right_logical3A_70 = arith.constant 19 : i32
        %shift_right_logical3A_71 = vector.broadcast %shift_right_logical3A_70 : i32 to vector<16xi32>
        %shift_right_logical3A_72 = arith.shrui %add3A_66, %shift_right_logical3A_71 : vector<16xi32>
        %or3A = arith.ori %shift_left3A_69, %shift_right_logical3A_72 : vector<16xi32>
        %xor3A = arith.xori %or3A, %add3A_67 : vector<16xi32>
        %add3A_73 = arith.addi %add3A_67, %xor3A : vector<16xi32>
        %shift_left3A_74 = arith.constant 15 : i32
        %shift_left3A_75 = vector.broadcast %shift_left3A_74 : i32 to vector<16xi32>
        %shift_left3A_76 = arith.shli %xor3A, %shift_left3A_75 : vector<16xi32>
        %shift_right_logical3A_77 = arith.constant 17 : i32
        %shift_right_logical3A_78 = vector.broadcast %shift_right_logical3A_77 : i32 to vector<16xi32>
        %shift_right_logical3A_79 = arith.shrui %xor3A, %shift_right_logical3A_78 : vector<16xi32>
        %or3A_80 = arith.ori %shift_left3A_76, %shift_right_logical3A_79 : vector<16xi32>
        %xor3A_81 = arith.xori %or3A_80, %add3A_73 : vector<16xi32>
        %add3A_82 = arith.addi %add3A_73, %xor3A_81 : vector<16xi32>
        %shift_left3A_83 = arith.constant 26 : i32
        %shift_left3A_84 = vector.broadcast %shift_left3A_83 : i32 to vector<16xi32>
        %shift_left3A_85 = arith.shli %xor3A_81, %shift_left3A_84 : vector<16xi32>
        %shift_right_logical3A_86 = arith.constant 6 : i32
        %shift_right_logical3A_87 = vector.broadcast %shift_right_logical3A_86 : i32 to vector<16xi32>
        %shift_right_logical3A_88 = arith.shrui %xor3A_81, %shift_right_logical3A_87 : vector<16xi32>
        %or3A_89 = arith.ori %shift_left3A_85, %shift_right_logical3A_88 : vector<16xi32>
        %xor3A_90 = arith.xori %or3A_89, %add3A_82 : vector<16xi32>
        %add3A_91 = arith.addi %add3A_82, %xor3A_90 : vector<16xi32>
        %shift_left3A_92 = arith.constant 6 : i32
        %shift_left3A_93 = vector.broadcast %shift_left3A_92 : i32 to vector<16xi32>
        %shift_left3A_94 = arith.shli %xor3A_90, %shift_left3A_93 : vector<16xi32>
        %shift_right_logical3A_95 = arith.constant 26 : i32
        %shift_right_logical3A_96 = vector.broadcast %shift_right_logical3A_95 : i32 to vector<16xi32>
        %shift_right_logical3A_97 = arith.shrui %xor3A_90, %shift_right_logical3A_96 : vector<16xi32>
        %or3A_98 = arith.ori %shift_left3A_94, %shift_right_logical3A_97 : vector<16xi32>
        %xor3A_99 = arith.xori %or3A_98, %add3A_91 : vector<16xi32>
        %add3A_100 = arith.constant 1168365246 : i32
        %add3A_101 = vector.broadcast %add3A_100 : i32 to vector<16xi32>
        %add3A_102 = arith.addi %add3A_91, %add3A_101 : vector<16xi32>
        %add3A_103 = arith.constant -765416504 : i32
        %add3A_104 = vector.broadcast %add3A_103 : i32 to vector<16xi32>
        %add3A_105 = arith.addi %xor3A_99, %add3A_104 : vector<16xi32>
        %add3A_106 = arith.constant 1 : i32
        %add3A_107 = vector.broadcast %add3A_106 : i32 to vector<16xi32>
        %add3A_108 = arith.addi %add3A_105, %add3A_107 : vector<16xi32>
        %add3A_109 = arith.addi %add3A_102, %add3A_108 : vector<16xi32>
        %shift_left3A_110 = arith.constant 17 : i32
        %shift_left3A_111 = vector.broadcast %shift_left3A_110 : i32 to vector<16xi32>
        %shift_left3A_112 = arith.shli %add3A_108, %shift_left3A_111 : vector<16xi32>
        %shift_right_logical3A_113 = arith.constant 15 : i32
        %shift_right_logical3A_114 = vector.broadcast %shift_right_logical3A_113 : i32 to vector<16xi32>
        %shift_right_logical3A_115 = arith.shrui %add3A_108, %shift_right_logical3A_114 : vector<16xi32>
        %or3A_116 = arith.ori %shift_left3A_112, %shift_right_logical3A_115 : vector<16xi32>
        %xor3A_117 = arith.xori %or3A_116, %add3A_109 : vector<16xi32>
        %add3A_118 = arith.addi %add3A_109, %xor3A_117 : vector<16xi32>
        %shift_left3A_119 = arith.constant 29 : i32
        %shift_left3A_120 = vector.broadcast %shift_left3A_119 : i32 to vector<16xi32>
        %shift_left3A_121 = arith.shli %xor3A_117, %shift_left3A_120 : vector<16xi32>
        %shift_right_logical3A_122 = arith.constant 3 : i32
        %shift_right_logical3A_123 = vector.broadcast %shift_right_logical3A_122 : i32 to vector<16xi32>
        %shift_right_logical3A_124 = arith.shrui %xor3A_117, %shift_right_logical3A_123 : vector<16xi32>
        %or3A_125 = arith.ori %shift_left3A_121, %shift_right_logical3A_124 : vector<16xi32>
        %xor3A_126 = arith.xori %or3A_125, %add3A_118 : vector<16xi32>
        %add3A_127 = arith.addi %add3A_118, %xor3A_126 : vector<16xi32>
        %shift_left3A_128 = arith.constant 16 : i32
        %shift_left3A_129 = vector.broadcast %shift_left3A_128 : i32 to vector<16xi32>
        %shift_left3A_130 = arith.shli %xor3A_126, %shift_left3A_129 : vector<16xi32>
        %shift_right_logical3A_131 = arith.constant 16 : i32
        %shift_right_logical3A_132 = vector.broadcast %shift_right_logical3A_131 : i32 to vector<16xi32>
        %shift_right_logical3A_133 = arith.shrui %xor3A_126, %shift_right_logical3A_132 : vector<16xi32>
        %or3A_134 = arith.ori %shift_left3A_130, %shift_right_logical3A_133 : vector<16xi32>
        %xor3A_135 = arith.xori %or3A_134, %add3A_127 : vector<16xi32>
        %add3A_136 = arith.addi %add3A_127, %xor3A_135 : vector<16xi32>
        %shift_left3A_137 = arith.constant 24 : i32
        %shift_left3A_138 = vector.broadcast %shift_left3A_137 : i32 to vector<16xi32>
        %shift_left3A_139 = arith.shli %xor3A_135, %shift_left3A_138 : vector<16xi32>
        %shift_right_logical3A_140 = arith.constant 8 : i32
        %shift_right_logical3A_141 = vector.broadcast %shift_right_logical3A_140 : i32 to vector<16xi32>
        %shift_right_logical3A_142 = arith.shrui %xor3A_135, %shift_right_logical3A_141 : vector<16xi32>
        %or3A_143 = arith.ori %shift_left3A_139, %shift_right_logical3A_142 : vector<16xi32>
        %xor3A_144 = arith.xori %or3A_143, %add3A_136 : vector<16xi32>
        %add3A_145 = arith.constant -765416504 : i32
        %add3A_146 = vector.broadcast %add3A_145 : i32 to vector<16xi32>
        %add3A_147 = arith.addi %add3A_136, %add3A_146 : vector<16xi32>
        %add3A_148 = arith.constant -1944951124 : i32
        %add3A_149 = vector.broadcast %add3A_148 : i32 to vector<16xi32>
        %add3A_150 = arith.addi %xor3A_144, %add3A_149 : vector<16xi32>
        %add3A_151 = arith.constant 2 : i32
        %add3A_152 = vector.broadcast %add3A_151 : i32 to vector<16xi32>
        %add3A_153 = arith.addi %add3A_150, %add3A_152 : vector<16xi32>
        %add3A_154 = arith.addi %add3A_147, %add3A_153 : vector<16xi32>
        %shift_left3A_155 = arith.constant 13 : i32
        %shift_left3A_156 = vector.broadcast %shift_left3A_155 : i32 to vector<16xi32>
        %shift_left3A_157 = arith.shli %add3A_153, %shift_left3A_156 : vector<16xi32>
        %shift_right_logical3A_158 = arith.constant 19 : i32
        %shift_right_logical3A_159 = vector.broadcast %shift_right_logical3A_158 : i32 to vector<16xi32>
        %shift_right_logical3A_160 = arith.shrui %add3A_153, %shift_right_logical3A_159 : vector<16xi32>
        %or3A_161 = arith.ori %shift_left3A_157, %shift_right_logical3A_160 : vector<16xi32>
        %xor3A_162 = arith.xori %or3A_161, %add3A_154 : vector<16xi32>
        %add3A_163 = arith.addi %add3A_154, %xor3A_162 : vector<16xi32>
        %shift_left3A_164 = arith.constant 15 : i32
        %shift_left3A_165 = vector.broadcast %shift_left3A_164 : i32 to vector<16xi32>
        %shift_left3A_166 = arith.shli %xor3A_162, %shift_left3A_165 : vector<16xi32>
        %shift_right_logical3A_167 = arith.constant 17 : i32
        %shift_right_logical3A_168 = vector.broadcast %shift_right_logical3A_167 : i32 to vector<16xi32>
        %shift_right_logical3A_169 = arith.shrui %xor3A_162, %shift_right_logical3A_168 : vector<16xi32>
        %or3A_170 = arith.ori %shift_left3A_166, %shift_right_logical3A_169 : vector<16xi32>
        %xor3A_171 = arith.xori %or3A_170, %add3A_163 : vector<16xi32>
        %add3A_172 = arith.addi %add3A_163, %xor3A_171 : vector<16xi32>
        %shift_left3A_173 = arith.constant 26 : i32
        %shift_left3A_174 = vector.broadcast %shift_left3A_173 : i32 to vector<16xi32>
        %shift_left3A_175 = arith.shli %xor3A_171, %shift_left3A_174 : vector<16xi32>
        %shift_right_logical3A_176 = arith.constant 6 : i32
        %shift_right_logical3A_177 = vector.broadcast %shift_right_logical3A_176 : i32 to vector<16xi32>
        %shift_right_logical3A_178 = arith.shrui %xor3A_171, %shift_right_logical3A_177 : vector<16xi32>
        %or3A_179 = arith.ori %shift_left3A_175, %shift_right_logical3A_178 : vector<16xi32>
        %xor3A_180 = arith.xori %or3A_179, %add3A_172 : vector<16xi32>
        %add3A_181 = arith.addi %add3A_172, %xor3A_180 : vector<16xi32>
        %shift_left3A_182 = arith.constant 6 : i32
        %shift_left3A_183 = vector.broadcast %shift_left3A_182 : i32 to vector<16xi32>
        %shift_left3A_184 = arith.shli %xor3A_180, %shift_left3A_183 : vector<16xi32>
        %shift_right_logical3A_185 = arith.constant 26 : i32
        %shift_right_logical3A_186 = vector.broadcast %shift_right_logical3A_185 : i32 to vector<16xi32>
        %shift_right_logical3A_187 = arith.shrui %xor3A_180, %shift_right_logical3A_186 : vector<16xi32>
        %or3A_188 = arith.ori %shift_left3A_184, %shift_right_logical3A_187 : vector<16xi32>
        %xor3A_189 = arith.xori %or3A_188, %add3A_181 : vector<16xi32>
        %add3A_190 = arith.constant -1944951124 : i32
        %add3A_191 = vector.broadcast %add3A_190 : i32 to vector<16xi32>
        %add3A_192 = arith.addi %add3A_181, %add3A_191 : vector<16xi32>
        %add3A_193 = arith.constant 1168365246 : i32
        %add3A_194 = vector.broadcast %add3A_193 : i32 to vector<16xi32>
        %add3A_195 = arith.addi %xor3A_189, %add3A_194 : vector<16xi32>
        %add3A_196 = arith.constant 3 : i32
        %add3A_197 = vector.broadcast %add3A_196 : i32 to vector<16xi32>
        %add3A_198 = arith.addi %add3A_195, %add3A_197 : vector<16xi32>
        %add3A_199 = arith.addi %add3A_192, %add3A_198 : vector<16xi32>
        %shift_left3A_200 = arith.constant 17 : i32
        %shift_left3A_201 = vector.broadcast %shift_left3A_200 : i32 to vector<16xi32>
        %shift_left3A_202 = arith.shli %add3A_198, %shift_left3A_201 : vector<16xi32>
        %shift_right_logical3A_203 = arith.constant 15 : i32
        %shift_right_logical3A_204 = vector.broadcast %shift_right_logical3A_203 : i32 to vector<16xi32>
        %shift_right_logical3A_205 = arith.shrui %add3A_198, %shift_right_logical3A_204 : vector<16xi32>
        %or3A_206 = arith.ori %shift_left3A_202, %shift_right_logical3A_205 : vector<16xi32>
        %xor3A_207 = arith.xori %or3A_206, %add3A_199 : vector<16xi32>
        %add3A_208 = arith.addi %add3A_199, %xor3A_207 : vector<16xi32>
        %shift_left3A_209 = arith.constant 29 : i32
        %shift_left3A_210 = vector.broadcast %shift_left3A_209 : i32 to vector<16xi32>
        %shift_left3A_211 = arith.shli %xor3A_207, %shift_left3A_210 : vector<16xi32>
        %shift_right_logical3A_212 = arith.constant 3 : i32
        %shift_right_logical3A_213 = vector.broadcast %shift_right_logical3A_212 : i32 to vector<16xi32>
        %shift_right_logical3A_214 = arith.shrui %xor3A_207, %shift_right_logical3A_213 : vector<16xi32>
        %or3A_215 = arith.ori %shift_left3A_211, %shift_right_logical3A_214 : vector<16xi32>
        %xor3A_216 = arith.xori %or3A_215, %add3A_208 : vector<16xi32>
        %add3A_217 = arith.addi %add3A_208, %xor3A_216 : vector<16xi32>
        %shift_left3A_218 = arith.constant 16 : i32
        %shift_left3A_219 = vector.broadcast %shift_left3A_218 : i32 to vector<16xi32>
        %shift_left3A_220 = arith.shli %xor3A_216, %shift_left3A_219 : vector<16xi32>
        %shift_right_logical3A_221 = arith.constant 16 : i32
        %shift_right_logical3A_222 = vector.broadcast %shift_right_logical3A_221 : i32 to vector<16xi32>
        %shift_right_logical3A_223 = arith.shrui %xor3A_216, %shift_right_logical3A_222 : vector<16xi32>
        %or3A_224 = arith.ori %shift_left3A_220, %shift_right_logical3A_223 : vector<16xi32>
        %xor3A_225 = arith.xori %or3A_224, %add3A_217 : vector<16xi32>
        %add3A_226 = arith.addi %add3A_217, %xor3A_225 : vector<16xi32>
        %shift_left3A_227 = arith.constant 24 : i32
        %shift_left3A_228 = vector.broadcast %shift_left3A_227 : i32 to vector<16xi32>
        %shift_left3A_229 = arith.shli %xor3A_225, %shift_left3A_228 : vector<16xi32>
        %shift_right_logical3A_230 = arith.constant 8 : i32
        %shift_right_logical3A_231 = vector.broadcast %shift_right_logical3A_230 : i32 to vector<16xi32>
        %shift_right_logical3A_232 = arith.shrui %xor3A_225, %shift_right_logical3A_231 : vector<16xi32>
        %or3A_233 = arith.ori %shift_left3A_229, %shift_right_logical3A_232 : vector<16xi32>
        %xor3A_234 = arith.xori %or3A_233, %add3A_226 : vector<16xi32>
        %add3A_235 = arith.constant 1168365246 : i32
        %add3A_236 = vector.broadcast %add3A_235 : i32 to vector<16xi32>
        %add3A_237 = arith.addi %add3A_226, %add3A_236 : vector<16xi32>
        %add3A_238 = arith.constant -765416504 : i32
        %add3A_239 = vector.broadcast %add3A_238 : i32 to vector<16xi32>
        %add3A_240 = arith.addi %xor3A_234, %add3A_239 : vector<16xi32>
        %add3A_241 = arith.constant 4 : i32
        %add3A_242 = vector.broadcast %add3A_241 : i32 to vector<16xi32>
        %add3A_243 = arith.addi %add3A_240, %add3A_242 : vector<16xi32>
        %add3A_244 = arith.addi %add3A_237, %add3A_243 : vector<16xi32>
        %shift_left3A_245 = arith.constant 13 : i32
        %shift_left3A_246 = vector.broadcast %shift_left3A_245 : i32 to vector<16xi32>
        %shift_left3A_247 = arith.shli %add3A_243, %shift_left3A_246 : vector<16xi32>
        %shift_right_logical3A_248 = arith.constant 19 : i32
        %shift_right_logical3A_249 = vector.broadcast %shift_right_logical3A_248 : i32 to vector<16xi32>
        %shift_right_logical3A_250 = arith.shrui %add3A_243, %shift_right_logical3A_249 : vector<16xi32>
        %or3A_251 = arith.ori %shift_left3A_247, %shift_right_logical3A_250 : vector<16xi32>
        %xor3A_252 = arith.xori %or3A_251, %add3A_244 : vector<16xi32>
        %add3A_253 = arith.addi %add3A_244, %xor3A_252 : vector<16xi32>
        %shift_left3A_254 = arith.constant 15 : i32
        %shift_left3A_255 = vector.broadcast %shift_left3A_254 : i32 to vector<16xi32>
        %shift_left3A_256 = arith.shli %xor3A_252, %shift_left3A_255 : vector<16xi32>
        %shift_right_logical3A_257 = arith.constant 17 : i32
        %shift_right_logical3A_258 = vector.broadcast %shift_right_logical3A_257 : i32 to vector<16xi32>
        %shift_right_logical3A_259 = arith.shrui %xor3A_252, %shift_right_logical3A_258 : vector<16xi32>
        %or3A_260 = arith.ori %shift_left3A_256, %shift_right_logical3A_259 : vector<16xi32>
        %xor3A_261 = arith.xori %or3A_260, %add3A_253 : vector<16xi32>
        %add3A_262 = arith.addi %add3A_253, %xor3A_261 : vector<16xi32>
        %shift_left3A_263 = arith.constant 26 : i32
        %shift_left3A_264 = vector.broadcast %shift_left3A_263 : i32 to vector<16xi32>
        %shift_left3A_265 = arith.shli %xor3A_261, %shift_left3A_264 : vector<16xi32>
        %shift_right_logical3A_266 = arith.constant 6 : i32
        %shift_right_logical3A_267 = vector.broadcast %shift_right_logical3A_266 : i32 to vector<16xi32>
        %shift_right_logical3A_268 = arith.shrui %xor3A_261, %shift_right_logical3A_267 : vector<16xi32>
        %or3A_269 = arith.ori %shift_left3A_265, %shift_right_logical3A_268 : vector<16xi32>
        %xor3A_270 = arith.xori %or3A_269, %add3A_262 : vector<16xi32>
        %add3A_271 = arith.addi %add3A_262, %xor3A_270 : vector<16xi32>
        %shift_left3A_272 = arith.constant 6 : i32
        %shift_left3A_273 = vector.broadcast %shift_left3A_272 : i32 to vector<16xi32>
        %shift_left3A_274 = arith.shli %xor3A_270, %shift_left3A_273 : vector<16xi32>
        %shift_right_logical3A_275 = arith.constant 26 : i32
        %shift_right_logical3A_276 = vector.broadcast %shift_right_logical3A_275 : i32 to vector<16xi32>
        %shift_right_logical3A_277 = arith.shrui %xor3A_270, %shift_right_logical3A_276 : vector<16xi32>
        %or3A_278 = arith.ori %shift_left3A_274, %shift_right_logical3A_277 : vector<16xi32>
        %xor3A_279 = arith.xori %or3A_278, %add3A_271 : vector<16xi32>
        %add3A_280 = arith.constant -765416504 : i32
        %add3A_281 = vector.broadcast %add3A_280 : i32 to vector<16xi32>
        %add3A_282 = arith.addi %add3A_271, %add3A_281 : vector<16xi32>
        %add3A_283 = arith.constant -1944951124 : i32
        %add3A_284 = vector.broadcast %add3A_283 : i32 to vector<16xi32>
        %add3A_285 = arith.addi %xor3A_279, %add3A_284 : vector<16xi32>
        %add3A_286 = arith.constant 5 : i32
        %add3A_287 = vector.broadcast %add3A_286 : i32 to vector<16xi32>
        %add3A_288 = arith.addi %add3A_285, %add3A_287 : vector<16xi32>
        %xor3A_289 = arith.xori %add3A_282, %add3A_288 : vector<16xi32>
        %convert_element_type3A = arith.sitofp %xor3A_289 : vector<16xi32> to vector<16xf32>
        %lt3A_290 = arith.constant 0 : i32
        %lt3A_291 = vector.broadcast %lt3A_290 : i32 to vector<16xi32>
        %lt3A_292 = arith.cmpi slt, %xor3A_289, %lt3A_291 : vector<16xi32>
        %jit3A = arith.constant 4.2949673E+9 : f32
        %jit3A_293 = arith.constant 0.000000e+00 : f32
        %broadcast_in_dim3A_294 = vector.broadcast %jit3A : f32 to vector<16xf32>
        %broadcast_in_dim3A_295 = vector.broadcast %jit3A_293 : f32 to vector<16xf32>
        %select_n3A_296 = arith.select %lt3A_292, %broadcast_in_dim3A_294, %broadcast_in_dim3A_295 : vector<16xi1>, vector<16xf32>
        %add3A_297 = arith.addf %convert_element_type3A, %select_n3A_296 : vector<16xf32>
        %mul3A_298 = arith.constant 1.000030e-05 : f32
        %mul3A_299 = vector.broadcast %mul3A_298 : f32 to vector<16xf32>
        %mul3A_300 = arith.mulf %add3A_297, %mul3A_299 : vector<16xf32>
        %convert_element_type3A_301 = arith.fptosi %mul3A_300 : vector<16xf32> to vector<16xi32>
        %mul3A_302 = arith.constant 99997 : i32
        %mul3A_303 = vector.broadcast %mul3A_302 : i32 to vector<16xi32>
        %mul3A_304 = arith.muli %convert_element_type3A_301, %mul3A_303 : vector<16xi32>
        %sub3A_305 = arith.subi %xor3A_289, %mul3A_304 : vector<16xi32>
        %lt3A_306 = arith.constant 0 : i32
        %lt3A_307 = vector.broadcast %lt3A_306 : i32 to vector<16xi32>
        %lt3A_308 = arith.cmpi slt, %sub3A_305, %lt3A_307 : vector<16xi32>
        %jit3A_309 = arith.constant 99997 : i32
        %jit3A_310 = arith.constant 0 : i32
        %broadcast_in_dim3A_311 = vector.broadcast %jit3A_309 : i32 to vector<16xi32>
        %broadcast_in_dim3A_312 = vector.broadcast %jit3A_310 : i32 to vector<16xi32>
        %select_n3A_313 = arith.select %lt3A_308, %broadcast_in_dim3A_311, %broadcast_in_dim3A_312 : vector<16xi1>, vector<16xi32>
        %add3A_314 = arith.addi %sub3A_305, %select_n3A_313 : vector<16xi32>
        %ge3A = arith.constant 99997 : i32
        %ge3A_315 = vector.broadcast %ge3A : i32 to vector<16xi32>
        %ge3A_316 = arith.cmpi sge, %add3A_314, %ge3A_315 : vector<16xi32>
        %jit3A_317 = arith.constant 99997 : i32
        %jit3A_318 = arith.constant 0 : i32
        %broadcast_in_dim3A_319 = vector.broadcast %jit3A_317 : i32 to vector<16xi32>
        %broadcast_in_dim3A_320 = vector.broadcast %jit3A_318 : i32 to vector<16xi32>
        %select_n3A_321 = arith.select %ge3A_316, %broadcast_in_dim3A_319, %broadcast_in_dim3A_320 : vector<16xi1>, vector<16xi32>
        %sub3A_322 = arith.subi %add3A_314, %select_n3A_321 : vector<16xi32>
        %add3A_323 = arith.constant 3 : i32
        %add3A_324 = vector.broadcast %add3A_323 : i32 to vector<16xi32>
        %add3A_325 = arith.addi %sub3A_322, %add3A_324 : vector<16xi32>
        %mul3A_326 = arith.constant 16 : i32
        %mul3A_327 = arith.muli %while3A_49, %mul3A_326 : i32
        %swap3A = arith.index_cast %mul3A_327 : i32 to index
        %swap3A_328 = tpu.vector_load %arg6[%swap3A] {strides = array<i32>} : memref<272xi32, #tpu.memory_space<vmem>>, vector<16xi32>,
        %swap3A_329 = vector.shape_cast %swap3A_328 : vector<16xi32> to vector<16xi32>
        %swap3A_330 = vector.shape_cast %add3A_325 : vector<16xi32> to vector<16xi32>
        tpu.vector_store %arg6[%swap3A], %swap3A_330 {strides = array<i32>} : memref<272xi32, #tpu.memory_space<vmem>>, vector<16xi32>,
        %mul3A_331 = arith.constant 16 : i32
        %mul3A_332 = arith.muli %while3A_49, %mul3A_331 : i32
        %add3A_333 = vector.broadcast %sub3A_21 : i32 to vector<16xi32>
        %add3A_334 = arith.addi %select_n3A, %add3A_333 : vector<16xi32>
        %dma_start3A = tpu.memref_slice %arg6[%mul3A_332] : memref<272xi32, #tpu.memory_space<vmem>> -> memref<16xi32, #tpu.memory_space<vmem>>
        %dma_start3A_335 = arith.constant 0 : i32
        %dma_start3A_336 = tpu.memref_slice %arg3[%dma_start3A_335] : memref<393216xi32, #tpu.memory_space<hbm>> -> memref<393216xi32, #tpu.memory_space<hbm>>
        tpu.enqueue_indirect_dma source(%dma_start3A : memref<16xi32, #tpu.memory_space<vmem>>) target(%dma_start3A_336 : memref<393216xi32, #tpu.memory_space<hbm>>) offsets(%add3A_334 : vector<16xi32>) semaphore(%arg7 : memref<!tpu.dma_semaphore, #tpu.memory_space<semaphore_mem>>)
      }
      %while3A_39 = arith.constant 0 : i32
      %while3A_40 = arith.constant 0 : i32
      %while3A_41 = arith.subi %shift_right_logical3A_24, %while3A_40 : i32
      %while3A_42 = arith.addi %while3A_40, %while3A_41 : i32
      %while3A_43 = arith.constant 1 : i32
      %while3A_44 = arith.divsi %while3A_41, %while3A_43 : i32
      %while3A_45 = arith.muli %while3A_44, %while3A_43 : i32
      %while3A_46 = arith.addi %while3A_40, %while3A_45 : i32
      %while3A_47 = arith.constant 1 : i32
      scf.for %while3A_49 = %while3A_40 to %while3A_46 step %while3A_47  : i32 {
        %dma_wait3A = arith.constant 0 : i32
        %dma_wait3A_50 = tpu.memref_slice %arg6[%dma_wait3A] : memref<272xi32, #tpu.memory_space<vmem>> -> memref<16xi32, #tpu.memory_space<vmem>>
        %dma_wait3A_51 = arith.constant 0 : i32
        %dma_wait3A_52 = tpu.memref_slice %arg3[%dma_wait3A_51] : memref<393216xi32, #tpu.memory_space<hbm>> -> memref<393216xi32, #tpu.memory_space<hbm>>
        tpu.wait_indirect_dma semaphore(%arg7 : memref<!tpu.dma_semaphore, #tpu.memory_space<semaphore_mem>>) src(%dma_wait3A_50 : memref<16xi32, #tpu.memory_space<vmem>>) dst(%dma_wait3A_52 : memref<393216xi32, #tpu.memory_space<hbm>>)
      }
      %while3A_48 = arith.constant 1 : i32
      scf.for %while3A_49 = %while3A_46 to %while3A_42 step %while3A_48  : i32 {
        %dma_wait3A = arith.constant 0 : i32
        %dma_wait3A_50 = tpu.memref_slice %arg6[%dma_wait3A] : memref<272xi32, #tpu.memory_space<vmem>> -> memref<16xi32, #tpu.memory_space<vmem>>
        %dma_wait3A_51 = arith.constant 0 : i32
        %dma_wait3A_52 = tpu.memref_slice %arg3[%dma_wait3A_51] : memref<393216xi32, #tpu.memory_space<hbm>> -> memref<393216xi32, #tpu.memory_space<hbm>>
        tpu.wait_indirect_dma semaphore(%arg7 : memref<!tpu.dma_semaphore, #tpu.memory_space<semaphore_mem>>) src(%dma_wait3A_50 : memref<16xi32, #tpu.memory_space<vmem>>) dst(%dma_wait3A_52 : memref<393216xi32, #tpu.memory_space<hbm>>)
      }
    }
    %scan3A_5 = arith.constant 3 : i32
    return
  }
}

module attributes {stable_mosaic.version = 14 : i64} {
  func.func @_tc_body(%arg0: i32, %arg1: memref<256x128xi32, #tpu.memory_space<vmem>>, %arg2: memref<256x128xi32, #tpu.memory_space<vmem>>) attributes {dimension_semantics = [#tpu.dimension_semantics<arbitrary>], iteration_bounds = array<i64: 52>, scalar_prefetch = 0 : i64, scratch_operands = 0 : i64, tpu.core_type = #tpu.core_type<tc>, window_params = [{transform_indices = @transform_0, window_bounds = array<i64: 256, 128>}, {transform_indices = @transform_1, window_bounds = array<i64: 256, 128>}]} {
    %mul3A = arith.constant 256 : i32
    %mul3A_0 = arith.muli %arg0, %mul3A : i32
    %iota3A = tpu.iota {dimensions = array<i32: 0>} : vector<256x128xi32>
    %add3A = vector.broadcast %mul3A_0 : i32 to vector<256x128xi32>
    %add3A_1 = arith.addi %add3A, %iota3A : vector<256x128xi32>
    %mul3A_2 = arith.constant 128 : i32
    %mul3A_3 = vector.broadcast %mul3A_2 : i32 to vector<256x128xi32>
    %mul3A_4 = arith.muli %add3A_1, %mul3A_3 : vector<256x128xi32>
    %iota3A_5 = tpu.iota {dimensions = array<i32: 1>} : vector<256x128xi32>
    %add3A_6 = arith.addi %mul3A_4, %iota3A_5 : vector<256x128xi32>
    %get3A = arith.constant 0 : index
    %get3A_7 = arith.constant 0 : index
    %get3A_8 = vector.load %arg1[%get3A, %get3A_7] : memref<256x128xi32, #tpu.memory_space<vmem>>, vector<256x128xi32>
    %broadcast_in_dim3A = arith.constant 1832780943 : i32
    %broadcast_in_dim3A_9 = vector.broadcast %broadcast_in_dim3A : i32 to vector<256x128xi32>
    %add3A_10 = arith.constant 270669613 : i32
    %add3A_11 = vector.broadcast %add3A_10 : i32 to vector<256x128xi32>
    %add3A_12 = arith.addi %add3A_6, %add3A_11 : vector<256x128xi32>
    %add3A_13 = arith.addi %broadcast_in_dim3A_9, %add3A_12 : vector<256x128xi32>
    %shift_left3A = arith.constant 13 : i32
    %shift_left3A_14 = vector.broadcast %shift_left3A : i32 to vector<256x128xi32>
    %shift_left3A_15 = arith.shli %add3A_12, %shift_left3A_14 : vector<256x128xi32>
    %shift_right_logical3A = arith.constant 19 : i32
    %shift_right_logical3A_16 = vector.broadcast %shift_right_logical3A : i32 to vector<256x128xi32>
    %shift_right_logical3A_17 = arith.shrui %add3A_12, %shift_right_logical3A_16 : vector<256x128xi32>
    %or3A = arith.ori %shift_left3A_15, %shift_right_logical3A_17 : vector<256x128xi32>
    %xor3A = arith.xori %or3A, %add3A_13 : vector<256x128xi32>
    %add3A_18 = arith.addi %add3A_13, %xor3A : vector<256x128xi32>
    %shift_left3A_19 = arith.constant 15 : i32
    %shift_left3A_20 = vector.broadcast %shift_left3A_19 : i32 to vector<256x128xi32>
    %shift_left3A_21 = arith.shli %xor3A, %shift_left3A_20 : vector<256x128xi32>
    %shift_right_logical3A_22 = arith.constant 17 : i32
    %shift_right_logical3A_23 = vector.broadcast %shift_right_logical3A_22 : i32 to vector<256x128xi32>
    %shift_right_logical3A_24 = arith.shrui %xor3A, %shift_right_logical3A_23 : vector<256x128xi32>
    %or3A_25 = arith.ori %shift_left3A_21, %shift_right_logical3A_24 : vector<256x128xi32>
    %xor3A_26 = arith.xori %or3A_25, %add3A_18 : vector<256x128xi32>
    %add3A_27 = arith.addi %add3A_18, %xor3A_26 : vector<256x128xi32>
    %shift_left3A_28 = arith.constant 26 : i32
    %shift_left3A_29 = vector.broadcast %shift_left3A_28 : i32 to vector<256x128xi32>
    %shift_left3A_30 = arith.shli %xor3A_26, %shift_left3A_29 : vector<256x128xi32>
    %shift_right_logical3A_31 = arith.constant 6 : i32
    %shift_right_logical3A_32 = vector.broadcast %shift_right_logical3A_31 : i32 to vector<256x128xi32>
    %shift_right_logical3A_33 = arith.shrui %xor3A_26, %shift_right_logical3A_32 : vector<256x128xi32>
    %or3A_34 = arith.ori %shift_left3A_30, %shift_right_logical3A_33 : vector<256x128xi32>
    %xor3A_35 = arith.xori %or3A_34, %add3A_27 : vector<256x128xi32>
    %add3A_36 = arith.addi %add3A_27, %xor3A_35 : vector<256x128xi32>
    %shift_left3A_37 = arith.constant 6 : i32
    %shift_left3A_38 = vector.broadcast %shift_left3A_37 : i32 to vector<256x128xi32>
    %shift_left3A_39 = arith.shli %xor3A_35, %shift_left3A_38 : vector<256x128xi32>
    %shift_right_logical3A_40 = arith.constant 26 : i32
    %shift_right_logical3A_41 = vector.broadcast %shift_right_logical3A_40 : i32 to vector<256x128xi32>
    %shift_right_logical3A_42 = arith.shrui %xor3A_35, %shift_right_logical3A_41 : vector<256x128xi32>
    %or3A_43 = arith.ori %shift_left3A_39, %shift_right_logical3A_42 : vector<256x128xi32>
    %xor3A_44 = arith.xori %or3A_43, %add3A_36 : vector<256x128xi32>
    %add3A_45 = arith.constant 270669613 : i32
    %add3A_46 = vector.broadcast %add3A_45 : i32 to vector<256x128xi32>
    %add3A_47 = arith.addi %add3A_36, %add3A_46 : vector<256x128xi32>
    %add3A_48 = arith.constant 1724713080 : i32
    %add3A_49 = vector.broadcast %add3A_48 : i32 to vector<256x128xi32>
    %add3A_50 = arith.addi %xor3A_44, %add3A_49 : vector<256x128xi32>
    %add3A_51 = arith.constant 1 : i32
    %add3A_52 = vector.broadcast %add3A_51 : i32 to vector<256x128xi32>
    %add3A_53 = arith.addi %add3A_50, %add3A_52 : vector<256x128xi32>
    %add3A_54 = arith.addi %add3A_47, %add3A_53 : vector<256x128xi32>
    %shift_left3A_55 = arith.constant 17 : i32
    %shift_left3A_56 = vector.broadcast %shift_left3A_55 : i32 to vector<256x128xi32>
    %shift_left3A_57 = arith.shli %add3A_53, %shift_left3A_56 : vector<256x128xi32>
    %shift_right_logical3A_58 = arith.constant 15 : i32
    %shift_right_logical3A_59 = vector.broadcast %shift_right_logical3A_58 : i32 to vector<256x128xi32>
    %shift_right_logical3A_60 = arith.shrui %add3A_53, %shift_right_logical3A_59 : vector<256x128xi32>
    %or3A_61 = arith.ori %shift_left3A_57, %shift_right_logical3A_60 : vector<256x128xi32>
    %xor3A_62 = arith.xori %or3A_61, %add3A_54 : vector<256x128xi32>
    %add3A_63 = arith.addi %add3A_54, %xor3A_62 : vector<256x128xi32>
    %shift_left3A_64 = arith.constant 29 : i32
    %shift_left3A_65 = vector.broadcast %shift_left3A_64 : i32 to vector<256x128xi32>
    %shift_left3A_66 = arith.shli %xor3A_62, %shift_left3A_65 : vector<256x128xi32>
    %shift_right_logical3A_67 = arith.constant 3 : i32
    %shift_right_logical3A_68 = vector.broadcast %shift_right_logical3A_67 : i32 to vector<256x128xi32>
    %shift_right_logical3A_69 = arith.shrui %xor3A_62, %shift_right_logical3A_68 : vector<256x128xi32>
    %or3A_70 = arith.ori %shift_left3A_66, %shift_right_logical3A_69 : vector<256x128xi32>
    %xor3A_71 = arith.xori %or3A_70, %add3A_63 : vector<256x128xi32>
    %add3A_72 = arith.addi %add3A_63, %xor3A_71 : vector<256x128xi32>
    %shift_left3A_73 = arith.constant 16 : i32
    %shift_left3A_74 = vector.broadcast %shift_left3A_73 : i32 to vector<256x128xi32>
    %shift_left3A_75 = arith.shli %xor3A_71, %shift_left3A_74 : vector<256x128xi32>
    %shift_right_logical3A_76 = arith.constant 16 : i32
    %shift_right_logical3A_77 = vector.broadcast %shift_right_logical3A_76 : i32 to vector<256x128xi32>
    %shift_right_logical3A_78 = arith.shrui %xor3A_71, %shift_right_logical3A_77 : vector<256x128xi32>
    %or3A_79 = arith.ori %shift_left3A_75, %shift_right_logical3A_78 : vector<256x128xi32>
    %xor3A_80 = arith.xori %or3A_79, %add3A_72 : vector<256x128xi32>
    %add3A_81 = arith.addi %add3A_72, %xor3A_80 : vector<256x128xi32>
    %shift_left3A_82 = arith.constant 24 : i32
    %shift_left3A_83 = vector.broadcast %shift_left3A_82 : i32 to vector<256x128xi32>
    %shift_left3A_84 = arith.shli %xor3A_80, %shift_left3A_83 : vector<256x128xi32>
    %shift_right_logical3A_85 = arith.constant 8 : i32
    %shift_right_logical3A_86 = vector.broadcast %shift_right_logical3A_85 : i32 to vector<256x128xi32>
    %shift_right_logical3A_87 = arith.shrui %xor3A_80, %shift_right_logical3A_86 : vector<256x128xi32>
    %or3A_88 = arith.ori %shift_left3A_84, %shift_right_logical3A_87 : vector<256x128xi32>
    %xor3A_89 = arith.xori %or3A_88, %add3A_81 : vector<256x128xi32>
    %add3A_90 = arith.constant 1724713080 : i32
    %add3A_91 = vector.broadcast %add3A_90 : i32 to vector<256x128xi32>
    %add3A_92 = arith.addi %add3A_81, %add3A_91 : vector<256x128xi32>
    %add3A_93 = arith.constant 1832780943 : i32
    %add3A_94 = vector.broadcast %add3A_93 : i32 to vector<256x128xi32>
    %add3A_95 = arith.addi %xor3A_89, %add3A_94 : vector<256x128xi32>
    %add3A_96 = arith.constant 2 : i32
    %add3A_97 = vector.broadcast %add3A_96 : i32 to vector<256x128xi32>
    %add3A_98 = arith.addi %add3A_95, %add3A_97 : vector<256x128xi32>
    %add3A_99 = arith.addi %add3A_92, %add3A_98 : vector<256x128xi32>
    %shift_left3A_100 = arith.constant 13 : i32
    %shift_left3A_101 = vector.broadcast %shift_left3A_100 : i32 to vector<256x128xi32>
    %shift_left3A_102 = arith.shli %add3A_98, %shift_left3A_101 : vector<256x128xi32>
    %shift_right_logical3A_103 = arith.constant 19 : i32
    %shift_right_logical3A_104 = vector.broadcast %shift_right_logical3A_103 : i32 to vector<256x128xi32>
    %shift_right_logical3A_105 = arith.shrui %add3A_98, %shift_right_logical3A_104 : vector<256x128xi32>
    %or3A_106 = arith.ori %shift_left3A_102, %shift_right_logical3A_105 : vector<256x128xi32>
    %xor3A_107 = arith.xori %or3A_106, %add3A_99 : vector<256x128xi32>
    %add3A_108 = arith.addi %add3A_99, %xor3A_107 : vector<256x128xi32>
    %shift_left3A_109 = arith.constant 15 : i32
    %shift_left3A_110 = vector.broadcast %shift_left3A_109 : i32 to vector<256x128xi32>
    %shift_left3A_111 = arith.shli %xor3A_107, %shift_left3A_110 : vector<256x128xi32>
    %shift_right_logical3A_112 = arith.constant 17 : i32
    %shift_right_logical3A_113 = vector.broadcast %shift_right_logical3A_112 : i32 to vector<256x128xi32>
    %shift_right_logical3A_114 = arith.shrui %xor3A_107, %shift_right_logical3A_113 : vector<256x128xi32>
    %or3A_115 = arith.ori %shift_left3A_111, %shift_right_logical3A_114 : vector<256x128xi32>
    %xor3A_116 = arith.xori %or3A_115, %add3A_108 : vector<256x128xi32>
    %add3A_117 = arith.addi %add3A_108, %xor3A_116 : vector<256x128xi32>
    %shift_left3A_118 = arith.constant 26 : i32
    %shift_left3A_119 = vector.broadcast %shift_left3A_118 : i32 to vector<256x128xi32>
    %shift_left3A_120 = arith.shli %xor3A_116, %shift_left3A_119 : vector<256x128xi32>
    %shift_right_logical3A_121 = arith.constant 6 : i32
    %shift_right_logical3A_122 = vector.broadcast %shift_right_logical3A_121 : i32 to vector<256x128xi32>
    %shift_right_logical3A_123 = arith.shrui %xor3A_116, %shift_right_logical3A_122 : vector<256x128xi32>
    %or3A_124 = arith.ori %shift_left3A_120, %shift_right_logical3A_123 : vector<256x128xi32>
    %xor3A_125 = arith.xori %or3A_124, %add3A_117 : vector<256x128xi32>
    %add3A_126 = arith.addi %add3A_117, %xor3A_125 : vector<256x128xi32>
    %shift_left3A_127 = arith.constant 6 : i32
    %shift_left3A_128 = vector.broadcast %shift_left3A_127 : i32 to vector<256x128xi32>
    %shift_left3A_129 = arith.shli %xor3A_125, %shift_left3A_128 : vector<256x128xi32>
    %shift_right_logical3A_130 = arith.constant 26 : i32
    %shift_right_logical3A_131 = vector.broadcast %shift_right_logical3A_130 : i32 to vector<256x128xi32>
    %shift_right_logical3A_132 = arith.shrui %xor3A_125, %shift_right_logical3A_131 : vector<256x128xi32>
    %or3A_133 = arith.ori %shift_left3A_129, %shift_right_logical3A_132 : vector<256x128xi32>
    %xor3A_134 = arith.xori %or3A_133, %add3A_126 : vector<256x128xi32>
    %add3A_135 = arith.constant 1832780943 : i32
    %add3A_136 = vector.broadcast %add3A_135 : i32 to vector<256x128xi32>
    %add3A_137 = arith.addi %add3A_126, %add3A_136 : vector<256x128xi32>
    %add3A_138 = arith.constant 270669613 : i32
    %add3A_139 = vector.broadcast %add3A_138 : i32 to vector<256x128xi32>
    %add3A_140 = arith.addi %xor3A_134, %add3A_139 : vector<256x128xi32>
    %add3A_141 = arith.constant 3 : i32
    %add3A_142 = vector.broadcast %add3A_141 : i32 to vector<256x128xi32>
    %add3A_143 = arith.addi %add3A_140, %add3A_142 : vector<256x128xi32>
    %add3A_144 = arith.addi %add3A_137, %add3A_143 : vector<256x128xi32>
    %shift_left3A_145 = arith.constant 17 : i32
    %shift_left3A_146 = vector.broadcast %shift_left3A_145 : i32 to vector<256x128xi32>
    %shift_left3A_147 = arith.shli %add3A_143, %shift_left3A_146 : vector<256x128xi32>
    %shift_right_logical3A_148 = arith.constant 15 : i32
    %shift_right_logical3A_149 = vector.broadcast %shift_right_logical3A_148 : i32 to vector<256x128xi32>
    %shift_right_logical3A_150 = arith.shrui %add3A_143, %shift_right_logical3A_149 : vector<256x128xi32>
    %or3A_151 = arith.ori %shift_left3A_147, %shift_right_logical3A_150 : vector<256x128xi32>
    %xor3A_152 = arith.xori %or3A_151, %add3A_144 : vector<256x128xi32>
    %add3A_153 = arith.addi %add3A_144, %xor3A_152 : vector<256x128xi32>
    %shift_left3A_154 = arith.constant 29 : i32
    %shift_left3A_155 = vector.broadcast %shift_left3A_154 : i32 to vector<256x128xi32>
    %shift_left3A_156 = arith.shli %xor3A_152, %shift_left3A_155 : vector<256x128xi32>
    %shift_right_logical3A_157 = arith.constant 3 : i32
    %shift_right_logical3A_158 = vector.broadcast %shift_right_logical3A_157 : i32 to vector<256x128xi32>
    %shift_right_logical3A_159 = arith.shrui %xor3A_152, %shift_right_logical3A_158 : vector<256x128xi32>
    %or3A_160 = arith.ori %shift_left3A_156, %shift_right_logical3A_159 : vector<256x128xi32>
    %xor3A_161 = arith.xori %or3A_160, %add3A_153 : vector<256x128xi32>
    %add3A_162 = arith.addi %add3A_153, %xor3A_161 : vector<256x128xi32>
    %shift_left3A_163 = arith.constant 16 : i32
    %shift_left3A_164 = vector.broadcast %shift_left3A_163 : i32 to vector<256x128xi32>
    %shift_left3A_165 = arith.shli %xor3A_161, %shift_left3A_164 : vector<256x128xi32>
    %shift_right_logical3A_166 = arith.constant 16 : i32
    %shift_right_logical3A_167 = vector.broadcast %shift_right_logical3A_166 : i32 to vector<256x128xi32>
    %shift_right_logical3A_168 = arith.shrui %xor3A_161, %shift_right_logical3A_167 : vector<256x128xi32>
    %or3A_169 = arith.ori %shift_left3A_165, %shift_right_logical3A_168 : vector<256x128xi32>
    %xor3A_170 = arith.xori %or3A_169, %add3A_162 : vector<256x128xi32>
    %add3A_171 = arith.addi %add3A_162, %xor3A_170 : vector<256x128xi32>
    %shift_left3A_172 = arith.constant 24 : i32
    %shift_left3A_173 = vector.broadcast %shift_left3A_172 : i32 to vector<256x128xi32>
    %shift_left3A_174 = arith.shli %xor3A_170, %shift_left3A_173 : vector<256x128xi32>
    %shift_right_logical3A_175 = arith.constant 8 : i32
    %shift_right_logical3A_176 = vector.broadcast %shift_right_logical3A_175 : i32 to vector<256x128xi32>
    %shift_right_logical3A_177 = arith.shrui %xor3A_170, %shift_right_logical3A_176 : vector<256x128xi32>
    %or3A_178 = arith.ori %shift_left3A_174, %shift_right_logical3A_177 : vector<256x128xi32>
    %xor3A_179 = arith.xori %or3A_178, %add3A_171 : vector<256x128xi32>
    %add3A_180 = arith.constant 270669613 : i32
    %add3A_181 = vector.broadcast %add3A_180 : i32 to vector<256x128xi32>
    %add3A_182 = arith.addi %add3A_171, %add3A_181 : vector<256x128xi32>
    %add3A_183 = arith.constant 1724713080 : i32
    %add3A_184 = vector.broadcast %add3A_183 : i32 to vector<256x128xi32>
    %add3A_185 = arith.addi %xor3A_179, %add3A_184 : vector<256x128xi32>
    %add3A_186 = arith.constant 4 : i32
    %add3A_187 = vector.broadcast %add3A_186 : i32 to vector<256x128xi32>
    %add3A_188 = arith.addi %add3A_185, %add3A_187 : vector<256x128xi32>
    %add3A_189 = arith.addi %add3A_182, %add3A_188 : vector<256x128xi32>
    %shift_left3A_190 = arith.constant 13 : i32
    %shift_left3A_191 = vector.broadcast %shift_left3A_190 : i32 to vector<256x128xi32>
    %shift_left3A_192 = arith.shli %add3A_188, %shift_left3A_191 : vector<256x128xi32>
    %shift_right_logical3A_193 = arith.constant 19 : i32
    %shift_right_logical3A_194 = vector.broadcast %shift_right_logical3A_193 : i32 to vector<256x128xi32>
    %shift_right_logical3A_195 = arith.shrui %add3A_188, %shift_right_logical3A_194 : vector<256x128xi32>
    %or3A_196 = arith.ori %shift_left3A_192, %shift_right_logical3A_195 : vector<256x128xi32>
    %xor3A_197 = arith.xori %or3A_196, %add3A_189 : vector<256x128xi32>
    %add3A_198 = arith.addi %add3A_189, %xor3A_197 : vector<256x128xi32>
    %shift_left3A_199 = arith.constant 15 : i32
    %shift_left3A_200 = vector.broadcast %shift_left3A_199 : i32 to vector<256x128xi32>
    %shift_left3A_201 = arith.shli %xor3A_197, %shift_left3A_200 : vector<256x128xi32>
    %shift_right_logical3A_202 = arith.constant 17 : i32
    %shift_right_logical3A_203 = vector.broadcast %shift_right_logical3A_202 : i32 to vector<256x128xi32>
    %shift_right_logical3A_204 = arith.shrui %xor3A_197, %shift_right_logical3A_203 : vector<256x128xi32>
    %or3A_205 = arith.ori %shift_left3A_201, %shift_right_logical3A_204 : vector<256x128xi32>
    %xor3A_206 = arith.xori %or3A_205, %add3A_198 : vector<256x128xi32>
    %add3A_207 = arith.addi %add3A_198, %xor3A_206 : vector<256x128xi32>
    %shift_left3A_208 = arith.constant 26 : i32
    %shift_left3A_209 = vector.broadcast %shift_left3A_208 : i32 to vector<256x128xi32>
    %shift_left3A_210 = arith.shli %xor3A_206, %shift_left3A_209 : vector<256x128xi32>
    %shift_right_logical3A_211 = arith.constant 6 : i32
    %shift_right_logical3A_212 = vector.broadcast %shift_right_logical3A_211 : i32 to vector<256x128xi32>
    %shift_right_logical3A_213 = arith.shrui %xor3A_206, %shift_right_logical3A_212 : vector<256x128xi32>
    %or3A_214 = arith.ori %shift_left3A_210, %shift_right_logical3A_213 : vector<256x128xi32>
    %xor3A_215 = arith.xori %or3A_214, %add3A_207 : vector<256x128xi32>
    %add3A_216 = arith.addi %add3A_207, %xor3A_215 : vector<256x128xi32>
    %shift_left3A_217 = arith.constant 6 : i32
    %shift_left3A_218 = vector.broadcast %shift_left3A_217 : i32 to vector<256x128xi32>
    %shift_left3A_219 = arith.shli %xor3A_215, %shift_left3A_218 : vector<256x128xi32>
    %shift_right_logical3A_220 = arith.constant 26 : i32
    %shift_right_logical3A_221 = vector.broadcast %shift_right_logical3A_220 : i32 to vector<256x128xi32>
    %shift_right_logical3A_222 = arith.shrui %xor3A_215, %shift_right_logical3A_221 : vector<256x128xi32>
    %or3A_223 = arith.ori %shift_left3A_219, %shift_right_logical3A_222 : vector<256x128xi32>
    %xor3A_224 = arith.xori %or3A_223, %add3A_216 : vector<256x128xi32>
    %add3A_225 = arith.constant 1724713080 : i32
    %add3A_226 = vector.broadcast %add3A_225 : i32 to vector<256x128xi32>
    %add3A_227 = arith.addi %add3A_216, %add3A_226 : vector<256x128xi32>
    %add3A_228 = arith.constant 1832780943 : i32
    %add3A_229 = vector.broadcast %add3A_228 : i32 to vector<256x128xi32>
    %add3A_230 = arith.addi %xor3A_224, %add3A_229 : vector<256x128xi32>
    %add3A_231 = arith.constant 5 : i32
    %add3A_232 = vector.broadcast %add3A_231 : i32 to vector<256x128xi32>
    %add3A_233 = arith.addi %add3A_230, %add3A_232 : vector<256x128xi32>
    %xor3A_234 = arith.xori %add3A_227, %add3A_233 : vector<256x128xi32>
    %shift_right_logical3A_235 = arith.constant 9 : i32
    %shift_right_logical3A_236 = vector.broadcast %shift_right_logical3A_235 : i32 to vector<256x128xi32>
    %shift_right_logical3A_237 = arith.shrui %xor3A_234, %shift_right_logical3A_236 : vector<256x128xi32>
    %lt3A = arith.constant 419431 : i32
    %lt3A_238 = vector.broadcast %lt3A : i32 to vector<256x128xi32>
    %lt3A_239 = arith.cmpi slt, %shift_right_logical3A_237, %lt3A_238 : vector<256x128xi32>
    %gt3A = arith.constant 2 : i32
    %gt3A_240 = vector.broadcast %gt3A : i32 to vector<256x128xi32>
    %gt3A_241 = arith.cmpi sgt, %get3A_8, %gt3A_240 : vector<256x128xi32>
    %and3A = arith.andi %lt3A_239, %gt3A_241 : vector<256x128xi1>
    %broadcast_in_dim3A_242 = arith.constant -1944951124 : i32
    %broadcast_in_dim3A_243 = vector.broadcast %broadcast_in_dim3A_242 : i32 to vector<256x128xi32>
    %add3A_244 = arith.constant 1168365246 : i32
    %add3A_245 = vector.broadcast %add3A_244 : i32 to vector<256x128xi32>
    %add3A_246 = arith.addi %add3A_6, %add3A_245 : vector<256x128xi32>
    %add3A_247 = arith.addi %broadcast_in_dim3A_243, %add3A_246 : vector<256x128xi32>
    %shift_left3A_248 = arith.constant 13 : i32
    %shift_left3A_249 = vector.broadcast %shift_left3A_248 : i32 to vector<256x128xi32>
    %shift_left3A_250 = arith.shli %add3A_246, %shift_left3A_249 : vector<256x128xi32>
    %shift_right_logical3A_251 = arith.constant 19 : i32
    %shift_right_logical3A_252 = vector.broadcast %shift_right_logical3A_251 : i32 to vector<256x128xi32>
    %shift_right_logical3A_253 = arith.shrui %add3A_246, %shift_right_logical3A_252 : vector<256x128xi32>
    %or3A_254 = arith.ori %shift_left3A_250, %shift_right_logical3A_253 : vector<256x128xi32>
    %xor3A_255 = arith.xori %or3A_254, %add3A_247 : vector<256x128xi32>
    %add3A_256 = arith.addi %add3A_247, %xor3A_255 : vector<256x128xi32>
    %shift_left3A_257 = arith.constant 15 : i32
    %shift_left3A_258 = vector.broadcast %shift_left3A_257 : i32 to vector<256x128xi32>
    %shift_left3A_259 = arith.shli %xor3A_255, %shift_left3A_258 : vector<256x128xi32>
    %shift_right_logical3A_260 = arith.constant 17 : i32
    %shift_right_logical3A_261 = vector.broadcast %shift_right_logical3A_260 : i32 to vector<256x128xi32>
    %shift_right_logical3A_262 = arith.shrui %xor3A_255, %shift_right_logical3A_261 : vector<256x128xi32>
    %or3A_263 = arith.ori %shift_left3A_259, %shift_right_logical3A_262 : vector<256x128xi32>
    %xor3A_264 = arith.xori %or3A_263, %add3A_256 : vector<256x128xi32>
    %add3A_265 = arith.addi %add3A_256, %xor3A_264 : vector<256x128xi32>
    %shift_left3A_266 = arith.constant 26 : i32
    %shift_left3A_267 = vector.broadcast %shift_left3A_266 : i32 to vector<256x128xi32>
    %shift_left3A_268 = arith.shli %xor3A_264, %shift_left3A_267 : vector<256x128xi32>
    %shift_right_logical3A_269 = arith.constant 6 : i32
    %shift_right_logical3A_270 = vector.broadcast %shift_right_logical3A_269 : i32 to vector<256x128xi32>
    %shift_right_logical3A_271 = arith.shrui %xor3A_264, %shift_right_logical3A_270 : vector<256x128xi32>
    %or3A_272 = arith.ori %shift_left3A_268, %shift_right_logical3A_271 : vector<256x128xi32>
    %xor3A_273 = arith.xori %or3A_272, %add3A_265 : vector<256x128xi32>
    %add3A_274 = arith.addi %add3A_265, %xor3A_273 : vector<256x128xi32>
    %shift_left3A_275 = arith.constant 6 : i32
    %shift_left3A_276 = vector.broadcast %shift_left3A_275 : i32 to vector<256x128xi32>
    %shift_left3A_277 = arith.shli %xor3A_273, %shift_left3A_276 : vector<256x128xi32>
    %shift_right_logical3A_278 = arith.constant 26 : i32
    %shift_right_logical3A_279 = vector.broadcast %shift_right_logical3A_278 : i32 to vector<256x128xi32>
    %shift_right_logical3A_280 = arith.shrui %xor3A_273, %shift_right_logical3A_279 : vector<256x128xi32>
    %or3A_281 = arith.ori %shift_left3A_277, %shift_right_logical3A_280 : vector<256x128xi32>
    %xor3A_282 = arith.xori %or3A_281, %add3A_274 : vector<256x128xi32>
    %add3A_283 = arith.constant 1168365246 : i32
    %add3A_284 = vector.broadcast %add3A_283 : i32 to vector<256x128xi32>
    %add3A_285 = arith.addi %add3A_274, %add3A_284 : vector<256x128xi32>
    %add3A_286 = arith.constant -765416504 : i32
    %add3A_287 = vector.broadcast %add3A_286 : i32 to vector<256x128xi32>
    %add3A_288 = arith.addi %xor3A_282, %add3A_287 : vector<256x128xi32>
    %add3A_289 = arith.constant 1 : i32
    %add3A_290 = vector.broadcast %add3A_289 : i32 to vector<256x128xi32>
    %add3A_291 = arith.addi %add3A_288, %add3A_290 : vector<256x128xi32>
    %add3A_292 = arith.addi %add3A_285, %add3A_291 : vector<256x128xi32>
    %shift_left3A_293 = arith.constant 17 : i32
    %shift_left3A_294 = vector.broadcast %shift_left3A_293 : i32 to vector<256x128xi32>
    %shift_left3A_295 = arith.shli %add3A_291, %shift_left3A_294 : vector<256x128xi32>
    %shift_right_logical3A_296 = arith.constant 15 : i32
    %shift_right_logical3A_297 = vector.broadcast %shift_right_logical3A_296 : i32 to vector<256x128xi32>
    %shift_right_logical3A_298 = arith.shrui %add3A_291, %shift_right_logical3A_297 : vector<256x128xi32>
    %or3A_299 = arith.ori %shift_left3A_295, %shift_right_logical3A_298 : vector<256x128xi32>
    %xor3A_300 = arith.xori %or3A_299, %add3A_292 : vector<256x128xi32>
    %add3A_301 = arith.addi %add3A_292, %xor3A_300 : vector<256x128xi32>
    %shift_left3A_302 = arith.constant 29 : i32
    %shift_left3A_303 = vector.broadcast %shift_left3A_302 : i32 to vector<256x128xi32>
    %shift_left3A_304 = arith.shli %xor3A_300, %shift_left3A_303 : vector<256x128xi32>
    %shift_right_logical3A_305 = arith.constant 3 : i32
    %shift_right_logical3A_306 = vector.broadcast %shift_right_logical3A_305 : i32 to vector<256x128xi32>
    %shift_right_logical3A_307 = arith.shrui %xor3A_300, %shift_right_logical3A_306 : vector<256x128xi32>
    %or3A_308 = arith.ori %shift_left3A_304, %shift_right_logical3A_307 : vector<256x128xi32>
    %xor3A_309 = arith.xori %or3A_308, %add3A_301 : vector<256x128xi32>
    %add3A_310 = arith.addi %add3A_301, %xor3A_309 : vector<256x128xi32>
    %shift_left3A_311 = arith.constant 16 : i32
    %shift_left3A_312 = vector.broadcast %shift_left3A_311 : i32 to vector<256x128xi32>
    %shift_left3A_313 = arith.shli %xor3A_309, %shift_left3A_312 : vector<256x128xi32>
    %shift_right_logical3A_314 = arith.constant 16 : i32
    %shift_right_logical3A_315 = vector.broadcast %shift_right_logical3A_314 : i32 to vector<256x128xi32>
    %shift_right_logical3A_316 = arith.shrui %xor3A_309, %shift_right_logical3A_315 : vector<256x128xi32>
    %or3A_317 = arith.ori %shift_left3A_313, %shift_right_logical3A_316 : vector<256x128xi32>
    %xor3A_318 = arith.xori %or3A_317, %add3A_310 : vector<256x128xi32>
    %add3A_319 = arith.addi %add3A_310, %xor3A_318 : vector<256x128xi32>
    %shift_left3A_320 = arith.constant 24 : i32
    %shift_left3A_321 = vector.broadcast %shift_left3A_320 : i32 to vector<256x128xi32>
    %shift_left3A_322 = arith.shli %xor3A_318, %shift_left3A_321 : vector<256x128xi32>
    %shift_right_logical3A_323 = arith.constant 8 : i32
    %shift_right_logical3A_324 = vector.broadcast %shift_right_logical3A_323 : i32 to vector<256x128xi32>
    %shift_right_logical3A_325 = arith.shrui %xor3A_318, %shift_right_logical3A_324 : vector<256x128xi32>
    %or3A_326 = arith.ori %shift_left3A_322, %shift_right_logical3A_325 : vector<256x128xi32>
    %xor3A_327 = arith.xori %or3A_326, %add3A_319 : vector<256x128xi32>
    %add3A_328 = arith.constant -765416504 : i32
    %add3A_329 = vector.broadcast %add3A_328 : i32 to vector<256x128xi32>
    %add3A_330 = arith.addi %add3A_319, %add3A_329 : vector<256x128xi32>
    %add3A_331 = arith.constant -1944951124 : i32
    %add3A_332 = vector.broadcast %add3A_331 : i32 to vector<256x128xi32>
    %add3A_333 = arith.addi %xor3A_327, %add3A_332 : vector<256x128xi32>
    %add3A_334 = arith.constant 2 : i32
    %add3A_335 = vector.broadcast %add3A_334 : i32 to vector<256x128xi32>
    %add3A_336 = arith.addi %add3A_333, %add3A_335 : vector<256x128xi32>
    %add3A_337 = arith.addi %add3A_330, %add3A_336 : vector<256x128xi32>
    %shift_left3A_338 = arith.constant 13 : i32
    %shift_left3A_339 = vector.broadcast %shift_left3A_338 : i32 to vector<256x128xi32>
    %shift_left3A_340 = arith.shli %add3A_336, %shift_left3A_339 : vector<256x128xi32>
    %shift_right_logical3A_341 = arith.constant 19 : i32
    %shift_right_logical3A_342 = vector.broadcast %shift_right_logical3A_341 : i32 to vector<256x128xi32>
    %shift_right_logical3A_343 = arith.shrui %add3A_336, %shift_right_logical3A_342 : vector<256x128xi32>
    %or3A_344 = arith.ori %shift_left3A_340, %shift_right_logical3A_343 : vector<256x128xi32>
    %xor3A_345 = arith.xori %or3A_344, %add3A_337 : vector<256x128xi32>
    %add3A_346 = arith.addi %add3A_337, %xor3A_345 : vector<256x128xi32>
    %shift_left3A_347 = arith.constant 15 : i32
    %shift_left3A_348 = vector.broadcast %shift_left3A_347 : i32 to vector<256x128xi32>
    %shift_left3A_349 = arith.shli %xor3A_345, %shift_left3A_348 : vector<256x128xi32>
    %shift_right_logical3A_350 = arith.constant 17 : i32
    %shift_right_logical3A_351 = vector.broadcast %shift_right_logical3A_350 : i32 to vector<256x128xi32>
    %shift_right_logical3A_352 = arith.shrui %xor3A_345, %shift_right_logical3A_351 : vector<256x128xi32>
    %or3A_353 = arith.ori %shift_left3A_349, %shift_right_logical3A_352 : vector<256x128xi32>
    %xor3A_354 = arith.xori %or3A_353, %add3A_346 : vector<256x128xi32>
    %add3A_355 = arith.addi %add3A_346, %xor3A_354 : vector<256x128xi32>
    %shift_left3A_356 = arith.constant 26 : i32
    %shift_left3A_357 = vector.broadcast %shift_left3A_356 : i32 to vector<256x128xi32>
    %shift_left3A_358 = arith.shli %xor3A_354, %shift_left3A_357 : vector<256x128xi32>
    %shift_right_logical3A_359 = arith.constant 6 : i32
    %shift_right_logical3A_360 = vector.broadcast %shift_right_logical3A_359 : i32 to vector<256x128xi32>
    %shift_right_logical3A_361 = arith.shrui %xor3A_354, %shift_right_logical3A_360 : vector<256x128xi32>
    %or3A_362 = arith.ori %shift_left3A_358, %shift_right_logical3A_361 : vector<256x128xi32>
    %xor3A_363 = arith.xori %or3A_362, %add3A_355 : vector<256x128xi32>
    %add3A_364 = arith.addi %add3A_355, %xor3A_363 : vector<256x128xi32>
    %shift_left3A_365 = arith.constant 6 : i32
    %shift_left3A_366 = vector.broadcast %shift_left3A_365 : i32 to vector<256x128xi32>
    %shift_left3A_367 = arith.shli %xor3A_363, %shift_left3A_366 : vector<256x128xi32>
    %shift_right_logical3A_368 = arith.constant 26 : i32
    %shift_right_logical3A_369 = vector.broadcast %shift_right_logical3A_368 : i32 to vector<256x128xi32>
    %shift_right_logical3A_370 = arith.shrui %xor3A_363, %shift_right_logical3A_369 : vector<256x128xi32>
    %or3A_371 = arith.ori %shift_left3A_367, %shift_right_logical3A_370 : vector<256x128xi32>
    %xor3A_372 = arith.xori %or3A_371, %add3A_364 : vector<256x128xi32>
    %add3A_373 = arith.constant -1944951124 : i32
    %add3A_374 = vector.broadcast %add3A_373 : i32 to vector<256x128xi32>
    %add3A_375 = arith.addi %add3A_364, %add3A_374 : vector<256x128xi32>
    %add3A_376 = arith.constant 1168365246 : i32
    %add3A_377 = vector.broadcast %add3A_376 : i32 to vector<256x128xi32>
    %add3A_378 = arith.addi %xor3A_372, %add3A_377 : vector<256x128xi32>
    %add3A_379 = arith.constant 3 : i32
    %add3A_380 = vector.broadcast %add3A_379 : i32 to vector<256x128xi32>
    %add3A_381 = arith.addi %add3A_378, %add3A_380 : vector<256x128xi32>
    %add3A_382 = arith.addi %add3A_375, %add3A_381 : vector<256x128xi32>
    %shift_left3A_383 = arith.constant 17 : i32
    %shift_left3A_384 = vector.broadcast %shift_left3A_383 : i32 to vector<256x128xi32>
    %shift_left3A_385 = arith.shli %add3A_381, %shift_left3A_384 : vector<256x128xi32>
    %shift_right_logical3A_386 = arith.constant 15 : i32
    %shift_right_logical3A_387 = vector.broadcast %shift_right_logical3A_386 : i32 to vector<256x128xi32>
    %shift_right_logical3A_388 = arith.shrui %add3A_381, %shift_right_logical3A_387 : vector<256x128xi32>
    %or3A_389 = arith.ori %shift_left3A_385, %shift_right_logical3A_388 : vector<256x128xi32>
    %xor3A_390 = arith.xori %or3A_389, %add3A_382 : vector<256x128xi32>
    %add3A_391 = arith.addi %add3A_382, %xor3A_390 : vector<256x128xi32>
    %shift_left3A_392 = arith.constant 29 : i32
    %shift_left3A_393 = vector.broadcast %shift_left3A_392 : i32 to vector<256x128xi32>
    %shift_left3A_394 = arith.shli %xor3A_390, %shift_left3A_393 : vector<256x128xi32>
    %shift_right_logical3A_395 = arith.constant 3 : i32
    %shift_right_logical3A_396 = vector.broadcast %shift_right_logical3A_395 : i32 to vector<256x128xi32>
    %shift_right_logical3A_397 = arith.shrui %xor3A_390, %shift_right_logical3A_396 : vector<256x128xi32>
    %or3A_398 = arith.ori %shift_left3A_394, %shift_right_logical3A_397 : vector<256x128xi32>
    %xor3A_399 = arith.xori %or3A_398, %add3A_391 : vector<256x128xi32>
    %add3A_400 = arith.addi %add3A_391, %xor3A_399 : vector<256x128xi32>
    %shift_left3A_401 = arith.constant 16 : i32
    %shift_left3A_402 = vector.broadcast %shift_left3A_401 : i32 to vector<256x128xi32>
    %shift_left3A_403 = arith.shli %xor3A_399, %shift_left3A_402 : vector<256x128xi32>
    %shift_right_logical3A_404 = arith.constant 16 : i32
    %shift_right_logical3A_405 = vector.broadcast %shift_right_logical3A_404 : i32 to vector<256x128xi32>
    %shift_right_logical3A_406 = arith.shrui %xor3A_399, %shift_right_logical3A_405 : vector<256x128xi32>
    %or3A_407 = arith.ori %shift_left3A_403, %shift_right_logical3A_406 : vector<256x128xi32>
    %xor3A_408 = arith.xori %or3A_407, %add3A_400 : vector<256x128xi32>
    %add3A_409 = arith.addi %add3A_400, %xor3A_408 : vector<256x128xi32>
    %shift_left3A_410 = arith.constant 24 : i32
    %shift_left3A_411 = vector.broadcast %shift_left3A_410 : i32 to vector<256x128xi32>
    %shift_left3A_412 = arith.shli %xor3A_408, %shift_left3A_411 : vector<256x128xi32>
    %shift_right_logical3A_413 = arith.constant 8 : i32
    %shift_right_logical3A_414 = vector.broadcast %shift_right_logical3A_413 : i32 to vector<256x128xi32>
    %shift_right_logical3A_415 = arith.shrui %xor3A_408, %shift_right_logical3A_414 : vector<256x128xi32>
    %or3A_416 = arith.ori %shift_left3A_412, %shift_right_logical3A_415 : vector<256x128xi32>
    %xor3A_417 = arith.xori %or3A_416, %add3A_409 : vector<256x128xi32>
    %add3A_418 = arith.constant 1168365246 : i32
    %add3A_419 = vector.broadcast %add3A_418 : i32 to vector<256x128xi32>
    %add3A_420 = arith.addi %add3A_409, %add3A_419 : vector<256x128xi32>
    %add3A_421 = arith.constant -765416504 : i32
    %add3A_422 = vector.broadcast %add3A_421 : i32 to vector<256x128xi32>
    %add3A_423 = arith.addi %xor3A_417, %add3A_422 : vector<256x128xi32>
    %add3A_424 = arith.constant 4 : i32
    %add3A_425 = vector.broadcast %add3A_424 : i32 to vector<256x128xi32>
    %add3A_426 = arith.addi %add3A_423, %add3A_425 : vector<256x128xi32>
    %add3A_427 = arith.addi %add3A_420, %add3A_426 : vector<256x128xi32>
    %shift_left3A_428 = arith.constant 13 : i32
    %shift_left3A_429 = vector.broadcast %shift_left3A_428 : i32 to vector<256x128xi32>
    %shift_left3A_430 = arith.shli %add3A_426, %shift_left3A_429 : vector<256x128xi32>
    %shift_right_logical3A_431 = arith.constant 19 : i32
    %shift_right_logical3A_432 = vector.broadcast %shift_right_logical3A_431 : i32 to vector<256x128xi32>
    %shift_right_logical3A_433 = arith.shrui %add3A_426, %shift_right_logical3A_432 : vector<256x128xi32>
    %or3A_434 = arith.ori %shift_left3A_430, %shift_right_logical3A_433 : vector<256x128xi32>
    %xor3A_435 = arith.xori %or3A_434, %add3A_427 : vector<256x128xi32>
    %add3A_436 = arith.addi %add3A_427, %xor3A_435 : vector<256x128xi32>
    %shift_left3A_437 = arith.constant 15 : i32
    %shift_left3A_438 = vector.broadcast %shift_left3A_437 : i32 to vector<256x128xi32>
    %shift_left3A_439 = arith.shli %xor3A_435, %shift_left3A_438 : vector<256x128xi32>
    %shift_right_logical3A_440 = arith.constant 17 : i32
    %shift_right_logical3A_441 = vector.broadcast %shift_right_logical3A_440 : i32 to vector<256x128xi32>
    %shift_right_logical3A_442 = arith.shrui %xor3A_435, %shift_right_logical3A_441 : vector<256x128xi32>
    %or3A_443 = arith.ori %shift_left3A_439, %shift_right_logical3A_442 : vector<256x128xi32>
    %xor3A_444 = arith.xori %or3A_443, %add3A_436 : vector<256x128xi32>
    %add3A_445 = arith.addi %add3A_436, %xor3A_444 : vector<256x128xi32>
    %shift_left3A_446 = arith.constant 26 : i32
    %shift_left3A_447 = vector.broadcast %shift_left3A_446 : i32 to vector<256x128xi32>
    %shift_left3A_448 = arith.shli %xor3A_444, %shift_left3A_447 : vector<256x128xi32>
    %shift_right_logical3A_449 = arith.constant 6 : i32
    %shift_right_logical3A_450 = vector.broadcast %shift_right_logical3A_449 : i32 to vector<256x128xi32>
    %shift_right_logical3A_451 = arith.shrui %xor3A_444, %shift_right_logical3A_450 : vector<256x128xi32>
    %or3A_452 = arith.ori %shift_left3A_448, %shift_right_logical3A_451 : vector<256x128xi32>
    %xor3A_453 = arith.xori %or3A_452, %add3A_445 : vector<256x128xi32>
    %add3A_454 = arith.addi %add3A_445, %xor3A_453 : vector<256x128xi32>
    %shift_left3A_455 = arith.constant 6 : i32
    %shift_left3A_456 = vector.broadcast %shift_left3A_455 : i32 to vector<256x128xi32>
    %shift_left3A_457 = arith.shli %xor3A_453, %shift_left3A_456 : vector<256x128xi32>
    %shift_right_logical3A_458 = arith.constant 26 : i32
    %shift_right_logical3A_459 = vector.broadcast %shift_right_logical3A_458 : i32 to vector<256x128xi32>
    %shift_right_logical3A_460 = arith.shrui %xor3A_453, %shift_right_logical3A_459 : vector<256x128xi32>
    %or3A_461 = arith.ori %shift_left3A_457, %shift_right_logical3A_460 : vector<256x128xi32>
    %xor3A_462 = arith.xori %or3A_461, %add3A_454 : vector<256x128xi32>
    %add3A_463 = arith.constant -765416504 : i32
    %add3A_464 = vector.broadcast %add3A_463 : i32 to vector<256x128xi32>
    %add3A_465 = arith.addi %add3A_454, %add3A_464 : vector<256x128xi32>
    %add3A_466 = arith.constant -1944951124 : i32
    %add3A_467 = vector.broadcast %add3A_466 : i32 to vector<256x128xi32>
    %add3A_468 = arith.addi %xor3A_462, %add3A_467 : vector<256x128xi32>
    %add3A_469 = arith.constant 5 : i32
    %add3A_470 = vector.broadcast %add3A_469 : i32 to vector<256x128xi32>
    %add3A_471 = arith.addi %add3A_468, %add3A_470 : vector<256x128xi32>
    %xor3A_472 = arith.xori %add3A_465, %add3A_471 : vector<256x128xi32>
    %convert_element_type3A = arith.sitofp %xor3A_472 : vector<256x128xi32> to vector<256x128xf32>
    %lt3A_473 = arith.constant 0 : i32
    %lt3A_474 = vector.broadcast %lt3A_473 : i32 to vector<256x128xi32>
    %lt3A_475 = arith.cmpi slt, %xor3A_472, %lt3A_474 : vector<256x128xi32>
    %jit3A = arith.constant 4.2949673E+9 : f32
    %jit3A_476 = arith.constant 0.000000e+00 : f32
    %broadcast_in_dim3A_477 = vector.broadcast %jit3A : f32 to vector<256x128xf32>
    %broadcast_in_dim3A_478 = vector.broadcast %jit3A_476 : f32 to vector<256x128xf32>
    %select_n3A = arith.select %lt3A_475, %broadcast_in_dim3A_477, %broadcast_in_dim3A_478 : vector<256x128xi1>, vector<256x128xf32>
    %add3A_479 = arith.addf %convert_element_type3A, %select_n3A : vector<256x128xf32>
    %mul3A_480 = arith.constant 1.000030e-05 : f32
    %mul3A_481 = vector.broadcast %mul3A_480 : f32 to vector<256x128xf32>
    %mul3A_482 = arith.mulf %add3A_479, %mul3A_481 : vector<256x128xf32>
    %convert_element_type3A_483 = arith.fptosi %mul3A_482 : vector<256x128xf32> to vector<256x128xi32>
    %mul3A_484 = arith.constant 99997 : i32
    %mul3A_485 = vector.broadcast %mul3A_484 : i32 to vector<256x128xi32>
    %mul3A_486 = arith.muli %convert_element_type3A_483, %mul3A_485 : vector<256x128xi32>
    %sub3A = arith.subi %xor3A_472, %mul3A_486 : vector<256x128xi32>
    %lt3A_487 = arith.constant 0 : i32
    %lt3A_488 = vector.broadcast %lt3A_487 : i32 to vector<256x128xi32>
    %lt3A_489 = arith.cmpi slt, %sub3A, %lt3A_488 : vector<256x128xi32>
    %jit3A_490 = arith.constant 99997 : i32
    %jit3A_491 = arith.constant 0 : i32
    %broadcast_in_dim3A_492 = vector.broadcast %jit3A_490 : i32 to vector<256x128xi32>
    %broadcast_in_dim3A_493 = vector.broadcast %jit3A_491 : i32 to vector<256x128xi32>
    %select_n3A_494 = arith.select %lt3A_489, %broadcast_in_dim3A_492, %broadcast_in_dim3A_493 : vector<256x128xi1>, vector<256x128xi32>
    %add3A_495 = arith.addi %sub3A, %select_n3A_494 : vector<256x128xi32>
    %ge3A = arith.constant 99997 : i32
    %ge3A_496 = vector.broadcast %ge3A : i32 to vector<256x128xi32>
    %ge3A_497 = arith.cmpi sge, %add3A_495, %ge3A_496 : vector<256x128xi32>
    %jit3A_498 = arith.constant 99997 : i32
    %jit3A_499 = arith.constant 0 : i32
    %broadcast_in_dim3A_500 = vector.broadcast %jit3A_498 : i32 to vector<256x128xi32>
    %broadcast_in_dim3A_501 = vector.broadcast %jit3A_499 : i32 to vector<256x128xi32>
    %select_n3A_502 = arith.select %ge3A_497, %broadcast_in_dim3A_500, %broadcast_in_dim3A_501 : vector<256x128xi1>, vector<256x128xi32>
    %sub3A_503 = arith.subi %add3A_495, %select_n3A_502 : vector<256x128xi32>
    %add3A_504 = arith.constant 3 : i32
    %add3A_505 = vector.broadcast %add3A_504 : i32 to vector<256x128xi32>
    %add3A_506 = arith.addi %sub3A_503, %add3A_505 : vector<256x128xi32>
    %select_n3A_507 = arith.select %and3A, %add3A_506, %get3A_8 : vector<256x128xi1>, vector<256x128xi32>
    %swap3A = arith.constant 0 : index
    %swap3A_508 = arith.constant 0 : index
    %swap3A_509 = vector.load %arg2[%swap3A, %swap3A_508] : memref<256x128xi32, #tpu.memory_space<vmem>>, vector<256x128xi32>
    tpu.vector_store %arg2[%swap3A, %swap3A_508], %select_n3A_507 {strides = array<i32>} : memref<256x128xi32, #tpu.memory_space<vmem>>, vector<256x128xi32>,
    return
  }
  func.func @transform_0(%arg0: i32) -> (i32, i32) {
    %c0_i32 = arith.constant 0 : i32
    %c0_i32_0 = arith.constant 0 : i32
    return %arg0, %c0_i32 : i32, i32
  }
  func.func @transform_1(%arg0: i32) -> (i32, i32) {
    %c0_i32 = arith.constant 0 : i32
    %c0_i32_0 = arith.constant 0 : i32
    return %arg0, %c0_i32 : i32, i32
  }
}

module attributes {stable_mosaic.version = 14 : i64} {
  func.func @_patch_body(%arg0: i32, %arg1: memref<16384x128xi32, #tpu.memory_space<any>>, %arg2: memref<512x128xi32, #tpu.memory_space<vmem>>, %arg3: memref<512x128xi32, #tpu.memory_space<vmem>>) attributes {dimension_semantics = [#tpu.dimension_semantics<arbitrary>], iteration_bounds = array<i64: 6>, scalar_prefetch = 0 : i64, scratch_operands = 0 : i64, tpu.core_type = #tpu.core_type<tc>, window_params = [{}, {transform_indices = @transform_1, window_bounds = array<i64: 512, 128>}, {transform_indices = @transform_2, window_bounds = array<i64: 512, 128>}]} {
    %get3A = arith.constant 0 : index
    %get3A_0 = arith.constant 0 : index
    %get3A_1 = vector.load %arg2[%get3A, %get3A_0] : memref<512x128xi32, #tpu.memory_space<vmem>>, vector<512x128xi32>
    %swap3A = arith.constant 0 : index
    %swap3A_2 = arith.constant 0 : index
    %swap3A_3 = vector.load %arg3[%swap3A, %swap3A_2] : memref<512x128xi32, #tpu.memory_space<vmem>>, vector<512x128xi32>
    tpu.vector_store %arg3[%swap3A, %swap3A_2], %get3A_1 {strides = array<i32>} : memref<512x128xi32, #tpu.memory_space<vmem>>, vector<512x128xi32>,
    return
  }
  func.func @transform_1(%arg0: i32) -> (i32, i32) {
    %c0_i32 = arith.constant 0 : i32
    %c0_i32_0 = arith.constant 0 : i32
    return %arg0, %c0_i32 : i32, i32
  }
  func.func @transform_2(%arg0: i32) -> (i32, i32) {
    %add3A = arith.constant 26 : i32
    %add3A_0 = arith.addi %arg0, %add3A : i32
    %c0_i32 = arith.constant 0 : i32
    %c0_i32_1 = arith.constant 0 : i32
    return %add3A_0, %c0_i32 : i32, i32
  }
}

</mosaic_0001>

<sc_bundles>
// kernel: kernel.5.cloned.1.call-start
scs
__scs_entry_jumppad:
0x0: {  	(pc) =	sbr.rel $0x88, $3  }
0x1: {  	(tag) =	ssettag $0x0;
	lr =	simm.s32 $0x1  }
0x2: {  	[smem:$0x3FA0] =	sst lr;
	_ =	strace $0xD0000000  }
0x3: {  	_ = 	snop  }
0x4: {  	_ = 	snop  }
0x5: {  	_ = 	snop  }
0x6: {  	_ = 	snop  }
0x7: {  	_ = 	snop  }
__scs_overlays_trampoline_lowered:
0x8: {  	[smem:$0x3FAF] =	sst s0  }
0x9: {  	[smem:$0x3FB0] =	sst s1  }
0xa: {  	[smem:$0x3FB1] =	sst s2  }
0xb: {  	[smem:$0x3FB2] =	sst s3  }
0xc: {  	[smem:$0x3FB3] =	sst s4  }
0xd: {  	[smem:$0x3FB4] =	sst s5  }
0xe: {  	[smem:$0x3FB5] =	sst s6  }
0xf: {  	[smem:$0x3FB6] =	sst s7  }
0x10: {  	[smem:$0x3FB7] =	sst s8  }
0x11: {  	[smem:$0x3FB8] =	sst s9;
	s0 =	simm.s32 @!p0 $0x0  }
0x12: {  	s1 =	sld [smem:$0x3F9E];
	s0 =	simm.s32 @p0 $0x1  }
0x13: {  	[smem:$0x3FB9] =	sst s0;
	s0 =	simm.s32 @!p1 $0x0  }
0x14: {  	s2 =	sld [smem:$0x3F9D];
	s0 =	simm.s32 @p1 $0x1  }
0x15: {  	[smem:$0x3FBA] =	sst s0;
	s0 =	simm.s32 @!p2 $0x0  }
0x16: {  	s3 =	sld [smem:$0x3FDB];
	s0 =	simm.s32 @p2 $0x1  }
0x17: {  	s4 =	simm.s32 $0x1BF5;
	[smem:$0x3FBC] =	sst s0  }
0x18: {  	s0 =	sld [smem:$0x3F9F];
	_ =	swait.ge [sflag:s4], $0x0  }
0x19: {  	s7 =	sld [smem:$0x3FA0]  }
0x1a: {  	s8 =	sadd.s32 $0xFFFFE003, lr  }
0x1b: {  	s9 =	sadd.s32 $0xFFFFFEF7, lr;
	s5 =	simm.s32 $0xFFFFFFFF;
	p2 =	slt.u32 s8, $0xFFFFF086  }
0x1c: {  	p1 =	slt.u32 s9, $0xF7A;
	s5 =	simm.s32 @!p2 $0x0  }
0x1d: {  	s5 =	simm.s32 @p1 $0x1;
	p0 =	seq.s32 s7, s2  }
0x1e: {  	s7 =	smul.u32 @!p0 $0xF7A, s2;
	p2 =	seq.s32 @!p0 s5, $0x0  }
0x1f: {  	s9 =	smul.u32 $0xF7A, s1;
	s8 =	simm.s32 @!p0 $0x1BF5;
	p2 =	por !p2, p0  }
0x20: {  	[sflag:s8] =	ssyncset.s32 @!p0 $0xFFFFF086;
	s6 =	sadd.s32 @!p0 s3, s7;
	s7 =	simm.s32 @!p0 $0x108  }
0x21: {  	s3 =	sadd.s32 s3, s9;
	s6 =	sadd.s32 @!p0 $0x88, s6;
	s7 =	simm.s32 @p2 $0x1082  }
0x22: {  	[simem:s7], [sflag:s8] =	dma.local @!p0 [hbm:s6], $0xF7A  }
0x23: {  	s9 =	sor.u32 $0xD0000000, s2;
	s6 =	simm.s32 $0x108;
	_ =	swait.ge @!p0 [sflag:s8], $0x0  }
0x24: {  	s3 =	sadd.s32 $0x88, s3;
	s6 =	simm.s32 @!p1 $0x1082;
	[sflag:s4] =	ssyncset.s32 $0xFFFFF086  }
0x25: {  	[simem:s6], [sflag:s4] =	dma.local [hbm:s3], $0xF7A  }
0x26: {  	[smem:$0x3FA0] =	sst s1;
	(tag) =	ssettag s2;
	_ =	strace s9  }
0x27: {  	s1 =	sld [smem:$0x3FB0]  }
0x28: {  	s2 =	sld [smem:$0x3FB1]  }
0x29: {  	s4 =	sld [smem:$0x3FB3]  }
0x2a: {  	p0 =	seq.s32 s5, $0x0;
	s5 =	sld [smem:$0x3FB4]  }
0x2b: {  	s6 =	sld [smem:$0x3FB5]  }
0x2c: {  	s7 =	sld [smem:$0x3FB6]  }
0x2d: {  	s3 =	simm.s32 $0x108;
	s8 =	sld [smem:$0x3FB7]  }
0x2e: {  	s3 =	simm.s32 @!p0 $0x1082;
	s9 =	sld [smem:$0x3FB8]  }
0x2f: {  	lr =	sadd.s32 s0, s3;
	s0 =	sld [smem:$0x3FAF]  }
0x30: {  	s3 =	sld [smem:$0x3FB2]  }
0x31: {  	[smem:$0x3FBB] =	sst s10  }
0x32: {  	s10 =	sld [smem:$0x3FB9];
	_ =	sdelay $0x3  }
0x33: {  	p0 =	seq.s32 s10, $0x1;
	s10 =	sld [smem:$0x3FBB];
	_ =	sdelay $0x3  }
0x34: {  	[smem:$0x3FBB] =	sst s10  }
0x35: {  	s10 =	sld [smem:$0x3FBA];
	_ =	sdelay $0x3  }
0x36: {  	p1 =	seq.s32 s10, $0x1;
	s10 =	sld [smem:$0x3FBB];
	_ =	sdelay $0x3  }
0x37: {  	[smem:$0x3FBB] =	sst s10  }
0x38: {  	s10 =	sld [smem:$0x3FBC]  }
0x39: {  	_ = 	snop;
	(pc) =	sbr.ind lr, $3  }
0x3a: {  	_ = 	snop  }
0x3b: {  	_ = 	snop  }
0x3c: {  	p2 =	seq.s32 s10, $0x1;
	s10 =	sld [smem:$0x3FBB]  }
0x3d: {  	_ =	shalt  }
0x3e: {  	_ =	shalt  }
0x3f: {  	_ =	shalt  }
0x40: {  	_ =	shalt  }
0x41: {  	_ =	shalt  }
0x42: {  	_ =	shalt  }
0x43: {  	_ =	shalt  }
0x44: {  	_ =	shalt  }
0x45: {  	_ =	shalt  }
0x46: {  	_ =	shalt  }
0x47: {  	_ =	shalt  }
0x48: {  	_ =	shalt  }
0x49: {  	_ =	shalt  }
0x4a: {  	_ =	shalt  }
0x4b: {  	_ =	shalt  }
0x4c: {  	_ =	shalt  }
0x4d: {  	_ =	shalt  }
0x4e: {  	_ =	shalt  }
0x4f: {  	_ =	shalt  }
0x50: {  	_ =	shalt  }
0x51: {  	_ =	shalt  }
0x52: {  	_ =	shalt  }
0x53: {  	_ =	shalt  }
0x54: {  	_ =	shalt  }
0x55: {  	_ =	shalt  }
0x56: {  	_ =	shalt  }
0x57: {  	_ =	shalt  }
0x58: {  	_ =	shalt  }
0x59: {  	_ =	shalt  }
0x5a: {  	_ =	shalt  }
0x5b: {  	_ =	shalt  }
0x5c: {  	_ =	shalt  }
0x5d: {  	_ =	shalt  }
0x5e: {  	_ =	shalt  }
0x5f: {  	_ =	shalt  }
0x60: {  	_ =	shalt  }
0x61: {  	_ =	shalt  }
0x62: {  	_ =	shalt  }
0x63: {  	_ =	shalt  }
0x64: {  	_ =	shalt  }
0x65: {  	_ =	shalt  }
0x66: {  	_ =	shalt  }
0x67: {  	_ =	shalt  }
0x68: {  	_ =	shalt  }
0x69: {  	_ =	shalt  }
0x6a: {  	_ =	shalt  }
0x6b: {  	_ =	shalt  }
0x6c: {  	_ =	shalt  }
0x6d: {  	_ =	shalt  }
0x6e: {  	_ =	shalt  }
0x6f: {  	_ =	shalt  }
0x70: {  	_ =	shalt  }
0x71: {  	_ =	shalt  }
0x72: {  	_ =	shalt  }
0x73: {  	_ =	shalt  }
0x74: {  	_ =	shalt  }
0x75: {  	_ =	shalt  }
0x76: {  	_ =	shalt  }
0x77: {  	_ =	shalt  }
0x78: {  	_ =	shalt  }
0x79: {  	_ =	shalt  }
0x7a: {  	_ =	shalt  }
0x7b: {  	_ =	shalt  }
0x7c: {  	_ =	shalt  }
0x7d: {  	_ =	shalt  }
0x7e: {  	_ =	shalt  }
0x7f: {  	_ =	shalt  }
0x80: {  	_ =	shalt  }
0x81: {  	_ =	shalt  }
0x82: {  	_ =	shalt  }
0x83: {  	_ =	shalt  }
0x84: {  	_ =	shalt  }
0x85: {  	_ =	shalt  }
0x86: {  	_ =	shalt  }
0x87: {  	_ =	shalt  }
.Lfunc_end0:
.L_simem_size_0:
called_computation_lowered:
.L_overlay_start_0:
0x88: {  	s2 =	sld [smem:$0x3FD9]  }
0x89: {  	s3 =	sld [smem:$0x3FFE];
	_ =	sdelay $0x1  }
0x8a: {  	s1 =	srdreg.scid  }
0x8b: {  	s0 =	sand.u32 $0x1, s1  }
0x8c: {  	s17 =	sshll.u32 s0, $0xA;
	s2 =	sadd.s32 s3, s2  }
0x8d: {  	s2 =	sadd.s32 s2, s17  }
0x8e: {  	[smem:$0x3FC7] =	sst s2  }
0x8f: {  	_ = 	snop  }
0x90: {  	s2 =	sld [smem:$0x3FC9];
	(tm) =	ssettm $0x1  }
0x91: {  	s18 =	sld [smem:$0x3FFB];
	_ =	sdelay $0x3  }
0x92: {  	_ =	strace s18  }
0x93: {  	s3 =	sld [smem:$0x3FFC];
	_ =	sdelay $0x3  }
0x94: {  	_ =	strace s3  }
0x95: {  	s3 =	sld [smem:$0x3FFD];
	_ =	sdelay $0x3  }
0x96: {  	_ =	strace s3  }
0x97: {  	_ =	strace $0x8FFFFFFF  }
0x98: {  	s19 =	sld [smem:$0x3FDB];
	_ =	sdelay $0x1  }
0x99: {  	s4 =	simm.s32 $_scs_section_size  }
0x9a: {  	s5 =	simm.s32 $_size__tile_overlayer_lowered;
	s6 =	simm.s32 $_tile_overlayer_lowered  }
0x9b: {  	s22 =	simm.s32 $0x1BFF;
	s21 =	sshll.u32 s6, $0x1;
	s3 =	sadd.s32 s4, s19  }
0x9c: {  	s7 =	simm.s32 $0x0;
	s20 =	sshll.u32 s5, $0x1;
	s5 =	sadd.s32 s21, s3  }
0x9d: {  	[timem:s7], [sflag:s22] =	dma.local [hbm:s5], s20  }
0x9e: {  	_ =	swait.ge [sflag:s22], s20  }
0x9f: {  	s4 =	ssub.s32 $0x0, s20;
	[sflag:s22] =	ssyncset.done $0x0  }
0xa0: {  	[sflag:s22] =	ssyncadd.s32 s4;
	_ =	sdelay $0x1  }
0xa1: {  	s23 =	simm.s32 $0x1B8B  }
0xa2: {  	_ =	swait.ge [sflag:s23], $0x1  }
0xa3: {  	[sflag:s23] =	ssyncset.done $0x0  }
0xa4: {  	s25 =	simm.s32 $0x1B8E;
	s24 =	sld [smem:$0x3FFE];
	[sflag:s23] =	ssyncadd.s32 $0xFFFFFFFF  }
0xa5: {  	s26 =	simm.s32 $execute0_lowered;
	[smem:$0x3FD2] =	sst s25  }
0xa6: {  	s5 =	sshll.u32 s26, $0x1;
	_ =	strace $0x80000046;
	[dreg:$0x1] =	wrdreg $0xFFFFFFFF  }
0xa7: {  	s28 =	simm.s32 $_size_execute0_lowered;
	s3 =	sadd.s32 s3, s5;
	[dreg:$0x0] =	wrdreg $0x0  }
0xa8: {  	s5 =	sshll.u32 s28, $0x1;
	[dreg:$0x2] =	wrdreg s3  }
0xa9: {  	[dreg:$0x3] =	wrdreg s5  }
0xaa: {  	[dreg:$0x4] =	wrdreg $0xC0  }
0xab: {  	_ =	task [dreg:s7], $0x5FFFF  }
0xac: {  	[dreg:$0x1] =	wrdreg $0xFFFFFFFF  }
0xad: {  	[dreg:$0x0] =	wrdreg $0x60  }
0xae: {  	[dreg:$0x2] =	wrdreg s2  }
0xaf: {  	[dreg:$0x3] =	wrdreg s24  }
0xb0: {  	[dreg:$0x4] =	wrdreg $0x9  }
0xb1: {  	_ =	task.clear_ibuf [dreg:s7], $0x5FFFF;
	_ =	strace $0x90000046  }
0xb2: {  	s29 =	simm.s32 $0x9;
	_ =	strace $0x80000048  }
0xb3: {  	_ =	swait.ge [sflag:s29], $0x1  }
0xb4: {  	[sflag:s29] =	ssyncadd.s32 $0xFFFFFFFF  }
0xb5: {  	_ =	strace $0x90000048  }
0xb6: {  	_ =	sfence  }
0xb7: {  	s30 =	sld [smem:$0x0];
	_ =	sdelay $0x2  }
0xb8: {  	s31 =	sshll.u32 s1, $0xD;
	s1 =	sshrl.u32 s1, $0x2  }
0xb9: {  	s3 =	sand.u32 $0x4000, s31;
	s1 =	sadd.s32 s1, s30  }
0xba: {  	s0 =	sor.u32 s3, s0;
	s1 =	sshll.u32 s1, $0x11  }
0xbb: {  	s0 =	sor.u32 s1, s0  }
0xbc: {  	s0 =	sadd.s32 $0x8F2B, s0  }
0xbd: {  	[sflag:s0] =	ssyncadd.remote.s32 $0x1  }
0xbe: {  	_ =	sfence.sel $0xFFFF  }
0xbf: {  	[dreg:$0x0] =	wrdreg $0xFFFFFFFF;
	(pc) =	sbr.abs _section_cstart, $3  }
0xc0: {  	[dreg:$0x1] =	wrdreg $0xFFFFFFFF  }
0xc1: {  	_ =	task.clear_ibuf [dreg:s7], $0x2FFFF;
	_ =	strace $0x9FFFFFFF  }
0xc2: {  	(tm) =	ssettm $0x7FFFFFFF  }
0xc3: {  	_ =	shalt  }
tec
execute0_lowered:
.L_overlay_start_1:
0x0: {  	(tag) =	ssettag $0x1  }
0x1: {  	v0 =	vlaneseq.u32;
	v3 =	vimm.s32 $0x65432100  }
0x2: {  	v4 =	vimm.s32 $0xEDCBA987;
	v6 =	vimm.s32 $0xDCBA9876;
	v7 =	vimm.s32 $0x54321000  }
0x3: {  	v8 =	vimm.s32 $0xBA987654;
	v9 =	vimm.s32 $0xE40000;
	v10 =	vimm.s32 $0x32100000  }
0x4: {  	vm0 =	vmmov $0x3;
	vm1 =	vmmov $0xf;
	vm2 =	vcmask $0x3F30  }
0x5: {  	v11 =	vimm.s32 $0xFFFE7963;
	v1 =	vadd.s32 $0x1022172D, v0;
	v2 =	vadd.s32 $0x7D601BBC, v0  }
0x6: {  	v5 =	vunpack.c.l.s4.s8 v3;
	v4 =	vunpack.c.l.s4.s8 v4;
	v6 =	vunpack.c.l.s4.s8 v6  }
0x7: {  	s2 =	srdreg.scid;
	s1 =	rddreg [dreg:$0x0];
	v7 =	vunpack.c.l.s4.s8 v7;
	v8 =	vunpack.c.l.s4.s8 v8;
	v9 =	vunpack.c.l.s2.s4 v9  }
0x8: {  	s0 =	stileid.u32;
	s6 =	rddreg [dreg:$0x1];
	v10 =	vunpack.c.l.s4.s8 v10;
	v4 =	vunpack.c.0.s8.s32 v4;
	v6 =	vunpack.c.0.s8.s32 v6  }
0x9: {  	s4 =	simm.s32 $0x0;
	s11 =	simm.s32 $0x0;
	s5 =	sand.u32 $0x1, s2;
	v5 =	vunpack.c.0.s8.s32 v5;
	v7 =	vunpack.c.0.s8.s32 v7;
	v8 =	vunpack.c.0.s8.s32 v8  }
0xa: {  	s31 =	sshll.u32 s0, $0x1;
	s2 =	rddreg [dreg:$0x2];
	s8 =	smul.u32 $0x6000, s0;
	v9 =	vunpack.c.l.s4.s8 v9;
	v4 =	vand.u32 $0xF, v4;
	v6 =	vand.u32 $0xF, v6  }
.Ltmp0:
0xb: {  	[smem:$0x7FF] =	sst s4;
	s3 =	sor.u32 s5, s31;
	v4 =	vcombine.low v5, v4;
	v5 =	vcombine.low v7, v6;
	v6 =	vunpack.c.0.s8.s32 v10;
	(pc) =	sbr.rel .LBB2_1-.Ltmp0, $4  }
0xc: {  	s7 =	ssub.s32 $0x2, s5;
	s10 =	smul.u32 $0x3000, s5;
	_ =	strace $0x80000047;
	v9 =	vunpack.c.0.s8.s32 v9;
	v7 =	vand.u32 $0xF, v8;
	v8 =	vimm.s32 $0x7060504  }
0xd: {  	v3 =	vimm.s32 $0x0;
	s5 =	sadd.s32 $0x800, s6;
	s3 =	smul.u32 $0x3000, s3;
	s9 =	sshrl.u32 s7, $0x1;
	v6 =	vcombine.low v6, v7;
	v7 =	vunpack.c.0.s8.s32 v8  }
0xe: {  	s7 =	ssub.s32 s7, s9;
	s8 =	sadd.s32 s10, s8;
	s9 =	simm.s32 $0x2;
	v10 =	vimm.f32 $0.0e+00;
	v8 =	vand.u32 $0x3, v9;
	v9 =	vadd.s32 $0x1, v0  }
0xf: {  	s10 =	simm.s32 $0x1;
	s6 =	sadd.s32 $0x1A0000, s3;
	s7 =	smax.u32 s7, $0x1;
	v7 =	vsel vm2, v7, v8;
	vm2 =	vmmov $0xff;
	v8 =	vimm.s32 $0x7  }
.LBB2_14:
0x10: {  	s11 =	sadd.s32 $0x1, s11  }
0x11: {  	p0 =	sne.s32 s11, s7  }
.Ltmp1:
0x12: {  	_ = 	snop;
	(pc) =	sbr.rel @!p0 .LBB2_15-.Ltmp1, $1  }
0x13: {  	_ =	sdelay $0x3  }
.LBB2_1:
.Ltmp2:
0x14: {  	(pc) =	sbr.rel .LBB2_2-.Ltmp2, $2  }
0x15: {  	_ =	sdelay $0x2  }
0x16: {  	s12 =	smov.u32 s8;
	s13 =	simm.s32 $0x0  }
.LBB2_12:
0x17: {  	[sflag:s10] =	ssyncadd.s32 $0xFFFFFFF0  }
.LBB2_13:
0x18: {  	s13 =	sadd.s32 $0x1, s13  }
0x19: {  	p0 =	sne.s32 s13, $0x3  }
.Ltmp3:
0x1a: {  	_ = 	snop;
	(pc) =	sbr.rel @!p0 .LBB2_14-.Ltmp3, $2  }
0x1b: {  	_ =	sdelay $0x2  }
0x1c: {  	s12 =	sadd.s32 $0x1000, s12  }
.LBB2_2:
0x1d: {  	s15 =	sshll.u32 s13, $0xC  }
0x1e: {  	s14 =	sadd.s32 s6, s15  }
0x1f: {  	s16 =	sshrl.u32 s14, $0x3  }
0x20: {  	s17 =	sadd.s32 s1, s16;
	s16 =	simm.s32 $0x0  }
0x21: {  	[tilespmem:s16], [sflag:$0x2] =	stream.linear.gather [hbm4b:s17+s16], $0x1000, $0x38;
	[tilespmem:$0x1300] =	vst v63  }
0x22: {  	_ =	swait.ge [sflag:s9], $0x1000  }
0x23: {  	[sflag:s9] =	ssyncset.done $0x0  }
0x24: {  	s18 =	simm.s32 $0x0;
	s17 =	simm.s32 $0x20;
	[sflag:s9] =	ssyncadd.s32 $0xFFFFF000  }
.LBB2_3:
0x25: {  	s19 =	sadd.s32 s16, s12  }
0x26: {  	s20 =	sadd.s32 $0x1A0000, s19  }
0x27: {  	v12 =	vadd.s32 s20, v1  }
0x28: {  	v13 =	vshrl.u32 v12, $0x13;
	v12 =	vshll.u32 v12, $0xD  }
0x29: {  	v14 =	vadd.s32 s20, v2;
	v12 =	vor.u32 v13, v12  }
0x2a: {  	v12 =	vxor.u32 v14, v12  }
0x2b: {  	v59 =	vshrl.u32 v12, $0x11;
	v15 =	vshll.u32 v12, $0xF  }
0x2c: {  	v12 =	vadd.s32 v14, v12;
	v13 =	vor.u32 v59, v15  }
0x2d: {  	v13 =	vxor.u32 v12, v13  }
0x2e: {  	v60 =	vshrl.u32 v13, $0x6;
	v61 =	vshll.u32 v13, $0x1A  }
0x2f: {  	v12 =	vadd.s32 v12, v13;
	v62 =	vor.u32 v60, v61  }
0x30: {  	v13 =	vxor.u32 v12, v62  }
0x31: {  	v63 =	vshrl.u32 v13, $0x1A;
	v18 =	vshll.u32 v13, $0x6  }
0x32: {  	v12 =	vadd.s32 v12, v13;
	v19 =	vor.u32 v63, v18  }
0x33: {  	v13 =	vxor.u32 v12, v19  }
0x34: {  	v13 =	vadd.s32 $0x66CD0879, v13  }
0x35: {  	v12 =	vadd.s32 v13, v12;
	v20 =	vshrl.u32 v13, $0xF;
	v13 =	vshll.u32 v13, $0x11  }
0x36: {  	v12 =	vadd.s32 $0x1022172D, v12;
	v13 =	vor.u32 v20, v13  }
0x37: {  	v13 =	vxor.u32 v12, v13  }
0x38: {  	v21 =	vshrl.u32 v13, $0x3;
	v22 =	vshll.u32 v13, $0x1D  }
0x39: {  	v12 =	vadd.s32 v12, v13;
	v23 =	vor.u32 v21, v22  }
0x3a: {  	v13 =	vxor.u32 v12, v23  }
0x3b: {  	v24 =	vshrl.u32 v13, $0x10;
	v25 =	vshll.u32 v13, $0x10  }
0x3c: {  	v12 =	vadd.s32 v12, v13;
	v26 =	vor.u32 v24, v25  }
0x3d: {  	v13 =	vxor.u32 v12, v26  }
0x3e: {  	v27 =	vshrl.u32 v13, $0x8;
	v28 =	vshll.u32 v13, $0x18  }
0x3f: {  	v12 =	vadd.s32 v12, v13;
	v29 =	vor.u32 v27, v28  }
0x40: {  	v13 =	vxor.u32 v12, v29  }
0x41: {  	v13 =	vadd.s32 $0x6D3E0491, v13  }
0x42: {  	v12 =	vadd.s32 v13, v12;
	v30 =	vshrl.u32 v13, $0x13;
	v13 =	vshll.u32 v13, $0xD  }
0x43: {  	v12 =	vadd.s32 $0x66CD0878, v12;
	v13 =	vor.u32 v30, v13  }
0x44: {  	v13 =	vxor.u32 v12, v13  }
0x45: {  	v31 =	vshrl.u32 v13, $0x11;
	v32 =	vshll.u32 v13, $0xF  }
0x46: {  	v12 =	vadd.s32 v12, v13;
	v33 =	vor.u32 v31, v32  }
0x47: {  	v13 =	vxor.u32 v12, v33  }
0x48: {  	v34 =	vshrl.u32 v13, $0x6;
	v35 =	vshll.u32 v13, $0x1A  }
0x49: {  	v12 =	vadd.s32 v12, v13;
	v36 =	vor.u32 v34, v35  }
0x4a: {  	v13 =	vxor.u32 v12, v36  }
0x4b: {  	v37 =	vshrl.u32 v13, $0x1A;
	v38 =	vshll.u32 v13, $0x6  }
0x4c: {  	v12 =	vadd.s32 v12, v13;
	v39 =	vor.u32 v37, v38  }
0x4d: {  	v13 =	vxor.u32 v12, v39  }
0x4e: {  	v13 =	vadd.s32 $0x10221730, v13  }
0x4f: {  	v12 =	vadd.s32 v13, v12;
	v40 =	vshrl.u32 v13, $0xF;
	v13 =	vshll.u32 v13, $0x11  }
0x50: {  	v12 =	vadd.s32 $0x6D3E048F, v12;
	v13 =	vor.u32 v40, v13  }
0x51: {  	v13 =	vxor.u32 v12, v13  }
0x52: {  	v41 =	vshrl.u32 v13, $0x3;
	v42 =	vshll.u32 v13, $0x1D  }
0x53: {  	v12 =	vadd.s32 v12, v13;
	v43 =	vor.u32 v41, v42  }
0x54: {  	s21 =	sadd.s32 $0x1A0010, s19;
	v13 =	vxor.u32 v12, v43  }
0x55: {  	v54 =	vadd.s32 s21, v1;
	v44 =	vshrl.u32 v13, $0x10;
	v45 =	vshll.u32 v13, $0x10  }
0x56: {  	v16 =	vadd.s32 s21, v2;
	v12 =	vadd.s32 v12, v13;
	v46 =	vor.u32 v44, v45  }
0x57: {  	v55 =	vshrl.u32 v54, $0x13;
	v14 =	vshll.u32 v54, $0xD;
	v13 =	vxor.u32 v12, v46  }
0x58: {  	v14 =	vor.u32 v55, v14;
	v47 =	vshrl.u32 v13, $0x8;
	v48 =	vshll.u32 v13, $0x18  }
0x59: {  	v14 =	vxor.u32 v16, v14;
	v12 =	vadd.s32 v12, v13;
	v49 =	vor.u32 v47, v48  }
0x5a: {  	v57 =	vshrl.u32 v14, $0x11;
	v13 =	vxor.u32 v12, v49  }
0x5b: {  	v17 =	vshll.u32 v14, $0xF;
	v14 =	vadd.s32 v16, v14;
	v13 =	vadd.s32 $0x66CD087C, v13  }
0x5c: {  	v12 =	vadd.s32 v13, v12;
	v50 =	vshrl.u32 v13, $0x13;
	v13 =	vshll.u32 v13, $0xD  }
0x5d: {  	v15 =	vor.u32 v57, v17;
	v12 =	vadd.s32 $0x1022172D, v12;
	v13 =	vor.u32 v50, v13  }
0x5e: {  	v15 =	vxor.u32 v14, v15;
	v13 =	vxor.u32 v12, v13  }
0x5f: {  	v59 =	vshrl.u32 v15, $0x6;
	v51 =	vshrl.u32 v13, $0x11;
	v52 =	vshll.u32 v13, $0xF  }
0x60: {  	v18 =	vshll.u32 v15, $0x1A;
	v12 =	vadd.s32 v12, v13;
	v53 =	vor.u32 v51, v52  }
0x61: {  	v14 =	vadd.s32 v14, v15;
	v60 =	vor.u32 v59, v18;
	v13 =	vxor.u32 v12, v53  }
0x62: {  	v12 =	vadd.s32 v12, v13;
	v56 =	vshrl.u32 v13, $0x6;
	v13 =	vshll.u32 v13, $0x1A  }
0x63: {  	v15 =	vxor.u32 v14, v60;
	v13 =	vor.u32 v56, v13  }
0x64: {  	v62 =	vshrl.u32 v15, $0x1A;
	v63 =	vshll.u32 v15, $0x6;
	v13 =	vxor.u32 v12, v13  }
0x65: {  	v12 =	vadd.s32 v12, v13;
	v58 =	vshrl.u32 v13, $0x1A;
	v13 =	vshll.u32 v13, $0x6  }
0x66: {  	v61 =	vld [tilespmem:s17+$0xFFFFFFE0];
	v14 =	vadd.s32 v14, v15;
	v19 =	vor.u32 v62, v63;
	v13 =	vor.u32 v58, v13  }
0x67: {  	v20 =	vxor.u32 v14, v19;
	v13 =	vxor.u32 v12, v13  }
0x68: {  	v21 =	vadd.s32 $0x66CD0879, v20;
	v12 =	vadd.s32 $0x66CD0878, v12;
	v13 =	vadd.s32 $0x6D3E0494, v13  }
0x69: {  	v22 =	vshrl.u32 v21, $0xF;
	v12 =	vxor.u32 v12, v13  }
0x6a: {  	v13 =	vadd.s32 v21, v14;
	vm3 =	vlt.u32 v12, $0xCCCCE00;
	v12 =	vshll.u32 v21, $0x11  }
0x6b: {  	vm4 =	vgt.s32 v61, $0x2;
	v13 =	vadd.s32 $0x1022172D, v13;
	v12 =	vor.u32 v22, v12  }
0x6c: {  	vm3 =	vmand vm3, vm4;
	v12 =	vxor.u32 v13, v12  }
0x6d: {  	v23 =	vsel vm3, $0x1, v3;
	v24 =	vshrl.u32 v12, $0x3;
	v25 =	vshll.u32 v12, $0x1D  }
0x6e: {  	v26 =	vperm.xlane v23, v4;
	v12 =	vadd.s32 v13, v12;
	v27 =	vor.u32 v24, v25  }
0x6f: {  	vm3 =	veq.s32 v0, $0x0;
	v13 =	vxor.u32 v12, v27  }
0x70: {  	v28 =	vsel vm3, $0x0, v26;
	v29 =	vshrl.u32 v13, $0x10;
	v30 =	vshll.u32 v13, $0x10  }
0x71: {  	v14 =	vadd.s32 v23, v28;
	v12 =	vadd.s32 v12, v13;
	v31 =	vor.u32 v29, v30  }
0x72: {  	v15 =	vperm.xlane v14, v5;
	v13 =	vxor.u32 v12, v31  }
0x73: {  	v32 =	vshrl.u32 v13, $0x8;
	v33 =	vshll.u32 v13, $0x18  }
0x74: {  	v15 =	vsel vm0, $0x0, v15;
	v12 =	vadd.s32 v12, v13;
	v34 =	vor.u32 v32, v33  }
0x75: {  	v14 =	vadd.s32 v15, v14;
	v13 =	vxor.u32 v12, v34  }
0x76: {  	v15 =	vperm.xlane v14, v6;
	v13 =	vadd.s32 $0x6D3E0491, v13  }
0x77: {  	v12 =	vadd.s32 v13, v12;
	v35 =	vshrl.u32 v13, $0x13;
	v13 =	vshll.u32 v13, $0xD  }
0x78: {  	v15 =	vsel vm1, $0x0, v15;
	v12 =	vadd.s32 $0x66CD0878, v12;
	v13 =	vor.u32 v35, v13  }
0x79: {  	v14 =	vadd.s32 v15, v14;
	v13 =	vxor.u32 v12, v13  }
0x7a: {  	v15 =	vperm.xlane v14, v7;
	v36 =	vshrl.u32 v13, $0x11;
	v37 =	vshll.u32 v13, $0xF  }
0x7b: {  	v13 =	vadd.s32 v12, v13;
	v38 =	vor.u32 v36, v37  }
0x7c: {  	v15 =	vsel vm2, $0x0, v15;
	v16 =	vxor.u32 v13, v38  }
0x7d: {  	v12 =	vadd.s32 v15, v14;
	v39 =	vshrl.u32 v16, $0x6;
	v40 =	vshll.u32 v16, $0x1A  }
0x7e: {  	v41 =	vperm.xlane v12, v8;
	v13 =	vadd.s32 v13, v16;
	v14 =	vor.u32 v39, v40  }
0x7f: {  	v14 =	vxor.u32 v13, v14  }
0x80: {  	vm15 =	vlt.s32 v41, v9;
	v42 =	vshrl.u32 v14, $0x1A;
	v43 =	vshll.u32 v14, $0x6  }
0x81: {  	v17 =	vsel vm15, $0x8, v3;
	v13 =	vadd.s32 v13, v14;
	v44 =	vor.u32 v42, v43  }
0x82: {  	v45 =	vor.u32 $0x3, v17;
	v14 =	vxor.u32 v13, v44  }
0x83: {  	v15 =	vperm.xlane v12, v45;
	v14 =	vadd.s32 $0x10221730, v14  }
0x84: {  	v47 =	vor.u32 $0x4, v17;
	v13 =	vadd.s32 v14, v13  }
0x85: {  	v46 =	vshrl.u32 v14, $0xF;
	v14 =	vshll.u32 v14, $0x11;
	vm8 =	vlt.s32 v15, v9  }
0x86: {  	v13 =	vadd.s32 $0x6D3E048F, v13;
	v14 =	vor.u32 v46, v14;
	v15 =	vsel vm8, v47, v17  }
0x87: {  	v14 =	vxor.u32 v13, v14;
	v50 =	vor.u32 $0x1, v15  }
0x88: {  	s22 =	sadd.s32 $0x1A0020, s19;
	v48 =	vshrl.u32 v14, $0x3;
	v49 =	vshll.u32 v14, $0x1D;
	v52 =	vperm.xlane v12, v50  }
0x89: {  	v61 =	vadd.s32 s22, v1;
	v13 =	vadd.s32 v13, v14;
	v51 =	vor.u32 v48, v49  }
0x8a: {  	v53 =	vor.u32 $0x2, v15;
	v14 =	vxor.u32 v13, v51;
	vm9 =	vlt.s32 v52, v9  }
0x8b: {  	v54 =	vshrl.u32 v14, $0x10;
	v19 =	vshll.u32 v14, $0x10;
	v15 =	vsel vm9, v53, v15  }
0x8c: {  	v13 =	vadd.s32 v13, v14;
	v55 =	vor.u32 v54, v19;
	v56 =	vperm.xlane v12, v15  }
0x8d: {  	v63 =	vshrl.u32 v61, $0x13;
	v14 =	vxor.u32 v13, v55  }
0x8e: {  	v57 =	vshrl.u32 v14, $0x8;
	v58 =	vshll.u32 v14, $0x18;
	vm10 =	vlt.s32 v56, v9  }
0x8f: {  	v13 =	vadd.s32 v13, v14;
	v59 =	vor.u32 v57, v58;
	v16 =	vsel vm10, $0x1, v3  }
0x90: {  	v20 =	vadd.s32 s22, v2;
	v14 =	vxor.u32 v13, v59;
	v16 =	vor.u32 s16, v16  }
0x91: {  	v14 =	vadd.s32 $0x66CD087C, v14;
	v15 =	vor.u32 v15, v16;
	v16 =	vshll.u32 v61, $0xD  }
0x92: {  	v13 =	vadd.s32 v14, v13;
	v60 =	vshrl.u32 v14, $0x13;
	v14 =	vshll.u32 v14, $0xD  }
0x93: {  	v16 =	vor.u32 v63, v16;
	v13 =	vadd.s32 $0x1022172D, v13;
	v14 =	vor.u32 v60, v14  }
0x94: {  	v16 =	vxor.u32 v20, v16;
	v14 =	vxor.u32 v13, v14  }
0x95: {  	v26 =	vshrl.u32 v16, $0x11;
	v27 =	vshll.u32 v16, $0xF;
	v16 =	vadd.s32 v20, v16  }
0x96: {  	v62 =	vshrl.u32 v14, $0x11;
	v24 =	vshll.u32 v14, $0xF;
	v17 =	vor.u32 v26, v27  }
0x97: {  	v13 =	vadd.s32 v13, v14;
	v25 =	vor.u32 v62, v24;
	v17 =	vxor.u32 v16, v17  }
0x98: {  	v14 =	vxor.u32 v13, v25;
	v29 =	vshrl.u32 v17, $0x6  }
0x99: {  	v30 =	vshll.u32 v17, $0x1A;
	v16 =	vadd.s32 v16, v17;
	v13 =	vadd.s32 v13, v14  }
0x9a: {  	v28 =	vshrl.u32 v14, $0x6;
	v14 =	vshll.u32 v14, $0x1A;
	v31 =	vor.u32 v29, v30  }
0x9b: {  	v14 =	vor.u32 v28, v14;
	v17 =	vxor.u32 v16, v31  }
0x9c: {  	v14 =	vxor.u32 v13, v14;
	v33 =	vshrl.u32 v17, $0x1A;
	v34 =	vshll.u32 v17, $0x6  }
0x9d: {  	[tilespmem:s18+$0x1000] =	vst v15;
	v13 =	vadd.s32 v13, v14;
	v32 =	vshrl.u32 v14, $0x1A;
	v14 =	vshll.u32 v14, $0x6  }
0x9e: {  	v37 =	vld [tilespmem:s17+$0xFFFFFFF0];
	v35 =	vadd.s32 v16, v17;
	v36 =	vor.u32 v33, v34;
	v14 =	vor.u32 v32, v14  }
0x9f: {  	v16 =	vxor.u32 v35, v36;
	v14 =	vxor.u32 v13, v14  }
0xa0: {  	v13 =	vadd.s32 $0x66CD0878, v13;
	v16 =	vadd.s32 $0x66CD0879, v16;
	v14 =	vadd.s32 $0x6D3E0494, v14  }
0xa1: {  	v15 =	vadd.s32 v16, v35;
	v38 =	vshrl.u32 v16, $0xF;
	v16 =	vshll.u32 v16, $0x11  }
0xa2: {  	v13 =	vxor.u32 v13, v14;
	v39 =	vadd.s32 $0x1022172D, v15;
	v40 =	vor.u32 v38, v16  }
0xa3: {  	vm5 =	vgt.s32 v37, $0x2;
	vm11 =	vlt.u32 v13, $0xCCCCE00;
	v41 =	vxor.u32 v39, v40  }
0xa4: {  	v15 =	vshrl.u32 v41, $0x3;
	v42 =	vshll.u32 v41, $0x1D;
	vm4 =	vmand vm11, vm5  }
0xa5: {  	v13 =	vadd.s32 v39, v41;
	v43 =	vor.u32 v15, v42;
	v44 =	vsel vm4, $0x1, v3  }
0xa6: {  	v14 =	vxor.u32 v13, v43;
	v45 =	vperm.xlane v44, v4  }
0xa7: {  	v46 =	vshrl.u32 v14, $0x10;
	v47 =	vshll.u32 v14, $0x10  }
0xa8: {  	v13 =	vadd.s32 v13, v14;
	v48 =	vor.u32 v46, v47;
	v16 =	vsel vm3, $0x0, v45  }
0xa9: {  	v14 =	vxor.u32 v13, v48;
	v15 =	vadd.s32 v44, v16  }
0xaa: {  	v49 =	vshrl.u32 v14, $0x8;
	v50 =	vshll.u32 v14, $0x18;
	v51 =	vperm.xlane v15, v5  }
0xab: {  	v13 =	vadd.s32 v13, v14;
	v52 =	vor.u32 v49, v50  }
0xac: {  	v14 =	vxor.u32 v13, v52;
	v53 =	vsel vm0, $0x0, v51  }
0xad: {  	v14 =	vadd.s32 $0x6D3E0491, v14;
	v15 =	vadd.s32 v53, v15  }
0xae: {  	v13 =	vadd.s32 v14, v13;
	v54 =	vshrl.u32 v14, $0x13;
	v14 =	vshll.u32 v14, $0xD  }
0xaf: {  	v16 =	vperm.xlane v15, v6;
	v13 =	vadd.s32 $0x66CD0878, v13;
	v14 =	vor.u32 v54, v14  }
0xb0: {  	(v2sf) =	vpush v12, $0xF;
	v14 =	vxor.u32 v13, v14  }
0xb1: {  	v16 =	vsel vm1, $0x0, v16;
	v55 =	vshrl.u32 v14, $0x11;
	v56 =	vshll.u32 v14, $0xF  }
0xb2: {  	s19 =	sadd.s32 $0x1A0030, s19;
	v13 =	vadd.s32 v13, v14;
	v15 =	vadd.s32 v16, v15;
	v57 =	vor.u32 v55, v56  }
0xb3: {  	v39 =	vadd.s32 s19, v1;
	v16 =	vperm.xlane v15, v7;
	v14 =	vxor.u32 v13, v57  }
0xb4: {  	v41 =	vadd.s32 s19, v2;
	v58 =	vshrl.u32 v14, $0x6;
	v59 =	vshll.u32 v14, $0x1A  }
0xb5: {  	v14 =	vadd.s32 v13, v14;
	v16 =	vsel vm2, $0x0, v16;
	v60 =	vor.u32 v58, v59  }
0xb6: {  	v40 =	vshrl.u32 v39, $0x13;
	v13 =	vadd.s32 v16, v15;
	v17 =	vxor.u32 v14, v60  }
0xb7: {  	v63 =	vperm.xlane v13, v8;
	v61 =	vshrl.u32 v17, $0x1A;
	v62 =	vshll.u32 v17, $0x6  }
0xb8: {  	v14 =	vadd.s32 v14, v17;
	v17 =	vshll.u32 v39, $0xD;
	v15 =	vor.u32 v61, v62  }
0xb9: {  	vm12 =	vlt.s32 v63, v9;
	v17 =	vor.u32 v40, v17;
	v15 =	vxor.u32 v14, v15  }
0xba: {  	v21 =	vsel vm12, $0x8, v3;
	v17 =	vxor.u32 v41, v17;
	v15 =	vadd.s32 $0x10221730, v15  }
0xbb: {  	v22 =	vor.u32 $0x3, v21;
	v26 =	vor.u32 $0x4, v21;
	v43 =	vshrl.u32 v17, $0x11  }
0xbc: {  	v14 =	vadd.s32 v15, v14;
	v20 =	vshrl.u32 v15, $0xF;
	v15 =	vshll.u32 v15, $0x11  }
0xbd: {  	v16 =	vperm.xlane v13, v22;
	v14 =	vadd.s32 $0x6D3E048F, v14;
	v15 =	vor.u32 v20, v15  }
0xbe: {  	v44 =	vshll.u32 v17, $0xF;
	v17 =	vadd.s32 v41, v17;
	v15 =	vxor.u32 v14, v15  }
0xbf: {  	vm13 =	vlt.s32 v16, v9;
	v23 =	vshrl.u32 v15, $0x3;
	v24 =	vshll.u32 v15, $0x1D  }
0xc0: {  	v14 =	vadd.s32 v14, v15;
	v16 =	vsel vm13, v26, v21;
	v25 =	vor.u32 v23, v24  }
0xc1: {  	v18 =	vor.u32 v43, v44;
	v29 =	vor.u32 $0x1, v16;
	v15 =	vxor.u32 v14, v25  }
0xc2: {  	v31 =	vperm.xlane v13, v29;
	v27 =	vshrl.u32 v15, $0x10;
	v28 =	vshll.u32 v15, $0x10  }
0xc3: {  	v45 =	vxor.u32 v17, v18;
	v14 =	vadd.s32 v14, v15;
	v30 =	vor.u32 v27, v28  }
0xc4: {  	v32 =	vor.u32 $0x2, v16;
	vm14 =	vlt.s32 v31, v9;
	v15 =	vxor.u32 v14, v30  }
0xc5: {  	v37 =	vsel vm14, v32, v16;
	v33 =	vshrl.u32 v15, $0x8;
	v34 =	vshll.u32 v15, $0x18  }
0xc6: {  	v35 =	vadd.s32 v14, v15;
	v16 =	vperm.xlane v13, v37;
	v36 =	vor.u32 v33, v34  }
0xc7: {  	v17 =	vadd.s32 v17, v45;
	v18 =	vshrl.u32 v45, $0x6;
	v14 =	vxor.u32 v35, v36  }
0xc8: {  	vm15 =	vlt.s32 v16, v9;
	v16 =	vshll.u32 v45, $0x1A;
	v14 =	vadd.s32 $0x66CD087C, v14  }
0xc9: {  	v16 =	vor.u32 v18, v16;
	v47 =	vsel vm15, $0x1, v3;
	v12 =	vadd.s32 v14, v35  }
0xca: {  	v38 =	vshrl.u32 v14, $0x13;
	v14 =	vshll.u32 v14, $0xD;
	v16 =	vxor.u32 v17, v16  }
0xcb: {  	v12 =	vadd.s32 $0x1022172D, v12;
	v14 =	vor.u32 v38, v14;
	v17 =	vadd.s32 v17, v16  }
0xcc: {  	s23 =	sadd.s32 $0x10, s16;
	v48 =	vshrl.u32 v16, $0x1A;
	v16 =	vshll.u32 v16, $0x6;
	v14 =	vxor.u32 v12, v14  }
0xcd: {  	v19 =	vor.u32 s23, v47;
	v16 =	vor.u32 v48, v16;
	v12 =	vadd.s32 v12, v14  }
0xce: {  	v42 =	vshrl.u32 v14, $0x11;
	v14 =	vshll.u32 v14, $0xF;
	v16 =	vxor.u32 v17, v16  }
0xcf: {  	s24 =	spop (v2sf);
	v15 =	vor.u32 v37, v19;
	v14 =	vor.u32 v42, v14;
	v16 =	vadd.s32 $0x66CD0879, v16  }
0xd0: {  	s25 =	sadd.s32 s18, s24;
	v14 =	vxor.u32 v12, v14;
	v17 =	vadd.s32 v16, v17;
	v51 =	vshrl.u32 v16, $0xF  }
0xd1: {  	[tilespmem:s25+$0x1000] =	vst v15;
	v16 =	vshll.u32 v16, $0x11;
	v12 =	vadd.s32 v12, v14;
	v46 =	vshrl.u32 v14, $0x6  }
0xd2: {  	v50 =	vld [tilespmem:s17+$0x0];
	v14 =	vshll.u32 v14, $0x1A;
	v52 =	vadd.s32 $0x1022172D, v17;
	v16 =	vor.u32 v51, v16  }
0xd3: {  	v14 =	vor.u32 v46, v14;
	v16 =	vxor.u32 v52, v16  }
0xd4: {  	v14 =	vxor.u32 v12, v14;
	v53 =	vshrl.u32 v16, $0x3  }
0xd5: {  	v12 =	vadd.s32 v12, v14;
	v49 =	vshrl.u32 v14, $0x1A;
	v14 =	vshll.u32 v14, $0x6  }
0xd6: {  	v54 =	vshll.u32 v16, $0x1D;
	v55 =	vadd.s32 v52, v16;
	v14 =	vor.u32 v49, v14  }
0xd7: {  	vm9 =	vgt.s32 v50, $0x2;
	v56 =	vor.u32 v53, v54;
	v14 =	vxor.u32 v12, v14  }
0xd8: {  	v57 =	vxor.u32 v55, v56;
	v12 =	vadd.s32 $0x66CD0878, v12;
	v14 =	vadd.s32 $0x6D3E0494, v14  }
0xd9: {  	v15 =	vshrl.u32 v57, $0x10;
	v58 =	vshll.u32 v57, $0x10;
	v12 =	vxor.u32 v12, v14  }
0xda: {  	v60 =	vor.u32 v15, v58;
	vm8 =	vlt.u32 v12, $0xCCCCE00;
	v12 =	vadd.s32 v55, v57  }
0xdb: {  	vm4 =	vmand vm8, vm9;
	v14 =	vxor.u32 v12, v60  }
0xdc: {  	v59 =	vsel vm4, $0x1, v3;
	v62 =	vshrl.u32 v14, $0x8;
	v63 =	vshll.u32 v14, $0x18  }
0xdd: {  	v12 =	vadd.s32 v12, v14;
	v61 =	vperm.xlane v59, v4;
	v19 =	vor.u32 v62, v63  }
0xde: {  	v14 =	vxor.u32 v12, v19  }
0xdf: {  	v15 =	vsel vm3, $0x0, v61;
	v14 =	vadd.s32 $0x6D3E0491, v14  }
0xe0: {  	v15 =	vadd.s32 v59, v15;
	v12 =	vadd.s32 v14, v12  }
0xe1: {  	v21 =	vshrl.u32 v14, $0x13;
	v14 =	vshll.u32 v14, $0xD;
	v20 =	vperm.xlane v15, v5  }
0xe2: {  	v12 =	vadd.s32 $0x66CD0878, v12;
	v14 =	vor.u32 v21, v14  }
0xe3: {  	v14 =	vxor.u32 v12, v14;
	v16 =	vsel vm0, $0x0, v20  }
0xe4: {  	v22 =	vshrl.u32 v14, $0x11;
	v23 =	vshll.u32 v14, $0xF;
	v15 =	vadd.s32 v16, v15  }
0xe5: {  	v12 =	vadd.s32 v12, v14;
	v25 =	vor.u32 v22, v23;
	v24 =	vperm.xlane v15, v6  }
0xe6: {  	v14 =	vxor.u32 v12, v25  }
0xe7: {  	v27 =	vshrl.u32 v14, $0x6;
	v28 =	vshll.u32 v14, $0x1A;
	v26 =	vsel vm1, $0x0, v24  }
0xe8: {  	v12 =	vadd.s32 v12, v14;
	v29 =	vor.u32 v27, v28;
	v15 =	vadd.s32 v26, v15  }
0xe9: {  	v14 =	vxor.u32 v12, v29;
	v16 =	vperm.xlane v15, v7  }
0xea: {  	v30 =	vshrl.u32 v14, $0x1A;
	v31 =	vshll.u32 v14, $0x6  }
0xeb: {  	v12 =	vadd.s32 v12, v14;
	v32 =	vor.u32 v30, v31;
	v16 =	vsel vm2, $0x0, v16  }
0xec: {  	v14 =	vxor.u32 v12, v32;
	v15 =	vadd.s32 v16, v15  }
0xed: {  	v14 =	vadd.s32 $0x10221730, v14;
	v16 =	vperm.xlane v15, v8  }
0xee: {  	v12 =	vadd.s32 v14, v12;
	v33 =	vshrl.u32 v14, $0xF;
	v14 =	vshll.u32 v14, $0x11  }
0xef: {  	v12 =	vadd.s32 $0x6D3E048F, v12;
	v14 =	vor.u32 v33, v14  }
0xf0: {  	(v2sf) =	vpush v13, $0xF;
	vm10 =	vlt.s32 v16, v9;
	v34 =	vxor.u32 v12, v14  }
0xf1: {  	v35 =	vsel vm10, $0x8, v3;
	v36 =	vshrl.u32 v34, $0x3;
	v37 =	vshll.u32 v34, $0x1D  }
0xf2: {  	v12 =	vadd.s32 v12, v34;
	v38 =	vor.u32 $0x3, v35;
	v39 =	vor.u32 v36, v37  }
0xf3: {  	v40 =	vperm.xlane v15, v38;
	v13 =	vxor.u32 v12, v39  }
0xf4: {  	v12 =	vadd.s32 v12, v13;
	v41 =	vshrl.u32 v13, $0x10;
	v13 =	vshll.u32 v13, $0x10  }
0xf5: {  	v42 =	vor.u32 $0x4, v35;
	vm11 =	vlt.s32 v40, v9;
	v13 =	vor.u32 v41, v13  }
0xf6: {  	v14 =	vsel vm11, v42, v35;
	v13 =	vxor.u32 v12, v13  }
0xf7: {  	v43 =	vor.u32 $0x1, v14;
	v44 =	vshrl.u32 v13, $0x8;
	v45 =	vshll.u32 v13, $0x18  }
0xf8: {  	v12 =	vadd.s32 v12, v13;
	v16 =	vperm.xlane v15, v43;
	v46 =	vor.u32 v44, v45  }
0xf9: {  	v13 =	vxor.u32 v12, v46  }
0xfa: {  	v47 =	vor.u32 $0x2, v14;
	vm12 =	vlt.s32 v16, v9;
	v13 =	vadd.s32 $0x66CD087C, v13  }
0xfb: {  	v12 =	vadd.s32 v13, v12;
	v48 =	vshrl.u32 v13, $0x13;
	v13 =	vshll.u32 v13, $0xD  }
0xfc: {  	v14 =	vsel vm12, v47, v14;
	v12 =	vadd.s32 $0x1022172D, v12;
	v13 =	vor.u32 v48, v13  }
0xfd: {  	v49 =	vperm.xlane v15, v14;
	v13 =	vxor.u32 v12, v13  }
0xfe: {  	v50 =	vshrl.u32 v13, $0x11;
	v51 =	vshll.u32 v13, $0xF  }
0xff: {  	vm13 =	vlt.s32 v49, v9;
	v12 =	vadd.s32 v12, v13;
	v52 =	vor.u32 v50, v51  }
0x100: {  	s26 =	sadd.s32 $0x20, s16;
	v16 =	vsel vm13, $0x1, v3;
	v13 =	vxor.u32 v12, v52  }
0x101: {  	s28 =	spop (v2sf);
	v16 =	vor.u32 s26, v16;
	v53 =	vshrl.u32 v13, $0x6;
	v54 =	vshll.u32 v13, $0x1A  }
0x102: {  	s18 =	sadd.s32 s25, s28;
	v14 =	vor.u32 v14, v16;
	v12 =	vadd.s32 v12, v13;
	v55 =	vor.u32 v53, v54  }
0x103: {  	[tilespmem:s18+$0x1000] =	vst v14;
	v13 =	vxor.u32 v12, v55  }
0x104: {  	v14 =	vld [tilespmem:s17+$0x10];
	v56 =	vshrl.u32 v13, $0x1A;
	v57 =	vshll.u32 v13, $0x6  }
0x105: {  	v12 =	vadd.s32 v12, v13;
	v58 =	vor.u32 v56, v57  }
0x106: {  	v13 =	vxor.u32 v12, v58  }
0x107: {  	v12 =	vadd.s32 $0x66CD0878, v12;
	v13 =	vadd.s32 $0x6D3E0494, v13  }
0x108: {  	v12 =	vxor.u32 v12, v13  }
0x109: {  	vm15 =	vgt.s32 v14, $0x2;
	vm14 =	vlt.u32 v12, $0xCCCCE00  }
0x10a: {  	vm4 =	vmand vm14, vm15  }
0x10b: {  	v59 =	vsel vm4, $0x1, v3  }
0x10c: {  	v60 =	vperm.xlane v59, v4;
	_ =	sdelay $0x1  }
0x10d: {  	v13 =	vsel vm3, $0x0, v60  }
0x10e: {  	v12 =	vadd.s32 v59, v13  }
0x10f: {  	v13 =	vperm.xlane v12, v5;
	_ =	sdelay $0x1  }
0x110: {  	v13 =	vsel vm0, $0x0, v13  }
0x111: {  	v12 =	vadd.s32 v13, v12  }
0x112: {  	v13 =	vperm.xlane v12, v6;
	_ =	sdelay $0x1  }
0x113: {  	v13 =	vsel vm1, $0x0, v13  }
0x114: {  	v12 =	vadd.s32 v13, v12  }
0x115: {  	v13 =	vperm.xlane v12, v7;
	_ =	sdelay $0x1  }
0x116: {  	v13 =	vsel vm2, $0x0, v13  }
0x117: {  	v12 =	vadd.s32 v13, v12  }
0x118: {  	v13 =	vperm.xlane v12, v8;
	_ =	sdelay $0x1  }
0x119: {  	vm3 =	vlt.s32 v13, v9  }
0x11a: {  	(v2sf) =	vpush v15, $0xF;
	v13 =	vsel vm3, $0x8, v3  }
0x11b: {  	(v2sf) =	vpush v12, $0xF;
	v61 =	vor.u32 $0x3, v13  }
0x11c: {  	v14 =	vperm.xlane v12, v61;
	_ =	sdelay $0x1  }
0x11d: {  	v62 =	vor.u32 $0x4, v13;
	vm3 =	vlt.s32 v14, v9  }
0x11e: {  	v13 =	vsel vm3, v62, v13  }
0x11f: {  	v63 =	vor.u32 $0x1, v13  }
0x120: {  	v14 =	vperm.xlane v12, v63;
	_ =	sdelay $0x1  }
0x121: {  	v15 =	vor.u32 $0x2, v13;
	vm3 =	vlt.s32 v14, v9  }
0x122: {  	v13 =	vsel vm3, v15, v13  }
0x123: {  	v12 =	vperm.xlane v12, v13  }
0x124: {  	p0 =	sne.s32 s16, $0xFC0  }
.Ltmp4:
0x125: {  	vm3 =	vlt.s32 v12, v9;
	(pc) =	sbr.rel @p0 .LBB2_3-.Ltmp4, $4  }
0x126: {  	s29 =	sadd.s32 $0x30, s16;
	v12 =	vsel vm3, $0x1, v3  }
0x127: {  	s30 =	spop (v2sf);
	v12 =	vor.u32 s29, v12  }
0x128: {  	s18 =	sadd.s32 s18, s30;
	s31 =	spop (v2sf);
	v12 =	vor.u32 v13, v12  }
0x129: {  	s16 =	sadd.s32 $0x40, s16;
	s17 =	sadd.s32 $0x40, s17;
	[tilespmem:s18+$0x1000] =	vst v12;
	s18 =	sadd.s32 s18, s31  }
0x12a: {  	s31 =	sadd.s32 $0xF, s18  }
0x12b: {  	s16 =	sadd.s32 s3, s15;
	s17 =	sshrl.u32 s31, $0x4  }
0x12c: {  	s15 =	sshrl.u32 s16, $0x3;
	p0 =	seq.s32 s17, $0x0  }
.Ltmp5:
0x12d: {  	s15 =	sadd.s32 s5, s15;
	(pc) =	sbr.rel @p0 .LBB2_13-.Ltmp5, $4  }
0x12e: {  	[hbm4b:s15+s4] =	stream.linear.scatter [tilespmem:s4], [sflag:$0x2], $0x1000, $0x38;
	[tilespmem:$0x1300] =	vst v63  }
0x12f: {  	_ =	swait.ge [sflag:s9], $0x1000  }
0x130: {  	[sflag:s9] =	ssyncset.done $0x0  }
0x131: {  	[sflag:s9] =	ssyncadd.s32 $0xFFFFF000  }
0x132: {  	v12 =	vld [tilespmem:$0x1000]  }
0x133: {  	p0 =	sne.s32 s17, $0x1  }
.Ltmp6:
0x134: {  	_ = 	snop;
	(pc) =	sbr.rel @!p0 .LBB2_6-.Ltmp6, $3  }
0x135: {  	_ =	sdelay $0x1  }
0x136: {  	v14 =	vmov s18;
	s31 =	simm.s32 $0x1000;
	s15 =	simm.s32 $0x1180;
	v13 =	vperm.xlane v12, v3;
	v12 =	vmov s14  }
0x137: {  	p1 =	por $0x0, $0x0;
	v17 =	vld [tilespmem:s31+$0x0];
	s14 =	sadd.s32 $0xFFFFFFFF, s17;
	v16 =	vadd.s32 $0x45A3D6BE, v12;
	v15 =	vadd.s32 $0xD1B63D6A, v12;
	v12 =	vmov s16;
	s16 =	simm.s32 $0x0  }
0x138: {  	_ =	sdelay $0x1  }
0x139: {  	v18 =	vor.u32 s16, v0  }
0x13a: {  	vm3 =	vlt.s32 v18, v14  }
0x13b: {  	v17 =	vsel vm3, v17, v13  }
0x13c: {  	v18 =	vadd.s32 v16, v17  }
0x13d: {  	v19 =	vshrl.u32 v18, $0x13;
	v18 =	vshll.u32 v18, $0xD  }
0x13e: {  	v20 =	vadd.s32 v15, v17;
	v18 =	vor.u32 v19, v18  }
0x13f: {  	v18 =	vxor.u32 v20, v18  }
0x140: {  	v19 =	vshrl.u32 v18, $0x11;
	v21 =	vshll.u32 v18, $0xF  }
0x141: {  	v18 =	vadd.s32 v20, v18;
	v19 =	vor.u32 v19, v21  }
0x142: {  	v19 =	vxor.u32 v18, v19  }
0x143: {  	v31 =	vshrl.u32 v19, $0x6;
	v32 =	vshll.u32 v19, $0x1A  }
0x144: {  	v18 =	vadd.s32 v18, v19;
	v19 =	vor.u32 v31, v32  }
0x145: {  	v19 =	vxor.u32 v18, v19  }
0x146: {  	v33 =	vshrl.u32 v19, $0x1A;
	v34 =	vshll.u32 v19, $0x6  }
0x147: {  	v18 =	vadd.s32 v18, v19;
	v19 =	vor.u32 v33, v34  }
0x148: {  	v19 =	vxor.u32 v18, v19  }
0x149: {  	v19 =	vadd.s32 $0xD260ABC9, v19  }
0x14a: {  	v18 =	vadd.s32 v19, v18;
	v35 =	vshrl.u32 v19, $0xF;
	v19 =	vshll.u32 v19, $0x11  }
0x14b: {  	v18 =	vadd.s32 $0x45A3D6BE, v18;
	v19 =	vor.u32 v35, v19  }
0x14c: {  	v19 =	vxor.u32 v18, v19  }
0x14d: {  	v36 =	vshrl.u32 v19, $0x3;
	v37 =	vshll.u32 v19, $0x1D  }
0x14e: {  	v18 =	vadd.s32 v18, v19;
	v19 =	vor.u32 v36, v37  }
0x14f: {  	v19 =	vxor.u32 v18, v19  }
0x150: {  	v38 =	vshrl.u32 v19, $0x10;
	v39 =	vshll.u32 v19, $0x10  }
0x151: {  	v18 =	vadd.s32 v18, v19;
	v19 =	vor.u32 v38, v39  }
0x152: {  	v19 =	vxor.u32 v18, v19  }
0x153: {  	v40 =	vshrl.u32 v19, $0x8;
	v41 =	vshll.u32 v19, $0x18  }
0x154: {  	v18 =	vadd.s32 v18, v19;
	v19 =	vor.u32 v40, v41  }
0x155: {  	v19 =	vxor.u32 v18, v19  }
0x156: {  	v19 =	vadd.s32 $0x8C1266AE, v19  }
0x157: {  	v18 =	vadd.s32 v19, v18;
	v42 =	vshrl.u32 v19, $0x13;
	v19 =	vshll.u32 v19, $0xD  }
0x158: {  	v18 =	vadd.s32 $0xD260ABC8, v18;
	v19 =	vor.u32 v42, v19  }
0x159: {  	v19 =	vxor.u32 v18, v19  }
0x15a: {  	v43 =	vshrl.u32 v19, $0x11;
	v44 =	vshll.u32 v19, $0xF  }
0x15b: {  	v18 =	vadd.s32 v18, v19;
	v19 =	vor.u32 v43, v44  }
0x15c: {  	v19 =	vxor.u32 v18, v19  }
0x15d: {  	v45 =	vshrl.u32 v19, $0x6;
	v46 =	vshll.u32 v19, $0x1A  }
0x15e: {  	v18 =	vadd.s32 v18, v19;
	v19 =	vor.u32 v45, v46  }
0x15f: {  	v19 =	vxor.u32 v18, v19  }
0x160: {  	v47 =	vshrl.u32 v19, $0x1A;
	v48 =	vshll.u32 v19, $0x6  }
0x161: {  	v18 =	vadd.s32 v18, v19;
	v19 =	vor.u32 v47, v48  }
0x162: {  	v19 =	vxor.u32 v18, v19  }
0x163: {  	v19 =	vadd.s32 $0x45A3D6C1, v19  }
0x164: {  	v18 =	vadd.s32 v19, v18;
	v49 =	vshrl.u32 v19, $0xF;
	v19 =	vshll.u32 v19, $0x11  }
0x165: {  	v18 =	vadd.s32 $0x8C1266AC, v18;
	v19 =	vor.u32 v49, v19  }
0x166: {  	v19 =	vxor.u32 v18, v19  }
0x167: {  	v50 =	vshrl.u32 v19, $0x3;
	v51 =	vshll.u32 v19, $0x1D  }
0x168: {  	v18 =	vadd.s32 v18, v19;
	v19 =	vor.u32 v50, v51  }
0x169: {  	v19 =	vxor.u32 v18, v19  }
0x16a: {  	v52 =	vshrl.u32 v19, $0x10;
	v53 =	vshll.u32 v19, $0x10  }
0x16b: {  	v18 =	vadd.s32 v18, v19;
	v19 =	vor.u32 v52, v53  }
0x16c: {  	v19 =	vxor.u32 v18, v19  }
0x16d: {  	v54 =	vshrl.u32 v19, $0x8;
	v55 =	vshll.u32 v19, $0x18  }
0x16e: {  	v18 =	vadd.s32 v18, v19;
	v19 =	vor.u32 v54, v55  }
0x16f: {  	v19 =	vxor.u32 v18, v19  }
0x170: {  	v19 =	vadd.s32 $0xD260ABCC, v19  }
0x171: {  	v18 =	vadd.s32 v19, v18;
	v56 =	vshrl.u32 v19, $0x13;
	v19 =	vshll.u32 v19, $0xD  }
0x172: {  	v18 =	vadd.s32 $0x45A3D6BE, v18;
	v19 =	vor.u32 v56, v19  }
0x173: {  	v19 =	vxor.u32 v18, v19  }
0x174: {  	v57 =	vshrl.u32 v19, $0x11;
	v58 =	vshll.u32 v19, $0xF  }
0x175: {  	v18 =	vadd.s32 v18, v19;
	v19 =	vor.u32 v57, v58  }
0x176: {  	v19 =	vxor.u32 v18, v19  }
0x177: {  	v59 =	vshrl.u32 v19, $0x6;
	v60 =	vshll.u32 v19, $0x1A  }
0x178: {  	v18 =	vadd.s32 v18, v19;
	v19 =	vor.u32 v59, v60  }
0x179: {  	v19 =	vxor.u32 v18, v19  }
0x17a: {  	v61 =	vshrl.u32 v19, $0x1A;
	v62 =	vshll.u32 v19, $0x6  }
0x17b: {  	v18 =	vadd.s32 v18, v19;
	v19 =	vor.u32 v61, v62  }
0x17c: {  	v19 =	vxor.u32 v18, v19  }
0x17d: {  	v18 =	vadd.s32 $0xD260ABC8, v18;
	v19 =	vadd.s32 $0x8C1266B1, v19  }
0x17e: {  	v18 =	vxor.u32 v18, v19  }
0x17f: {  	v19 =	vcvt.s32.f32 v18;
	vm3 =	vlt.s32 v18, $0x0  }
0x180: {  	v63 =	vsel vm3, $0x4F800000, v10  }
0x181: {  	v19 =	vadd.f32 v19, v63;
	_ =	sdelay $0x1  }
0x182: {  	v19 =	vmul.f32 $1.000029990e-05, v19;
	_ =	sdelay $0x1  }
0x183: {  	v19 =	vtrunc.f32 v19  }
0x184: {  	v19 =	vcvt.f32.s32 v19;
	_ =	sdelay $0x1  }
0x185: {  	v19 =	vmul.u32 $0xFFFE7963, v19;
	_ =	sdelay $0x1  }
0x186: {  	v18 =	vadd.s32 v18, v19  }
0x187: {  	v19 =	vshra.s32 v18, $0x1F  }
0x188: {  	v19 =	vand.u32 $0x1869D, v19  }
0x189: {  	v18 =	vadd.s32 v18, v19  }
0x18a: {  	v17 =	vadd.s32 v12, v17;
	vm3 =	vlt.s32 v18, $0x1869D  }
0x18b: {  	p2 =	sne.s32 s14, $0x1;
	v19 =	vsel vm3, $0x0, v11  }
.Ltmp7:
0x18c: {  	v18 =	vadd.s32 v19, v18;
	(pc) =	sbr.rel @!p2 .LBB2_8-.Ltmp7, $4  }
0x18d: {  	v18 =	vadd.s32 $0x3, v18  }
0x18e: {  	s19 =	simm.s32 $0x1010;
	s20 =	sadd.s32 $0xFFFFFFFF, s14;
	vm3 =	vmmov $0xffff;
	[tilespmem:s15+$0x0] =	vst v18  }
0x18f: {  	[hbm4b:s5+s4] =	stream.indirect_vreg.scatter [tilespmem:s15], [sflag:$0x1], $0x1, v17, vm3, $0xb8;
	[tilespmem:$0x1300] =	vst v63  }
0x190: {  	p1 =	por $0x1, $0x1;
	s18 =	simm.s32 $0x0;
	s17 =	simm.s32 $0x1180;
	v17 =	vld [tilespmem:s19+$0x0]  }
.LBB2_9:
0x191: {  	p2 =	sne.s32 s20, $0x1  }
0x192: {  	s18 =	sadd.s32 $0x10, s18  }
0x193: {  	v18 =	vor.u32 s18, v0  }
0x194: {  	vm4 =	vlt.s32 v18, v14  }
0x195: {  	v18 =	vsel vm4, v17, v13  }
0x196: {  	v19 =	vadd.s32 v16, v18;
	v17 =	vadd.s32 v12, v18  }
0x197: {  	v20 =	vshrl.u32 v19, $0x13;
	v19 =	vshll.u32 v19, $0xD  }
0x198: {  	v18 =	vadd.s32 v15, v18;
	v19 =	vor.u32 v20, v19  }
0x199: {  	v19 =	vxor.u32 v18, v19  }
0x19a: {  	v20 =	vshrl.u32 v19, $0x11;
	v21 =	vshll.u32 v19, $0xF  }
0x19b: {  	v18 =	vadd.s32 v18, v19;
	v19 =	vor.u32 v20, v21  }
0x19c: {  	v19 =	vxor.u32 v18, v19  }
0x19d: {  	v20 =	vshrl.u32 v19, $0x6;
	v21 =	vshll.u32 v19, $0x1A  }
0x19e: {  	v18 =	vadd.s32 v18, v19;
	v19 =	vor.u32 v20, v21  }
0x19f: {  	v19 =	vxor.u32 v18, v19  }
0x1a0: {  	v20 =	vshrl.u32 v19, $0x1A;
	v21 =	vshll.u32 v19, $0x6  }
0x1a1: {  	v18 =	vadd.s32 v18, v19;
	v19 =	vor.u32 v20, v21  }
0x1a2: {  	v19 =	vxor.u32 v18, v19  }
0x1a3: {  	v19 =	vadd.s32 $0xD260ABC9, v19  }
0x1a4: {  	v18 =	vadd.s32 v19, v18;
	v20 =	vshrl.u32 v19, $0xF;
	v19 =	vshll.u32 v19, $0x11  }
0x1a5: {  	v18 =	vadd.s32 $0x45A3D6BE, v18;
	v19 =	vor.u32 v20, v19  }
0x1a6: {  	v19 =	vxor.u32 v18, v19  }
0x1a7: {  	v20 =	vshrl.u32 v19, $0x3;
	v21 =	vshll.u32 v19, $0x1D  }
0x1a8: {  	v18 =	vadd.s32 v18, v19;
	v19 =	vor.u32 v20, v21  }
0x1a9: {  	v19 =	vxor.u32 v18, v19  }
0x1aa: {  	v18 =	vadd.s32 v18, v19;
	v20 =	vshrl.u32 v19, $0x10;
	v19 =	vshll.u32 v19, $0x10  }
0x1ab: {  	v19 =	vor.u32 v20, v19  }
0x1ac: {  	v19 =	vxor.u32 v18, v19  }
0x1ad: {  	v18 =	vadd.s32 v18, v19;
	v20 =	vshrl.u32 v19, $0x8;
	v19 =	vshll.u32 v19, $0x18  }
0x1ae: {  	v19 =	vor.u32 v20, v19  }
0x1af: {  	v19 =	vxor.u32 v18, v19  }
0x1b0: {  	v19 =	vadd.s32 $0x8C1266AE, v19  }
0x1b1: {  	v18 =	vadd.s32 v19, v18;
	v20 =	vshrl.u32 v19, $0x13;
	v19 =	vshll.u32 v19, $0xD  }
0x1b2: {  	v18 =	vadd.s32 $0xD260ABC8, v18;
	v19 =	vor.u32 v20, v19  }
0x1b3: {  	v19 =	vxor.u32 v18, v19  }
0x1b4: {  	v18 =	vadd.s32 v18, v19;
	v20 =	vshrl.u32 v19, $0x11;
	v19 =	vshll.u32 v19, $0xF  }
0x1b5: {  	v19 =	vor.u32 v20, v19  }
0x1b6: {  	v19 =	vxor.u32 v18, v19  }
0x1b7: {  	v18 =	vadd.s32 v18, v19;
	v20 =	vshrl.u32 v19, $0x6;
	v19 =	vshll.u32 v19, $0x1A  }
0x1b8: {  	v19 =	vor.u32 v20, v19  }
0x1b9: {  	v19 =	vxor.u32 v18, v19  }
0x1ba: {  	v18 =	vadd.s32 v18, v19;
	v20 =	vshrl.u32 v19, $0x1A;
	v19 =	vshll.u32 v19, $0x6  }
0x1bb: {  	v19 =	vor.u32 v20, v19  }
0x1bc: {  	v19 =	vxor.u32 v18, v19  }
0x1bd: {  	v19 =	vadd.s32 $0x45A3D6C1, v19  }
0x1be: {  	v18 =	vadd.s32 v19, v18;
	v20 =	vshrl.u32 v19, $0xF;
	v19 =	vshll.u32 v19, $0x11  }
0x1bf: {  	v18 =	vadd.s32 $0x8C1266AC, v18;
	v19 =	vor.u32 v20, v19  }
0x1c0: {  	v19 =	vxor.u32 v18, v19  }
0x1c1: {  	v18 =	vadd.s32 v18, v19;
	v20 =	vshrl.u32 v19, $0x3;
	v19 =	vshll.u32 v19, $0x1D  }
0x1c2: {  	v19 =	vor.u32 v20, v19  }
0x1c3: {  	v19 =	vxor.u32 v18, v19  }
0x1c4: {  	v18 =	vadd.s32 v18, v19;
	v20 =	vshrl.u32 v19, $0x10;
	v19 =	vshll.u32 v19, $0x10  }
0x1c5: {  	v19 =	vor.u32 v20, v19  }
0x1c6: {  	v19 =	vxor.u32 v18, v19  }
0x1c7: {  	v18 =	vadd.s32 v18, v19;
	v20 =	vshrl.u32 v19, $0x8;
	v19 =	vshll.u32 v19, $0x18  }
0x1c8: {  	v19 =	vor.u32 v20, v19  }
0x1c9: {  	v19 =	vxor.u32 v18, v19  }
0x1ca: {  	v19 =	vadd.s32 $0xD260ABCC, v19  }
0x1cb: {  	v18 =	vadd.s32 v19, v18;
	v20 =	vshrl.u32 v19, $0x13;
	v19 =	vshll.u32 v19, $0xD  }
0x1cc: {  	v18 =	vadd.s32 $0x45A3D6BE, v18;
	v19 =	vor.u32 v20, v19  }
0x1cd: {  	v19 =	vxor.u32 v18, v19  }
0x1ce: {  	v18 =	vadd.s32 v18, v19;
	v20 =	vshrl.u32 v19, $0x11;
	v19 =	vshll.u32 v19, $0xF  }
0x1cf: {  	v19 =	vor.u32 v20, v19  }
0x1d0: {  	v19 =	vxor.u32 v18, v19  }
0x1d1: {  	v18 =	vadd.s32 v18, v19;
	v20 =	vshrl.u32 v19, $0x6;
	v19 =	vshll.u32 v19, $0x1A  }
0x1d2: {  	v19 =	vor.u32 v20, v19  }
0x1d3: {  	v19 =	vxor.u32 v18, v19  }
0x1d4: {  	v18 =	vadd.s32 v18, v19;
	v20 =	vshrl.u32 v19, $0x1A;
	v19 =	vshll.u32 v19, $0x6  }
0x1d5: {  	v19 =	vor.u32 v20, v19  }
0x1d6: {  	v19 =	vxor.u32 v18, v19  }
0x1d7: {  	v18 =	vadd.s32 $0xD260ABC8, v18;
	v19 =	vadd.s32 $0x8C1266B1, v19  }
0x1d8: {  	v18 =	vxor.u32 v18, v19  }
0x1d9: {  	v19 =	vcvt.s32.f32 v18;
	vm4 =	vlt.s32 v18, $0x0  }
0x1da: {  	v20 =	vsel vm4, $0x4F800000, v10  }
0x1db: {  	v19 =	vadd.f32 v19, v20;
	_ =	sdelay $0x1  }
0x1dc: {  	v19 =	vmul.f32 $1.000029990e-05, v19;
	_ =	sdelay $0x1  }
0x1dd: {  	v19 =	vtrunc.f32 v19  }
0x1de: {  	v19 =	vcvt.f32.s32 v19;
	_ =	sdelay $0x1  }
0x1df: {  	v19 =	vmul.u32 $0xFFFE7963, v19;
	_ =	sdelay $0x1  }
0x1e0: {  	v18 =	vadd.s32 v18, v19  }
0x1e1: {  	v19 =	vshra.s32 v18, $0x1F  }
0x1e2: {  	v19 =	vand.u32 $0x1869D, v19  }
0x1e3: {  	v18 =	vadd.s32 v18, v19  }
0x1e4: {  	vm4 =	vlt.s32 v18, $0x1869D  }
.Ltmp8:
0x1e5: {  	v19 =	vsel vm4, $0x0, v11;
	(pc) =	sbr.rel @p2 .LBB2_9-.Ltmp8, $4  }
0x1e6: {  	v18 =	vadd.s32 v19, v18  }
0x1e7: {  	s19 =	sadd.s32 $0x10, s19;
	s17 =	sadd.s32 $0x10, s17;
	v18 =	vadd.s32 $0x3, v18  }
0x1e8: {  	[tilespmem:s17+$0x0] =	vst v18;
	[hbm4b:s5+s4] =	stream.indirect_vreg.scatter [tilespmem:s17], [sflag:$0x1], $0x1, v17, vm3, $0xb8  }
0x1e9: {  	s20 =	sadd.s32 $0xFFFFFFFF, s20;
	v17 =	vld [tilespmem:s19+$0x0]  }
.LBB2_10:
0x1ea: {  	s18 =	sadd.s32 @p1 $0x10, s18  }
0x1eb: {  	s16 =	smov.u32 @p1 s18  }
0x1ec: {  	v18 =	vor.u32 s16, v0  }
0x1ed: {  	vm3 =	vlt.s32 v18, v14  }
0x1ee: {  	v13 =	vsel vm3, v17, v13  }
0x1ef: {  	v56 =	vadd.s32 v16, v13  }
0x1f0: {  	v16 =	vshrl.u32 v56, $0x13;
	v14 =	vshll.u32 v56, $0xD  }
0x1f1: {  	v15 =	vadd.s32 v15, v13;
	v14 =	vor.u32 v16, v14  }
0x1f2: {  	v14 =	vxor.u32 v15, v14  }
0x1f3: {  	v57 =	vshrl.u32 v14, $0x11;
	v58 =	vshll.u32 v14, $0xF  }
0x1f4: {  	v14 =	vadd.s32 v15, v14;
	v59 =	vor.u32 v57, v58  }
0x1f5: {  	v15 =	vxor.u32 v14, v59  }
0x1f6: {  	v60 =	vshrl.u32 v15, $0x6;
	v61 =	vshll.u32 v15, $0x1A  }
0x1f7: {  	v14 =	vadd.s32 v14, v15;
	v62 =	vor.u32 v60, v61  }
0x1f8: {  	v15 =	vxor.u32 v14, v62  }
0x1f9: {  	v63 =	vshrl.u32 v15, $0x1A;
	v20 =	vshll.u32 v15, $0x6  }
0x1fa: {  	v14 =	vadd.s32 v14, v15;
	v21 =	vor.u32 v63, v20  }
0x1fb: {  	v15 =	vxor.u32 v14, v21  }
0x1fc: {  	v15 =	vadd.s32 $0xD260ABC9, v15  }
0x1fd: {  	v14 =	vadd.s32 v15, v14;
	v22 =	vshrl.u32 v15, $0xF;
	v15 =	vshll.u32 v15, $0x11  }
0x1fe: {  	v14 =	vadd.s32 $0x45A3D6BE, v14;
	v15 =	vor.u32 v22, v15  }
0x1ff: {  	v15 =	vxor.u32 v14, v15  }
0x200: {  	v23 =	vshrl.u32 v15, $0x3;
	v24 =	vshll.u32 v15, $0x1D  }
0x201: {  	v14 =	vadd.s32 v14, v15;
	v25 =	vor.u32 v23, v24  }
0x202: {  	v15 =	vxor.u32 v14, v25  }
0x203: {  	v26 =	vshrl.u32 v15, $0x10;
	v27 =	vshll.u32 v15, $0x10  }
0x204: {  	v14 =	vadd.s32 v14, v15;
	v28 =	vor.u32 v26, v27  }
0x205: {  	v15 =	vxor.u32 v14, v28  }
0x206: {  	v29 =	vshrl.u32 v15, $0x8;
	v30 =	vshll.u32 v15, $0x18  }
0x207: {  	v14 =	vadd.s32 v14, v15;
	v31 =	vor.u32 v29, v30  }
0x208: {  	v15 =	vxor.u32 v14, v31  }
0x209: {  	v15 =	vadd.s32 $0x8C1266AE, v15  }
0x20a: {  	v14 =	vadd.s32 v15, v14;
	v32 =	vshrl.u32 v15, $0x13;
	v15 =	vshll.u32 v15, $0xD  }
0x20b: {  	v14 =	vadd.s32 $0xD260ABC8, v14;
	v15 =	vor.u32 v32, v15  }
0x20c: {  	v15 =	vxor.u32 v14, v15  }
0x20d: {  	v33 =	vshrl.u32 v15, $0x11;
	v34 =	vshll.u32 v15, $0xF  }
0x20e: {  	v14 =	vadd.s32 v14, v15;
	v35 =	vor.u32 v33, v34  }
0x20f: {  	v15 =	vxor.u32 v14, v35  }
0x210: {  	v36 =	vshrl.u32 v15, $0x6;
	v37 =	vshll.u32 v15, $0x1A  }
0x211: {  	v14 =	vadd.s32 v14, v15;
	v38 =	vor.u32 v36, v37  }
0x212: {  	v15 =	vxor.u32 v14, v38  }
0x213: {  	v39 =	vshrl.u32 v15, $0x1A;
	v40 =	vshll.u32 v15, $0x6  }
0x214: {  	v14 =	vadd.s32 v14, v15;
	v41 =	vor.u32 v39, v40  }
0x215: {  	v15 =	vxor.u32 v14, v41  }
0x216: {  	v15 =	vadd.s32 $0x45A3D6C1, v15  }
0x217: {  	v14 =	vadd.s32 v15, v14;
	v42 =	vshrl.u32 v15, $0xF;
	v15 =	vshll.u32 v15, $0x11  }
0x218: {  	v14 =	vadd.s32 $0x8C1266AC, v14;
	v15 =	vor.u32 v42, v15  }
0x219: {  	v15 =	vxor.u32 v14, v15  }
0x21a: {  	v43 =	vshrl.u32 v15, $0x3;
	v44 =	vshll.u32 v15, $0x1D  }
0x21b: {  	v14 =	vadd.s32 v14, v15;
	v45 =	vor.u32 v43, v44  }
0x21c: {  	v15 =	vxor.u32 v14, v45  }
0x21d: {  	v46 =	vshrl.u32 v15, $0x10;
	v47 =	vshll.u32 v15, $0x10  }
0x21e: {  	v14 =	vadd.s32 v14, v15;
	v48 =	vor.u32 v46, v47  }
0x21f: {  	v15 =	vxor.u32 v14, v48  }
0x220: {  	v49 =	vshrl.u32 v15, $0x8;
	v50 =	vshll.u32 v15, $0x18  }
0x221: {  	v14 =	vadd.s32 v14, v15;
	v51 =	vor.u32 v49, v50  }
0x222: {  	v15 =	vxor.u32 v14, v51  }
0x223: {  	v15 =	vadd.s32 $0xD260ABCC, v15  }
0x224: {  	v14 =	vadd.s32 v15, v14;
	v52 =	vshrl.u32 v15, $0x13;
	v15 =	vshll.u32 v15, $0xD  }
0x225: {  	v14 =	vadd.s32 $0x45A3D6BE, v14;
	v15 =	vor.u32 v52, v15  }
0x226: {  	v15 =	vxor.u32 v14, v15  }
0x227: {  	v53 =	vshrl.u32 v15, $0x11;
	v54 =	vshll.u32 v15, $0xF  }
0x228: {  	v14 =	vadd.s32 v14, v15;
	v55 =	vor.u32 v53, v54  }
0x229: {  	v15 =	vxor.u32 v14, v55  }
0x22a: {  	v56 =	vshrl.u32 v15, $0x6;
	v57 =	vshll.u32 v15, $0x1A  }
0x22b: {  	v14 =	vadd.s32 v14, v15;
	v58 =	vor.u32 v56, v57  }
0x22c: {  	v15 =	vxor.u32 v14, v58  }
0x22d: {  	v59 =	vshrl.u32 v15, $0x1A;
	v60 =	vshll.u32 v15, $0x6  }
0x22e: {  	v14 =	vadd.s32 v14, v15;
	v61 =	vor.u32 v59, v60  }
0x22f: {  	v15 =	vxor.u32 v14, v61  }
0x230: {  	v14 =	vadd.s32 $0xD260ABC8, v14;
	v15 =	vadd.s32 $0x8C1266B1, v15  }
0x231: {  	v14 =	vxor.u32 v14, v15  }
0x232: {  	v15 =	vcvt.s32.f32 v14;
	vm3 =	vlt.s32 v14, $0x0  }
0x233: {  	v62 =	vsel vm3, $0x4F800000, v10  }
0x234: {  	v15 =	vadd.f32 v15, v62;
	_ =	sdelay $0x1  }
0x235: {  	v15 =	vmul.f32 $1.000029990e-05, v15;
	_ =	sdelay $0x1  }
0x236: {  	v15 =	vtrunc.f32 v15  }
0x237: {  	v15 =	vcvt.f32.s32 v15;
	_ =	sdelay $0x1  }
0x238: {  	v15 =	vmul.u32 $0xFFFE7963, v15;
	_ =	sdelay $0x1  }
0x239: {  	v14 =	vadd.s32 v14, v15  }
0x23a: {  	v15 =	vshra.s32 v14, $0x1F  }
0x23b: {  	v15 =	vand.u32 $0x1869D, v15  }
0x23c: {  	v14 =	vadd.s32 v14, v15  }
0x23d: {  	v12 =	vadd.s32 v12, v13;
	vm3 =	vlt.s32 v14, $0x1869D  }
0x23e: {  	v63 =	vsel vm3, $0x0, v11  }
0x23f: {  	s16 =	sadd.s32 @p1 $0x10, s17;
	v13 =	vadd.s32 v63, v14  }
.Ltmp9:
0x240: {  	s15 =	smov.u32 @p1 s16;
	v13 =	vadd.s32 $0x3, v13;
	(pc) =	sbr.rel @!p0 .LBB2_12-.Ltmp9, $4  }
0x241: {  	vm3 =	vmmov $0xffff;
	[tilespmem:s15+$0x0] =	vst v13  }
0x242: {  	[hbm4b:s5+s4] =	stream.indirect_vreg.scatter [tilespmem:s15], [sflag:$0x1], $0x1, v12, vm3, $0xb8;
	[tilespmem:$0x1300] =	vst v63  }
0x243: {  	_ =	swait.ge [sflag:s10], $0x10  }
0x244: {  	[sflag:s10] =	ssyncset.done $0x0  }
.LBB2_11:
0x245: {  	p0 =	sne.s32 s14, $0x1;
	s14 =	sadd.s32 $0xFFFFFFFF, s14;
	[sflag:s10] =	ssyncadd.s32 $0xFFFFFFF0  }
.Ltmp10:
0x246: {  	(pc) =	sbr.rel @p0 .LBB2_11-.Ltmp10, $3  }
0x247: {  	_ =	sdelay $0x1  }
0x248: {  	_ =	swait.ge [sflag:s10], $0x10  }
0x249: {  	[sflag:s10] =	ssyncset.done $0x0  }
.Ltmp11:
0x24a: {  	_ = 	snop;
	(pc) =	sbr.rel .LBB2_12-.Ltmp11, $1  }
0x24b: {  	_ =	sdelay $0x3  }
.LBB2_6:
.Ltmp12:
0x24c: {  	(pc) =	sbr.rel .LBB2_10-.Ltmp12, $2  }
0x24d: {  	_ =	sdelay $0x2  }
0x24e: {  	s18 =	simm.s32 $0x0;
	s17 =	simm.s32 $0x1180  }
.LBB2_8:
.Ltmp13:
0x24f: {  	(pc) =	sbr.rel .LBB2_10-.Ltmp13, $2  }
0x250: {  	_ =	sdelay $0x2  }
0x251: {  	s18 =	simm.s32 $0x0;
	s17 =	simm.s32 $0x1180  }
.LBB2_15:
0x252: {  	_ =	sfence.sel $0x180000  }
0x253: {  	[bflag:$0x0] =	sbarrier.arrive $0xFFFF  }
0x254: {  	p0 =	sne.s32 s0, $0x0;
	_ =	strace $0x90000047  }
0x255: {  	s0 =	sadd.s32 @!p0 $0x100000, s2;
	[bflag:$0x2] =	sbarrier.arrive $0xFFFF  }
0x256: {  	[sflag:s0] =	ssyncadd.tile.s32 @!p0 $0x1;
	_ =	shalt  }
.Lfunc_end2:
_tile_overlayer_lowered:
.L_overlay_start_2:
0x257: {  	(tag) =	ssettag $0x2  }
0x258: {  	s0 =	rddreg [dreg:$0x0];
	s2 =	stileid.u32  }
0x259: {  	s1 =	rddreg [dreg:$0x1];
	p0 =	sne.s32 s2, $0x0  }
0x25a: {  	s3 =	rddreg [dreg:$0x2];
	[bflag:$0x3] =	sbarrier.arrive $0xFFFF;
	s2 =	simm.s32 @!p0 $0x1C02  }
0x25b: {  	[timem:s3], [sflag:s2] =	dma.local @!p0 [hbm:s0], s1  }
0x25c: {  	s0 =	simm.s32 @!p0 $0x2  }
0x25d: {  	_ =	swait.ge @!p0 [sflag:s0], s1  }
0x25e: {  	s1 =	ssub.s32 @!p0 $0x0, s1;
	[sflag:s0] =	ssyncset.done @!p0 $0x0  }
0x25f: {  	[sflag:s0] =	ssyncadd.s32 @!p0 s1  }
0x260: {  	[bflag:$0x3] =	sbarrier.arrive $0xFFFF  }
0x261: {  	_ =	shalt  }

</sc_bundles>
